<compile_context>
chip_gen: v7x
topology: tpu7x:2x2x1
jax: 0.10.2.dev20260603
libtpu: 0.0.44.dev20260713+nightly
codegen_flags: <defaults>
</compile_context>

<pallas_src>
import jax
import jax.numpy as jnp
from jax import lax
from jax.experimental import pallas as pl
from jax.experimental.pallas import tpu as pltpu
from jax.experimental.pallas import tpu_sc as plsc

N = 320000
D = 128
S = 10000

SB = 128
SBLOG = 7
CR = 4352
NB = (S + SB - 1) // SB
SPAD = NB * SB

NC = 2
NS = 16
NW = NC * NS
PT = N // NW
FP = 128

_NEG = float("-inf")


def _offs_scan_body(idx_hbm, fp_hbm, idxv, pvbuf, fp):
    wid = lax.axis_index("s") * NC + lax.axis_index("c")
    base = wid * PT
    pltpu.sync_copy(idx_hbm.at[pl.ds(pl.multiple_of(base, 8), PT)], idxv)
    pv_off = pl.multiple_of(jnp.maximum(base - 16, 0), 8)
    pltpu.sync_copy(idx_hbm.at[pl.ds(pv_off, 16)], pvbuf)
    for j in range(FP // 16):
        fp[pl.ds(j * 16, 16)] = jnp.full((16,), N, jnp.int32)
    prev0 = jnp.where(wid == 0, -1, pvbuf[...][15] >> SBLOG)
    ii = lax.iota(jnp.int32, 16)
    rotidx = (ii + 15) % 16

    def body(k, prev):
        v = idxv[pl.ds(k * 16, 16)]
        b = v >> SBLOG
        rot = b.at[rotidx].get(mode="promise_in_bounds")
        rot0 = jnp.where(ii == 0, prev, rot)
        mask = b != rot0
        pos = base + k * 16 + ii
        plsc.store_scatter(fp, [b], pos, mask=mask)
        return b[15]

    lax.fori_loop(0, PT // 16, body, prev0)
    pltpu.sync_copy(fp, fp_hbm.at[wid])


def _offs_merge_body(fp_hbm, offs_hbm, loc, res):
    wid = lax.axis_index("s") * NC + lax.axis_index("c")

    @pl.when(wid == 0)
    def _():
        pltpu.sync_copy(fp_hbm, loc)
        carry = jnp.int32(N)
        for j in range(FP // 16 - 1, -1, -1):
            m = loc[0, pl.ds(j * 16, 16)]
            for t in range(1, NW):
                m = jnp.minimum(m, loc[t, pl.ds(j * 16, 16)])
            cm = plsc.cummax(jnp.negative(lax.rev(m, (0,))))
            sm = lax.rev(jnp.negative(cm), (0,))
            s = jnp.minimum(sm, carry)
            res[pl.ds(j * 16, 16)] = s
            carry = s[0]
        pltpu.sync_copy(res, offs_hbm)


def _sc_offsets(idx1d):
    mesh = plsc.VectorSubcoreMesh(core_axis_name="c", subcore_axis_name="s")
    cp = pltpu.CompilerParams(needs_layout_passes=False)
    fp_all = pl.kernel(
        _offs_scan_body,
        out_type=jax.ShapeDtypeStruct((NW, FP), jnp.int32),
        mesh=mesh,
        compiler_params=cp,
        scratch_types=[
            pltpu.VMEM((PT,), jnp.int32),
            pltpu.VMEM((16,), jnp.int32),
            pltpu.VMEM((FP,), jnp.int32),
        ],
    )(idx1d)
    offs = pl.kernel(
        _offs_merge_body,
        out_type=jax.ShapeDtypeStruct((FP,), jnp.int32),
        mesh=mesh,
        compiler_params=cp,
        scratch_types=[
            pltpu.VMEM((NW, FP), jnp.int32),
            pltpu.VMEM((FP,), jnp.int32),
        ],
    )(fp_all)
    return offs[:NB + 1]


def _pool_body(offs_ref,
               idx_ref,
               x_ref,
               wg_ref,
               zn_ref,
               beta_ref,
               xbuf, ibuf, ssum, sem_x, sem_i):
    b = pl.program_id(0)
    start = offs_ref[b]
    end = offs_ref[b + 1]
    n = end - start

    zn_ref[...] = jnp.zeros((SB, D), jnp.float32)
    ssum[...] = jnp.zeros((SB, 1), jnp.float32)

    abase = (start >> 7) << 7
    nch = jnp.where(n > 0, jax.lax.div(end - abase + CR - 1, CR), 0)
    bank = jax.lax.rem(b, 2) * 4

    def mk_dma(abase_, c, slot):
        o = pl.multiple_of(jnp.minimum(abase_ + c * CR, N - CR), 128)
        return (
            pltpu.make_async_copy(x_ref.at[pl.ds(o, CR), :], xbuf.at[slot],
                                  sem_x.at[slot]),
            pltpu.make_async_copy(idx_ref.at[:, pl.ds(o, CR)], ibuf.at[slot],
                                  sem_i.at[slot]),
        )

    @pl.when(b == 0)
    def _():
        for k in range(3):
            @pl.when(k < nch)
            def _():
                for cp in mk_dma(abase, k, k):
                    cp.start()

    @pl.when(b + 1 < NB)
    def _():
        s2 = offs_ref[b + 1]
        e2 = offs_ref[b + 2]
        ab2 = (s2 >> 7) << 7
        nch2 = jnp.where(e2 > s2, jax.lax.div(e2 - ab2 + CR - 1, CR), 0)
        obank = 4 - bank
        for k in range(3):
            @pl.when(k < nch2)
            def _():
                for cp in mk_dma(ab2, k, obank + k):
                    cp.start()

    col = jax.lax.broadcasted_iota(jnp.int32, (1, CR), 1)

    def body(c, c_old):
        slot = bank + jax.lax.rem(c, 4)
        desired = abase + c * CR
        o = jnp.minimum(desired, N - CR)

        @pl.when(c + 3 < nch)
        def _():
            for cp in mk_dma(abase, c + 3, bank + jax.lax.rem(c + 3, 4)):
                cp.start()

        for cp in mk_dma(abase, c, slot):
            cp.wait()

        lo = jnp.maximum(start, desired) - o
        hi = jnp.minimum(end, desired + CR) - o
        xb = xbuf[slot]
        g = jnp.dot(xb, wg_ref[...], preferred_element_type=jnp.float32)
        gr = jnp.transpose(g)
        gr = jnp.where((col >= lo) & (col < hi), gr, _NEG)
        c_new = jnp.maximum(c_old, jnp.max(gr))
        scale = jnp.exp(c_old - c_new)
        e = jnp.exp(gr - c_new)

        l = ibuf[slot] - b * SB
        oh = l == jax.lax.broadcasted_iota(jnp.int32, (SB, 1), 0)
        ohe = jnp.where(oh, e, 0.0).astype(jnp.bfloat16)
        rhs = jnp.concatenate(
            [xb.astype(jnp.bfloat16), jnp.ones((CR, 1), jnp.bfloat16)],
            axis=1)
        acc = jnp.dot(ohe, rhs, preferred_element_type=jnp.float32)
        zn_ref[...] = zn_ref[...] * scale + acc[:, :D]
        ssum[...] = ssum[...] * scale + acc[:, D:]
        return c_new

    jax.lax.fori_loop(0, nch, body, jnp.float32(_NEG))

    s_col = ssum[...]
    beta_ref[...] = s_col / (s_col + 1e-10)
    zn_ref[...] = zn_ref[...] / (s_col + 1e-10)


def _msg_body(zn_ref, beta_ref, wm_ref, bm_ref, out_ref):
    out_ref[...] = (
        jnp.dot(zn_ref[...], wm_ref[...], preferred_element_type=jnp.float32)
        + beta_ref[...] * bm_ref[...])


@jax.jit
def kernel(x, index, Wg, bg, Wm, bm):
    idx1d = index.astype(jnp.int32)
    idx = idx1d.reshape(1, N)
    offs = _sc_offsets(idx1d)

    grid_spec = pltpu.PrefetchScalarGridSpec(
        num_scalar_prefetch=1,
        grid=(NB,),
        in_specs=[
            pl.BlockSpec(memory_space=pl.ANY),
            pl.BlockSpec(memory_space=pl.ANY),
            pl.BlockSpec((D, 1), lambda b, offs: (0, 0)),
        ],
        out_specs=[
            pl.BlockSpec((SB, D), lambda b, offs: (b, 0)),
            pl.BlockSpec((SB, 1), lambda b, offs: (b, 0)),
        ],
        scratch_shapes=[
            pltpu.VMEM((8, CR, D), jnp.float32),
            pltpu.VMEM((8, 1, CR), jnp.int32),
            pltpu.VMEM((SB, 1), jnp.float32),
            pltpu.SemaphoreType.DMA((8,)),
            pltpu.SemaphoreType.DMA((8,)),
        ],
    )
    zn, beta = pl.pallas_call(
        _pool_body,
        grid_spec=grid_spec,
        out_shape=[
            jax.ShapeDtypeStruct((SPAD, D), jnp.float32),
            jax.ShapeDtypeStruct((SPAD, 1), jnp.float32),
        ],
    )(offs, idx, x, Wg)

    out = pl.pallas_call(
        _msg_body,
        out_shape=jax.ShapeDtypeStruct((SPAD, D), jnp.float32),
    )(zn, beta, Wm, bm.reshape(1, D))
    return out[:S]

# --- scband reference (transcript-rebuilt; emitter-appended) ---
"""Pipeline reference for scband-attention-pooling-15848429322627 (READ-ONLY COPY).

The authoritative reference and input builder live on the scoring server;
editing this copy changes nothing except your own understanding.
"""

import jax, jax.numpy as jnp
import numpy as np

N = 320000
D = 128
S = 10000


def setup_inputs(seed: int = 0) -> dict:
    key = jax.random.key(seed)
    k1, k2, k3, k4 = jax.random.split(key, 4)
    x = jax.random.normal(k1, (N, D), dtype=jnp.float32)
    index = jnp.sort(jax.random.randint(k2, (N,), 0, S, dtype=jnp.int64))
    # gate_nn = Linear(128, 1)
    Wg = (jax.random.normal(k3, (D, 1), dtype=jnp.float32) * 0.05)
    bg = jnp.zeros((1,), dtype=jnp.float32)
    # message_nn = Linear(128, 128)
    Wm = (jax.random.normal(k4, (D, D), dtype=jnp.float32) * 0.05)
    bm = jnp.zeros((D,), dtype=jnp.float32)
    return {"x": x, "index": index, "Wg": Wg, "bg": bg, "Wm": Wm, "bm": bm}


def reference(x, index, Wg, bg, Wm, bm):
    # gate = gate_nn(x)
    gate = x @ Wg + bg  # [N, 1]
    # gate = gate - scatter_max(gate, index, dim=0)[0][index]
    gmax = jax.ops.segment_max(gate, index, num_segments=S)  # [S, 1]
    gate = gate - gmax[index]
    gate = jnp.exp(gate)
    # gate = gate / (scatter_add(gate, index, dim=0)[index] + 1e-10)
    gsum = jax.ops.segment_sum(gate, index, num_segments=S)  # [S, 1]
    gate = gate / (gsum[index] + 1e-10)
    # x = message_nn(x)
    msg = x @ Wm + bm  # [N, D]
    # out = scatter_add(gate * x, index, dim=0)
    out = jax.ops.segment_sum(gate * msg, index, num_segments=S)  # [S, D]
    return out

if __name__ == "__main__":
    import jax
    _d = setup_inputs()
    print(jax.jit(kernel)(*tuple(_d.values())))

</pallas_src>

<mosaic_0001>
#map = affine_map<(d0, d1) -> (0)>
#map1 = affine_map<(d0, d1) -> (0, 0)>
module attributes {stable_mosaic.version = 14 : i64} {
  func.func @_offs_scan_body(%arg0: i32, %arg1: i32, %arg2: memref<320000xi32, #tpu.memory_space<hbm>>, %arg3: memref<32x128xi32, #tpu.memory_space<hbm>>, %arg4: memref<10000xi32, #tpu.memory_space<vmem>>, %arg5: memref<16xi32, #tpu.memory_space<vmem>>, %arg6: memref<128xi32, #tpu.memory_space<vmem>>) attributes {dimension_semantics = [#tpu.dimension_semantics<core_parallel>, #tpu.dimension_semantics<subcore_parallel>], iteration_bounds = array<i64: 2, 16>, scalar_prefetch = 0 : i64, scratch_operands = 3 : i64, tpu.core_type = #tpu.core_type<sc_vector_subcore>, window_params = [{transform_indices = #map}, {transform_indices = #map1}]} {
    %mul3A = arith.constant 2 : i32
    %mul3A_0 = arith.muli %arg1, %mul3A : i32
    %add3A = arith.addi %mul3A_0, %arg0 : i32
    %mul3A_1 = arith.constant 10000 : i32
    %mul3A_2 = arith.muli %add3A, %mul3A_1 : i32
    %multiple_of3A = tpu.assume_multiple %mul3A_2, 8 : i32
    "tpu.region"() ({
      %run_scoped3A = tpu.sem_alloc : memref<!tpu.dma_semaphore, #tpu.memory_space<semaphore_mem>>
      %dma_start3A = tpu.memref_slice %arg2[%multiple_of3A] : memref<320000xi32, #tpu.memory_space<hbm>> -> memref<10000xi32, #tpu.memory_space<hbm>>
      %dma_start3A_65 = tpu.memref_slice %arg2[%multiple_of3A] : memref<320000xi32, #tpu.memory_space<hbm>> -> memref<10000xi32, #tpu.memory_space<hbm>>
      tpu.enqueue_dma source(%dma_start3A_65 : memref<10000xi32, #tpu.memory_space<hbm>>) target(%arg4 : memref<10000xi32, #tpu.memory_space<vmem>>) target_semaphore(%run_scoped3A : memref<!tpu.dma_semaphore, #tpu.memory_space<semaphore_mem>>)
      %dma_wait3A = tpu.memref_slice %arg2[%multiple_of3A] : memref<320000xi32, #tpu.memory_space<hbm>> -> memref<10000xi32, #tpu.memory_space<hbm>>
      %dma_wait3A_66 = tpu.memref_slice %arg2[%multiple_of3A] : memref<320000xi32, #tpu.memory_space<hbm>> -> memref<10000xi32, #tpu.memory_space<hbm>>
      tpu.wait_dma2 semaphore(%run_scoped3A : memref<!tpu.dma_semaphore, #tpu.memory_space<semaphore_mem>>) src(%dma_wait3A_66 : memref<10000xi32, #tpu.memory_space<hbm>>) dst(%arg4 : memref<10000xi32, #tpu.memory_space<vmem>>)
      tpu.yield
    }) : () -> ()
    %sub3A = arith.constant 16 : i32
    %sub3A_3 = arith.subi %mul3A_2, %sub3A : i32
    %max3A = arith.constant 0 : i32
    %max3A_4 = arith.maxsi %sub3A_3, %max3A : i32
    %multiple_of3A_5 = tpu.assume_multiple %max3A_4, 8 : i32
    "tpu.region"() ({
      %run_scoped3A = tpu.sem_alloc : memref<!tpu.dma_semaphore, #tpu.memory_space<semaphore_mem>>
      %dma_start3A = tpu.memref_slice %arg2[%multiple_of3A_5] : memref<320000xi32, #tpu.memory_space<hbm>> -> memref<16xi32, #tpu.memory_space<hbm>>
      %dma_start3A_65 = tpu.memref_slice %arg2[%multiple_of3A_5] : memref<320000xi32, #tpu.memory_space<hbm>> -> memref<16xi32, #tpu.memory_space<hbm>>
      tpu.enqueue_dma source(%dma_start3A_65 : memref<16xi32, #tpu.memory_space<hbm>>) target(%arg5 : memref<16xi32, #tpu.memory_space<vmem>>) target_semaphore(%run_scoped3A : memref<!tpu.dma_semaphore, #tpu.memory_space<semaphore_mem>>)
      %dma_wait3A = tpu.memref_slice %arg2[%multiple_of3A_5] : memref<320000xi32, #tpu.memory_space<hbm>> -> memref<16xi32, #tpu.memory_space<hbm>>
      %dma_wait3A_66 = tpu.memref_slice %arg2[%multiple_of3A_5] : memref<320000xi32, #tpu.memory_space<hbm>> -> memref<16xi32, #tpu.memory_space<hbm>>
      tpu.wait_dma2 semaphore(%run_scoped3A : memref<!tpu.dma_semaphore, #tpu.memory_space<semaphore_mem>>) src(%dma_wait3A_66 : memref<16xi32, #tpu.memory_space<hbm>>) dst(%arg5 : memref<16xi32, #tpu.memory_space<vmem>>)
      tpu.yield
    }) : () -> ()
    %broadcast_in_dim3A = arith.constant 320000 : i32
    %broadcast_in_dim3A_6 = vector.broadcast %broadcast_in_dim3A : i32 to vector<16xi32>
    %swap3A = arith.constant 0 : index
    %swap3A_7 = tpu.vector_load %arg6[%swap3A] {strides = array<i32>} : memref<128xi32, #tpu.memory_space<vmem>>, vector<16xi32>,
    tpu.vector_store %arg6[%swap3A], %broadcast_in_dim3A_6 {strides = array<i32>} : memref<128xi32, #tpu.memory_space<vmem>>, vector<16xi32>,
    %broadcast_in_dim3A_8 = arith.constant 320000 : i32
    %broadcast_in_dim3A_9 = vector.broadcast %broadcast_in_dim3A_8 : i32 to vector<16xi32>
    %swap3A_10 = arith.constant 16 : index
    %swap3A_11 = tpu.vector_load %arg6[%swap3A_10] {strides = array<i32>} : memref<128xi32, #tpu.memory_space<vmem>>, vector<16xi32>,
    tpu.vector_store %arg6[%swap3A_10], %broadcast_in_dim3A_9 {strides = array<i32>} : memref<128xi32, #tpu.memory_space<vmem>>, vector<16xi32>,
    %broadcast_in_dim3A_12 = arith.constant 320000 : i32
    %broadcast_in_dim3A_13 = vector.broadcast %broadcast_in_dim3A_12 : i32 to vector<16xi32>
    %swap3A_14 = arith.constant 32 : index
    %swap3A_15 = tpu.vector_load %arg6[%swap3A_14] {strides = array<i32>} : memref<128xi32, #tpu.memory_space<vmem>>, vector<16xi32>,
    tpu.vector_store %arg6[%swap3A_14], %broadcast_in_dim3A_13 {strides = array<i32>} : memref<128xi32, #tpu.memory_space<vmem>>, vector<16xi32>,
    %broadcast_in_dim3A_16 = arith.constant 320000 : i32
    %broadcast_in_dim3A_17 = vector.broadcast %broadcast_in_dim3A_16 : i32 to vector<16xi32>
    %swap3A_18 = arith.constant 48 : index
    %swap3A_19 = tpu.vector_load %arg6[%swap3A_18] {strides = array<i32>} : memref<128xi32, #tpu.memory_space<vmem>>, vector<16xi32>,
    tpu.vector_store %arg6[%swap3A_18], %broadcast_in_dim3A_17 {strides = array<i32>} : memref<128xi32, #tpu.memory_space<vmem>>, vector<16xi32>,
    %broadcast_in_dim3A_20 = arith.constant 320000 : i32
    %broadcast_in_dim3A_21 = vector.broadcast %broadcast_in_dim3A_20 : i32 to vector<16xi32>
    %swap3A_22 = arith.constant 64 : index
    %swap3A_23 = tpu.vector_load %arg6[%swap3A_22] {strides = array<i32>} : memref<128xi32, #tpu.memory_space<vmem>>, vector<16xi32>,
    tpu.vector_store %arg6[%swap3A_22], %broadcast_in_dim3A_21 {strides = array<i32>} : memref<128xi32, #tpu.memory_space<vmem>>, vector<16xi32>,
    %broadcast_in_dim3A_24 = arith.constant 320000 : i32
    %broadcast_in_dim3A_25 = vector.broadcast %broadcast_in_dim3A_24 : i32 to vector<16xi32>
    %swap3A_26 = arith.constant 80 : index
    %swap3A_27 = tpu.vector_load %arg6[%swap3A_26] {strides = array<i32>} : memref<128xi32, #tpu.memory_space<vmem>>, vector<16xi32>,
    tpu.vector_store %arg6[%swap3A_26], %broadcast_in_dim3A_25 {strides = array<i32>} : memref<128xi32, #tpu.memory_space<vmem>>, vector<16xi32>,
    %broadcast_in_dim3A_28 = arith.constant 320000 : i32
    %broadcast_in_dim3A_29 = vector.broadcast %broadcast_in_dim3A_28 : i32 to vector<16xi32>
    %swap3A_30 = arith.constant 96 : index
    %swap3A_31 = tpu.vector_load %arg6[%swap3A_30] {strides = array<i32>} : memref<128xi32, #tpu.memory_space<vmem>>, vector<16xi32>,
    tpu.vector_store %arg6[%swap3A_30], %broadcast_in_dim3A_29 {strides = array<i32>} : memref<128xi32, #tpu.memory_space<vmem>>, vector<16xi32>,
    %broadcast_in_dim3A_32 = arith.constant 320000 : i32
    %broadcast_in_dim3A_33 = vector.broadcast %broadcast_in_dim3A_32 : i32 to vector<16xi32>
    %swap3A_34 = arith.constant 112 : index
    %swap3A_35 = tpu.vector_load %arg6[%swap3A_34] {strides = array<i32>} : memref<128xi32, #tpu.memory_space<vmem>>, vector<16xi32>,
    tpu.vector_store %arg6[%swap3A_34], %broadcast_in_dim3A_33 {strides = array<i32>} : memref<128xi32, #tpu.memory_space<vmem>>, vector<16xi32>,
    %eq3A = arith.constant 0 : i32
    %eq3A_36 = arith.cmpi eq, %add3A, %eq3A : i32
    %get3A = arith.constant 0 : index
    %get3A_37 = tpu.vector_load %arg5[%get3A] {strides = array<i32>} : memref<16xi32, #tpu.memory_space<vmem>>, vector<16xi32>,
    %slice3A = vector.extract_strided_slice %get3A_37 {offsets = [15], sizes = [1], strides = [1]} : vector<16xi32> to vector<1xi32>
    %squeeze3A = vector.extract %slice3A[0] : i32 from vector<1xi32>
    %shift_right_arithmetic3A = arith.constant 7 : i32
    %shift_right_arithmetic3A_38 = arith.shrsi %squeeze3A, %shift_right_arithmetic3A : i32
    %jit3A = arith.constant -1 : i32
    %select_n3A = arith.select %eq3A_36, %jit3A, %shift_right_arithmetic3A_38 : i32
    %iota3A = tpu.iota {dimensions = array<i32: 0>} : vector<16xi32>
    %add3A_39 = arith.constant 15 : i32
    %add3A_40 = vector.broadcast %add3A_39 : i32 to vector<16xi32>
    %add3A_41 = arith.addi %iota3A, %add3A_40 : vector<16xi32>
    %jit3A_42 = arith.constant 16 : i32
    %eq3A_43 = arith.constant 0 : i32
    %eq3A_44 = arith.cmpi eq, %jit3A_42, %eq3A_43 : i32
    %jit3A_45 = arith.constant 1 : i32
    %select_n3A_46 = arith.select %eq3A_44, %jit3A_45, %jit3A_42 : i32
    %rem3A = vector.broadcast %select_n3A_46 : i32 to vector<16xi32>
    %rem3A_47 = arith.remsi %add3A_41, %rem3A : vector<16xi32>
    %ne3A = arith.constant 0 : i32
    %ne3A_48 = vector.broadcast %ne3A : i32 to vector<16xi32>
    %ne3A_49 = arith.cmpi ne, %rem3A_47, %ne3A_48 : vector<16xi32>
    %lt3A = arith.constant 0 : i32
    %lt3A_50 = vector.broadcast %lt3A : i32 to vector<16xi32>
    %lt3A_51 = arith.cmpi slt, %rem3A_47, %lt3A_50 : vector<16xi32>
    %lt3A_52 = arith.constant 0 : i32
    %lt3A_53 = arith.cmpi slt, %select_n3A_46, %lt3A_52 : i32
    %ne3A_54 = vector.broadcast %lt3A_53 : i1 to vector<16xi1>
    %ne3A_55 = vector.broadcast %ne3A_54 : vector<16xi1> to vector<16xi1>
    %ne3A_56 = arith.xori %lt3A_51, %ne3A_55 : vector<16xi1>
    %and3A = arith.andi %ne3A_56, %ne3A_49 : vector<16xi1>
    %add3A_57 = vector.broadcast %select_n3A_46 : i32 to vector<16xi32>
    %add3A_58 = arith.addi %rem3A_47, %add3A_57 : vector<16xi32>
    %select_n3A_59 = arith.select %and3A, %add3A_58, %rem3A_47 : vector<16xi1>, vector<16xi32>
    %scan3A = arith.constant 0 : i32
    %scan3A_60 = arith.constant 625 : i32
    %scan3A_61 = arith.addi %scan3A, %scan3A_60 : i32
    %scan3A_62 = arith.constant 1 : i32
    %scan3A_63 = scf.for %scan3A_65 = %scan3A to %scan3A_61 step %scan3A_62 iter_args(%scan3A_66 = %select_n3A) -> (i32)  : i32 {
      %mul3A_67 = arith.constant 16 : i32
      %mul3A_68 = arith.muli %scan3A_65, %mul3A_67 : i32
      %get3A_69 = arith.index_cast %mul3A_68 : i32 to index
      %get3A_70 = tpu.vector_load %arg4[%get3A_69] {strides = array<i32>} : memref<10000xi32, #tpu.memory_space<vmem>>, vector<16xi32>,
      %shift_right_arithmetic3A_71 = arith.constant 7 : i32
      %shift_right_arithmetic3A_72 = vector.broadcast %shift_right_arithmetic3A_71 : i32 to vector<16xi32>
      %shift_right_arithmetic3A_73 = arith.shrsi %get3A_70, %shift_right_arithmetic3A_72 : vector<16xi32>
      %lt3A_74 = arith.constant 0 : i32
      %lt3A_75 = vector.broadcast %lt3A_74 : i32 to vector<16xi32>
      %lt3A_76 = arith.cmpi slt, %select_n3A_59, %lt3A_75 : vector<16xi32>
      %add3A_77 = arith.constant 16 : i32
      %add3A_78 = vector.broadcast %add3A_77 : i32 to vector<16xi32>
      %add3A_79 = arith.addi %select_n3A_59, %add3A_78 : vector<16xi32>
      %select_n3A_80 = arith.select %lt3A_76, %add3A_79, %select_n3A_59 : vector<16xi1>, vector<16xi32>
      %broadcast_in_dim3A_81 = vector.shape_cast %select_n3A_80 : vector<16xi32> to vector<16x1xi32>
      %gather3A = vector.shape_cast %broadcast_in_dim3A_81 : vector<16x1xi32> to vector<16xi32>
      %gather3A_82 = tpu.dynamic_gather %shift_right_arithmetic3A_73[%gather3A] in [0] : vector<16xi32>, vector<16xi32> -> vector<16xi32>
      %eq3A_83 = arith.constant 0 : i32
      %eq3A_84 = vector.broadcast %eq3A_83 : i32 to vector<16xi32>
      %eq3A_85 = arith.cmpi eq, %iota3A, %eq3A_84 : vector<16xi32>
      %broadcast_in_dim3A_86 = vector.broadcast %scan3A_66 : i32 to vector<16xi32>
      %select_n3A_87 = arith.select %eq3A_85, %broadcast_in_dim3A_86, %gather3A_82 : vector<16xi1>, vector<16xi32>
      %ne3A_88 = arith.cmpi ne, %shift_right_arithmetic3A_73, %select_n3A_87 : vector<16xi32>
      %mul3A_89 = arith.constant 16 : i32
      %mul3A_90 = arith.muli %scan3A_65, %mul3A_89 : i32
      %add3A_91 = arith.addi %mul3A_2, %mul3A_90 : i32
      %add3A_92 = vector.broadcast %add3A_91 : i32 to vector<16xi32>
      %add3A_93 = arith.addi %add3A_92, %iota3A : vector<16xi32>
      tpu.vector_store_idx %arg6[%shift_right_arithmetic3A_73], %add3A_93 masked %ne3A_88 : memref<128xi32, #tpu.memory_space<vmem>>[vector<16xi32>], vector<16xi32>, vector<16xi1>
      %slice3A_94 = vector.extract_strided_slice %shift_right_arithmetic3A_73 {offsets = [15], sizes = [1], strides = [1]} : vector<16xi32> to vector<1xi32>
      %squeeze3A_95 = vector.extract %slice3A_94[0] : i32 from vector<1xi32>
      scf.yield %squeeze3A_95 : i32
    }
    %scan3A_64 = arith.constant 625 : i32
    "tpu.region"() ({
      %run_scoped3A = tpu.sem_alloc : memref<!tpu.dma_semaphore, #tpu.memory_space<semaphore_mem>>
      %dma_start3A = arith.constant 0 : i32
      %dma_start3A_65 = tpu.memref_slice %arg3[%add3A, %dma_start3A] : memref<32x128xi32, #tpu.memory_space<hbm>> -> memref<1x128xi32, #tpu.memory_space<hbm>>
      %dma_start3A_66 = tpu.memref_squeeze %dma_start3A_65 : memref<1x128xi32, #tpu.memory_space<hbm>> -> memref<128xi32, #tpu.memory_space<hbm>>
      %dma_start3A_67 = arith.constant 0 : i32
      %dma_start3A_68 = tpu.memref_slice %arg3[%add3A, %dma_start3A_67] : memref<32x128xi32, #tpu.memory_space<hbm>> -> memref<1x128xi32, #tpu.memory_space<hbm>>
      %dma_start3A_69 = tpu.memref_squeeze %dma_start3A_68 : memref<1x128xi32, #tpu.memory_space<hbm>> -> memref<128xi32, #tpu.memory_space<hbm>>
      tpu.enqueue_dma source(%arg6 : memref<128xi32, #tpu.memory_space<vmem>>) target(%dma_start3A_69 : memref<128xi32, #tpu.memory_space<hbm>>) target_semaphore(%run_scoped3A : memref<!tpu.dma_semaphore, #tpu.memory_space<semaphore_mem>>)
      %dma_wait3A = arith.constant 0 : i32
      %dma_wait3A_70 = tpu.memref_slice %arg3[%add3A, %dma_wait3A] : memref<32x128xi32, #tpu.memory_space<hbm>> -> memref<1x128xi32, #tpu.memory_space<hbm>>
      %dma_wait3A_71 = tpu.memref_squeeze %dma_wait3A_70 : memref<1x128xi32, #tpu.memory_space<hbm>> -> memref<128xi32, #tpu.memory_space<hbm>>
      %dma_wait3A_72 = arith.constant 0 : i32
      %dma_wait3A_73 = tpu.memref_slice %arg3[%add3A, %dma_wait3A_72] : memref<32x128xi32, #tpu.memory_space<hbm>> -> memref<1x128xi32, #tpu.memory_space<hbm>>
      %dma_wait3A_74 = tpu.memref_squeeze %dma_wait3A_73 : memref<1x128xi32, #tpu.memory_space<hbm>> -> memref<128xi32, #tpu.memory_space<hbm>>
      tpu.wait_dma2 semaphore(%run_scoped3A : memref<!tpu.dma_semaphore, #tpu.memory_space<semaphore_mem>>) src(%arg6 : memref<128xi32, #tpu.memory_space<vmem>>) dst(%dma_wait3A_74 : memref<128xi32, #tpu.memory_space<hbm>>)
      tpu.yield
    }) : () -> ()
    return
  }
}

#map = affine_map<(d0, d1) -> (0, 0)>
#map1 = affine_map<(d0, d1) -> (0)>
module attributes {stable_mosaic.version = 14 : i64} {
  func.func @_offs_merge_body(%arg0: i32, %arg1: i32, %arg2: memref<32x128xi32, #tpu.memory_space<hbm>>, %arg3: memref<128xi32, #tpu.memory_space<hbm>>, %arg4: memref<32x128xi32, #tpu.memory_space<vmem>>, %arg5: memref<128xi32, #tpu.memory_space<vmem>>) attributes {dimension_semantics = [#tpu.dimension_semantics<core_parallel>, #tpu.dimension_semantics<subcore_parallel>], iteration_bounds = array<i64: 2, 16>, scalar_prefetch = 0 : i64, scratch_operands = 2 : i64, tpu.core_type = #tpu.core_type<sc_vector_subcore>, window_params = [{transform_indices = #map}, {transform_indices = #map1}]} {
    %mul3A = arith.constant 2 : i32
    %mul3A_0 = arith.muli %arg1, %mul3A : i32
    %add3A = arith.addi %mul3A_0, %arg0 : i32
    %eq3A = arith.constant 0 : i32
    %eq3A_1 = arith.cmpi eq, %add3A, %eq3A : i32
    %convert_element_type3A = arith.extui %eq3A_1 : i1 to i32
    %cond3A = arith.constant 0 : i32
    %cond3A_2 = arith.cmpi ne, %convert_element_type3A, %cond3A : i32
    scf.if %cond3A_2 {
      "tpu.region"() ({
        %run_scoped3A = tpu.sem_alloc : memref<!tpu.dma_semaphore, #tpu.memory_space<semaphore_mem>>
        tpu.enqueue_dma source(%arg2 : memref<32x128xi32, #tpu.memory_space<hbm>>) target(%arg4 : memref<32x128xi32, #tpu.memory_space<vmem>>) target_semaphore(%run_scoped3A : memref<!tpu.dma_semaphore, #tpu.memory_space<semaphore_mem>>)
        tpu.wait_dma2 semaphore(%run_scoped3A : memref<!tpu.dma_semaphore, #tpu.memory_space<semaphore_mem>>) src(%arg2 : memref<32x128xi32, #tpu.memory_space<hbm>>) dst(%arg4 : memref<32x128xi32, #tpu.memory_space<vmem>>)
        tpu.yield
      }) : () -> ()
      %get3A = arith.constant 0 : i32
      %get3A_3 = arith.index_cast %get3A : i32 to index
      %get3A_4 = arith.constant 112 : index
      %get3A_5 = tpu.vector_load %arg4[%get3A_3, %get3A_4] {strides = array<i32>} : memref<32x128xi32, #tpu.memory_space<vmem>>, vector<16xi32>,
      %get3A_6 = arith.constant 1 : i32
      %get3A_7 = arith.index_cast %get3A_6 : i32 to index
      %get3A_8 = arith.constant 112 : index
      %get3A_9 = tpu.vector_load %arg4[%get3A_7, %get3A_8] {strides = array<i32>} : memref<32x128xi32, #tpu.memory_space<vmem>>, vector<16xi32>,
      %min3A = arith.minsi %get3A_5, %get3A_9 : vector<16xi32>
      %get3A_10 = arith.constant 2 : i32
      %get3A_11 = arith.index_cast %get3A_10 : i32 to index
      %get3A_12 = arith.constant 112 : index
      %get3A_13 = tpu.vector_load %arg4[%get3A_11, %get3A_12] {strides = array<i32>} : memref<32x128xi32, #tpu.memory_space<vmem>>, vector<16xi32>,
      %min3A_14 = arith.minsi %min3A, %get3A_13 : vector<16xi32>
      %get3A_15 = arith.constant 3 : i32
      %get3A_16 = arith.index_cast %get3A_15 : i32 to index
      %get3A_17 = arith.constant 112 : index
      %get3A_18 = tpu.vector_load %arg4[%get3A_16, %get3A_17] {strides = array<i32>} : memref<32x128xi32, #tpu.memory_space<vmem>>, vector<16xi32>,
      %min3A_19 = arith.minsi %min3A_14, %get3A_18 : vector<16xi32>
      %get3A_20 = arith.constant 4 : i32
      %get3A_21 = arith.index_cast %get3A_20 : i32 to index
      %get3A_22 = arith.constant 112 : index
      %get3A_23 = tpu.vector_load %arg4[%get3A_21, %get3A_22] {strides = array<i32>} : memref<32x128xi32, #tpu.memory_space<vmem>>, vector<16xi32>,
      %min3A_24 = arith.minsi %min3A_19, %get3A_23 : vector<16xi32>
      %get3A_25 = arith.constant 5 : i32
      %get3A_26 = arith.index_cast %get3A_25 : i32 to index
      %get3A_27 = arith.constant 112 : index
      %get3A_28 = tpu.vector_load %arg4[%get3A_26, %get3A_27] {strides = array<i32>} : memref<32x128xi32, #tpu.memory_space<vmem>>, vector<16xi32>,
      %min3A_29 = arith.minsi %min3A_24, %get3A_28 : vector<16xi32>
      %get3A_30 = arith.constant 6 : i32
      %get3A_31 = arith.index_cast %get3A_30 : i32 to index
      %get3A_32 = arith.constant 112 : index
      %get3A_33 = tpu.vector_load %arg4[%get3A_31, %get3A_32] {strides = array<i32>} : memref<32x128xi32, #tpu.memory_space<vmem>>, vector<16xi32>,
      %min3A_34 = arith.minsi %min3A_29, %get3A_33 : vector<16xi32>
      %get3A_35 = arith.constant 7 : i32
      %get3A_36 = arith.index_cast %get3A_35 : i32 to index
      %get3A_37 = arith.constant 112 : index
      %get3A_38 = tpu.vector_load %arg4[%get3A_36, %get3A_37] {strides = array<i32>} : memref<32x128xi32, #tpu.memory_space<vmem>>, vector<16xi32>,
      %min3A_39 = arith.minsi %min3A_34, %get3A_38 : vector<16xi32>
      %get3A_40 = arith.constant 8 : i32
      %get3A_41 = arith.index_cast %get3A_40 : i32 to index
      %get3A_42 = arith.constant 112 : index
      %get3A_43 = tpu.vector_load %arg4[%get3A_41, %get3A_42] {strides = array<i32>} : memref<32x128xi32, #tpu.memory_space<vmem>>, vector<16xi32>,
      %min3A_44 = arith.minsi %min3A_39, %get3A_43 : vector<16xi32>
      %get3A_45 = arith.constant 9 : i32
      %get3A_46 = arith.index_cast %get3A_45 : i32 to index
      %get3A_47 = arith.constant 112 : index
      %get3A_48 = tpu.vector_load %arg4[%get3A_46, %get3A_47] {strides = array<i32>} : memref<32x128xi32, #tpu.memory_space<vmem>>, vector<16xi32>,
      %min3A_49 = arith.minsi %min3A_44, %get3A_48 : vector<16xi32>
      %get3A_50 = arith.constant 10 : i32
      %get3A_51 = arith.index_cast %get3A_50 : i32 to index
      %get3A_52 = arith.constant 112 : index
      %get3A_53 = tpu.vector_load %arg4[%get3A_51, %get3A_52] {strides = array<i32>} : memref<32x128xi32, #tpu.memory_space<vmem>>, vector<16xi32>,
      %min3A_54 = arith.minsi %min3A_49, %get3A_53 : vector<16xi32>
      %get3A_55 = arith.constant 11 : i32
      %get3A_56 = arith.index_cast %get3A_55 : i32 to index
      %get3A_57 = arith.constant 112 : index
      %get3A_58 = tpu.vector_load %arg4[%get3A_56, %get3A_57] {strides = array<i32>} : memref<32x128xi32, #tpu.memory_space<vmem>>, vector<16xi32>,
      %min3A_59 = arith.minsi %min3A_54, %get3A_58 : vector<16xi32>
      %get3A_60 = arith.constant 12 : i32
      %get3A_61 = arith.index_cast %get3A_60 : i32 to index
      %get3A_62 = arith.constant 112 : index
      %get3A_63 = tpu.vector_load %arg4[%get3A_61, %get3A_62] {strides = array<i32>} : memref<32x128xi32, #tpu.memory_space<vmem>>, vector<16xi32>,
      %min3A_64 = arith.minsi %min3A_59, %get3A_63 : vector<16xi32>
      %get3A_65 = arith.constant 13 : i32
      %get3A_66 = arith.index_cast %get3A_65 : i32 to index
      %get3A_67 = arith.constant 112 : index
      %get3A_68 = tpu.vector_load %arg4[%get3A_66, %get3A_67] {strides = array<i32>} : memref<32x128xi32, #tpu.memory_space<vmem>>, vector<16xi32>,
      %min3A_69 = arith.minsi %min3A_64, %get3A_68 : vector<16xi32>
      %get3A_70 = arith.constant 14 : i32
      %get3A_71 = arith.index_cast %get3A_70 : i32 to index
      %get3A_72 = arith.constant 112 : index
      %get3A_73 = tpu.vector_load %arg4[%get3A_71, %get3A_72] {strides = array<i32>} : memref<32x128xi32, #tpu.memory_space<vmem>>, vector<16xi32>,
      %min3A_74 = arith.minsi %min3A_69, %get3A_73 : vector<16xi32>
      %get3A_75 = arith.constant 15 : i32
      %get3A_76 = arith.index_cast %get3A_75 : i32 to index
      %get3A_77 = arith.constant 112 : index
      %get3A_78 = tpu.vector_load %arg4[%get3A_76, %get3A_77] {strides = array<i32>} : memref<32x128xi32, #tpu.memory_space<vmem>>, vector<16xi32>,
      %min3A_79 = arith.minsi %min3A_74, %get3A_78 : vector<16xi32>
      %get3A_80 = arith.constant 16 : i32
      %get3A_81 = arith.index_cast %get3A_80 : i32 to index
      %get3A_82 = arith.constant 112 : index
      %get3A_83 = tpu.vector_load %arg4[%get3A_81, %get3A_82] {strides = array<i32>} : memref<32x128xi32, #tpu.memory_space<vmem>>, vector<16xi32>,
      %min3A_84 = arith.minsi %min3A_79, %get3A_83 : vector<16xi32>
      %get3A_85 = arith.constant 17 : i32
      %get3A_86 = arith.index_cast %get3A_85 : i32 to index
      %get3A_87 = arith.constant 112 : index
      %get3A_88 = tpu.vector_load %arg4[%get3A_86, %get3A_87] {strides = array<i32>} : memref<32x128xi32, #tpu.memory_space<vmem>>, vector<16xi32>,
      %min3A_89 = arith.minsi %min3A_84, %get3A_88 : vector<16xi32>
      %get3A_90 = arith.constant 18 : i32
      %get3A_91 = arith.index_cast %get3A_90 : i32 to index
      %get3A_92 = arith.constant 112 : index
      %get3A_93 = tpu.vector_load %arg4[%get3A_91, %get3A_92] {strides = array<i32>} : memref<32x128xi32, #tpu.memory_space<vmem>>, vector<16xi32>,
      %min3A_94 = arith.minsi %min3A_89, %get3A_93 : vector<16xi32>
      %get3A_95 = arith.constant 19 : i32
      %get3A_96 = arith.index_cast %get3A_95 : i32 to index
      %get3A_97 = arith.constant 112 : index
      %get3A_98 = tpu.vector_load %arg4[%get3A_96, %get3A_97] {strides = array<i32>} : memref<32x128xi32, #tpu.memory_space<vmem>>, vector<16xi32>,
      %min3A_99 = arith.minsi %min3A_94, %get3A_98 : vector<16xi32>
      %get3A_100 = arith.constant 20 : i32
      %get3A_101 = arith.index_cast %get3A_100 : i32 to index
      %get3A_102 = arith.constant 112 : index
      %get3A_103 = tpu.vector_load %arg4[%get3A_101, %get3A_102] {strides = array<i32>} : memref<32x128xi32, #tpu.memory_space<vmem>>, vector<16xi32>,
      %min3A_104 = arith.minsi %min3A_99, %get3A_103 : vector<16xi32>
      %get3A_105 = arith.constant 21 : i32
      %get3A_106 = arith.index_cast %get3A_105 : i32 to index
      %get3A_107 = arith.constant 112 : index
      %get3A_108 = tpu.vector_load %arg4[%get3A_106, %get3A_107] {strides = array<i32>} : memref<32x128xi32, #tpu.memory_space<vmem>>, vector<16xi32>,
      %min3A_109 = arith.minsi %min3A_104, %get3A_108 : vector<16xi32>
      %get3A_110 = arith.constant 22 : i32
      %get3A_111 = arith.index_cast %get3A_110 : i32 to index
      %get3A_112 = arith.constant 112 : index
      %get3A_113 = tpu.vector_load %arg4[%get3A_111, %get3A_112] {strides = array<i32>} : memref<32x128xi32, #tpu.memory_space<vmem>>, vector<16xi32>,
      %min3A_114 = arith.minsi %min3A_109, %get3A_113 : vector<16xi32>
      %get3A_115 = arith.constant 23 : i32
      %get3A_116 = arith.index_cast %get3A_115 : i32 to index
      %get3A_117 = arith.constant 112 : index
      %get3A_118 = tpu.vector_load %arg4[%get3A_116, %get3A_117] {strides = array<i32>} : memref<32x128xi32, #tpu.memory_space<vmem>>, vector<16xi32>,
      %min3A_119 = arith.minsi %min3A_114, %get3A_118 : vector<16xi32>
      %get3A_120 = arith.constant 24 : i32
      %get3A_121 = arith.index_cast %get3A_120 : i32 to index
      %get3A_122 = arith.constant 112 : index
      %get3A_123 = tpu.vector_load %arg4[%get3A_121, %get3A_122] {strides = array<i32>} : memref<32x128xi32, #tpu.memory_space<vmem>>, vector<16xi32>,
      %min3A_124 = arith.minsi %min3A_119, %get3A_123 : vector<16xi32>
      %get3A_125 = arith.constant 25 : i32
      %get3A_126 = arith.index_cast %get3A_125 : i32 to index
      %get3A_127 = arith.constant 112 : index
      %get3A_128 = tpu.vector_load %arg4[%get3A_126, %get3A_127] {strides = array<i32>} : memref<32x128xi32, #tpu.memory_space<vmem>>, vector<16xi32>,
      %min3A_129 = arith.minsi %min3A_124, %get3A_128 : vector<16xi32>
      %get3A_130 = arith.constant 26 : i32
      %get3A_131 = arith.index_cast %get3A_130 : i32 to index
      %get3A_132 = arith.constant 112 : index
      %get3A_133 = tpu.vector_load %arg4[%get3A_131, %get3A_132] {strides = array<i32>} : memref<32x128xi32, #tpu.memory_space<vmem>>, vector<16xi32>,
      %min3A_134 = arith.minsi %min3A_129, %get3A_133 : vector<16xi32>
      %get3A_135 = arith.constant 27 : i32
      %get3A_136 = arith.index_cast %get3A_135 : i32 to index
      %get3A_137 = arith.constant 112 : index
      %get3A_138 = tpu.vector_load %arg4[%get3A_136, %get3A_137] {strides = array<i32>} : memref<32x128xi32, #tpu.memory_space<vmem>>, vector<16xi32>,
      %min3A_139 = arith.minsi %min3A_134, %get3A_138 : vector<16xi32>
      %get3A_140 = arith.constant 28 : i32
      %get3A_141 = arith.index_cast %get3A_140 : i32 to index
      %get3A_142 = arith.constant 112 : index
      %get3A_143 = tpu.vector_load %arg4[%get3A_141, %get3A_142] {strides = array<i32>} : memref<32x128xi32, #tpu.memory_space<vmem>>, vector<16xi32>,
      %min3A_144 = arith.minsi %min3A_139, %get3A_143 : vector<16xi32>
      %get3A_145 = arith.constant 29 : i32
      %get3A_146 = arith.index_cast %get3A_145 : i32 to index
      %get3A_147 = arith.constant 112 : index
      %get3A_148 = tpu.vector_load %arg4[%get3A_146, %get3A_147] {strides = array<i32>} : memref<32x128xi32, #tpu.memory_space<vmem>>, vector<16xi32>,
      %min3A_149 = arith.minsi %min3A_144, %get3A_148 : vector<16xi32>
      %get3A_150 = arith.constant 30 : i32
      %get3A_151 = arith.index_cast %get3A_150 : i32 to index
      %get3A_152 = arith.constant 112 : index
      %get3A_153 = tpu.vector_load %arg4[%get3A_151, %get3A_152] {strides = array<i32>} : memref<32x128xi32, #tpu.memory_space<vmem>>, vector<16xi32>,
      %min3A_154 = arith.minsi %min3A_149, %get3A_153 : vector<16xi32>
      %get3A_155 = arith.constant 31 : i32
      %get3A_156 = arith.index_cast %get3A_155 : i32 to index
      %get3A_157 = arith.constant 112 : index
      %get3A_158 = tpu.vector_load %arg4[%get3A_156, %get3A_157] {strides = array<i32>} : memref<32x128xi32, #tpu.memory_space<vmem>>, vector<16xi32>,
      %min3A_159 = arith.minsi %min3A_154, %get3A_158 : vector<16xi32>
      %rev3A = arith.constant 15 : i32
      %rev3A_160 = vector.broadcast %rev3A : i32 to vector<16xi32>
      %rev3A_161 = tpu.iota {dimensions = array<i32: 0>} : vector<16xi32>
      %rev3A_162 = arith.subi %rev3A_160, %rev3A_161 : vector<16xi32>
      %rev3A_163 = tpu.dynamic_gather %min3A_159[%rev3A_162] in [0] : vector<16xi32>, vector<16xi32> -> vector<16xi32>
      %neg3A = arith.constant 0 : i32
      %neg3A_164 = vector.broadcast %neg3A : i32 to vector<16xi32>
      %neg3A_165 = arith.subi %neg3A_164, %rev3A_163 : vector<16xi32>
      %broadcast_in_dim3A = arith.constant true
      %broadcast_in_dim3A_166 = vector.broadcast %broadcast_in_dim3A : i1 to vector<16xi1>
      %masked_cummax3A = arith.constant -2147483648 : i32
      %masked_cummax3A_167 = vector.broadcast %masked_cummax3A : i32 to vector<16xi32>
      %masked_cummax3A_168 = arith.xori %neg3A_165, %masked_cummax3A_167 : vector<16xi32>
      %masked_cummax3A_169 = tpu.scan <max>, %masked_cummax3A_168 masked %broadcast_in_dim3A_166 : vector<16xi32>, vector<16xi1> -> vector<16xi32>
      %masked_cummax3A_170 = arith.xori %masked_cummax3A_169, %masked_cummax3A_167 : vector<16xi32>
      %neg3A_171 = arith.constant 0 : i32
      %neg3A_172 = vector.broadcast %neg3A_171 : i32 to vector<16xi32>
      %neg3A_173 = arith.subi %neg3A_172, %masked_cummax3A_170 : vector<16xi32>
      %rev3A_174 = arith.constant 15 : i32
      %rev3A_175 = vector.broadcast %rev3A_174 : i32 to vector<16xi32>
      %rev3A_176 = tpu.iota {dimensions = array<i32: 0>} : vector<16xi32>
      %rev3A_177 = arith.subi %rev3A_175, %rev3A_176 : vector<16xi32>
      %rev3A_178 = tpu.dynamic_gather %neg3A_173[%rev3A_177] in [0] : vector<16xi32>, vector<16xi32> -> vector<16xi32>
      %min3A_179 = arith.constant 320000 : i32
      %min3A_180 = vector.broadcast %min3A_179 : i32 to vector<16xi32>
      %min3A_181 = arith.minsi %rev3A_178, %min3A_180 : vector<16xi32>
      %swap3A = arith.constant 112 : index
      %swap3A_182 = tpu.vector_load %arg5[%swap3A] {strides = array<i32>} : memref<128xi32, #tpu.memory_space<vmem>>, vector<16xi32>,
      tpu.vector_store %arg5[%swap3A], %min3A_181 {strides = array<i32>} : memref<128xi32, #tpu.memory_space<vmem>>, vector<16xi32>,
      %slice3A = vector.extract_strided_slice %min3A_181 {offsets = [0], sizes = [1], strides = [1]} : vector<16xi32> to vector<1xi32>
      %squeeze3A = vector.extract %slice3A[0] : i32 from vector<1xi32>
      %get3A_183 = arith.constant 0 : i32
      %get3A_184 = arith.index_cast %get3A_183 : i32 to index
      %get3A_185 = arith.constant 96 : index
      %get3A_186 = tpu.vector_load %arg4[%get3A_184, %get3A_185] {strides = array<i32>} : memref<32x128xi32, #tpu.memory_space<vmem>>, vector<16xi32>,
      %get3A_187 = arith.constant 1 : i32
      %get3A_188 = arith.index_cast %get3A_187 : i32 to index
      %get3A_189 = arith.constant 96 : index
      %get3A_190 = tpu.vector_load %arg4[%get3A_188, %get3A_189] {strides = array<i32>} : memref<32x128xi32, #tpu.memory_space<vmem>>, vector<16xi32>,
      %min3A_191 = arith.minsi %get3A_186, %get3A_190 : vector<16xi32>
      %get3A_192 = arith.constant 2 : i32
      %get3A_193 = arith.index_cast %get3A_192 : i32 to index
      %get3A_194 = arith.constant 96 : index
      %get3A_195 = tpu.vector_load %arg4[%get3A_193, %get3A_194] {strides = array<i32>} : memref<32x128xi32, #tpu.memory_space<vmem>>, vector<16xi32>,
      %min3A_196 = arith.minsi %min3A_191, %get3A_195 : vector<16xi32>
      %get3A_197 = arith.constant 3 : i32
      %get3A_198 = arith.index_cast %get3A_197 : i32 to index
      %get3A_199 = arith.constant 96 : index
      %get3A_200 = tpu.vector_load %arg4[%get3A_198, %get3A_199] {strides = array<i32>} : memref<32x128xi32, #tpu.memory_space<vmem>>, vector<16xi32>,
      %min3A_201 = arith.minsi %min3A_196, %get3A_200 : vector<16xi32>
      %get3A_202 = arith.constant 4 : i32
      %get3A_203 = arith.index_cast %get3A_202 : i32 to index
      %get3A_204 = arith.constant 96 : index
      %get3A_205 = tpu.vector_load %arg4[%get3A_203, %get3A_204] {strides = array<i32>} : memref<32x128xi32, #tpu.memory_space<vmem>>, vector<16xi32>,
      %min3A_206 = arith.minsi %min3A_201, %get3A_205 : vector<16xi32>
      %get3A_207 = arith.constant 5 : i32
      %get3A_208 = arith.index_cast %get3A_207 : i32 to index
      %get3A_209 = arith.constant 96 : index
      %get3A_210 = tpu.vector_load %arg4[%get3A_208, %get3A_209] {strides = array<i32>} : memref<32x128xi32, #tpu.memory_space<vmem>>, vector<16xi32>,
      %min3A_211 = arith.minsi %min3A_206, %get3A_210 : vector<16xi32>
      %get3A_212 = arith.constant 6 : i32
      %get3A_213 = arith.index_cast %get3A_212 : i32 to index
      %get3A_214 = arith.constant 96 : index
      %get3A_215 = tpu.vector_load %arg4[%get3A_213, %get3A_214] {strides = array<i32>} : memref<32x128xi32, #tpu.memory_space<vmem>>, vector<16xi32>,
      %min3A_216 = arith.minsi %min3A_211, %get3A_215 : vector<16xi32>
      %get3A_217 = arith.constant 7 : i32
      %get3A_218 = arith.index_cast %get3A_217 : i32 to index
      %get3A_219 = arith.constant 96 : index
      %get3A_220 = tpu.vector_load %arg4[%get3A_218, %get3A_219] {strides = array<i32>} : memref<32x128xi32, #tpu.memory_space<vmem>>, vector<16xi32>,
      %min3A_221 = arith.minsi %min3A_216, %get3A_220 : vector<16xi32>
      %get3A_222 = arith.constant 8 : i32
      %get3A_223 = arith.index_cast %get3A_222 : i32 to index
      %get3A_224 = arith.constant 96 : index
      %get3A_225 = tpu.vector_load %arg4[%get3A_223, %get3A_224] {strides = array<i32>} : memref<32x128xi32, #tpu.memory_space<vmem>>, vector<16xi32>,
      %min3A_226 = arith.minsi %min3A_221, %get3A_225 : vector<16xi32>
      %get3A_227 = arith.constant 9 : i32
      %get3A_228 = arith.index_cast %get3A_227 : i32 to index
      %get3A_229 = arith.constant 96 : index
      %get3A_230 = tpu.vector_load %arg4[%get3A_228, %get3A_229] {strides = array<i32>} : memref<32x128xi32, #tpu.memory_space<vmem>>, vector<16xi32>,
      %min3A_231 = arith.minsi %min3A_226, %get3A_230 : vector<16xi32>
      %get3A_232 = arith.constant 10 : i32
      %get3A_233 = arith.index_cast %get3A_232 : i32 to index
      %get3A_234 = arith.constant 96 : index
      %get3A_235 = tpu.vector_load %arg4[%get3A_233, %get3A_234] {strides = array<i32>} : memref<32x128xi32, #tpu.memory_space<vmem>>, vector<16xi32>,
      %min3A_236 = arith.minsi %min3A_231, %get3A_235 : vector<16xi32>
      %get3A_237 = arith.constant 11 : i32
      %get3A_238 = arith.index_cast %get3A_237 : i32 to index
      %get3A_239 = arith.constant 96 : index
      %get3A_240 = tpu.vector_load %arg4[%get3A_238, %get3A_239] {strides = array<i32>} : memref<32x128xi32, #tpu.memory_space<vmem>>, vector<16xi32>,
      %min3A_241 = arith.minsi %min3A_236, %get3A_240 : vector<16xi32>
      %get3A_242 = arith.constant 12 : i32
      %get3A_243 = arith.index_cast %get3A_242 : i32 to index
      %get3A_244 = arith.constant 96 : index
      %get3A_245 = tpu.vector_load %arg4[%get3A_243, %get3A_244] {strides = array<i32>} : memref<32x128xi32, #tpu.memory_space<vmem>>, vector<16xi32>,
      %min3A_246 = arith.minsi %min3A_241, %get3A_245 : vector<16xi32>
      %get3A_247 = arith.constant 13 : i32
      %get3A_248 = arith.index_cast %get3A_247 : i32 to index
      %get3A_249 = arith.constant 96 : index
      %get3A_250 = tpu.vector_load %arg4[%get3A_248, %get3A_249] {strides = array<i32>} : memref<32x128xi32, #tpu.memory_space<vmem>>, vector<16xi32>,
      %min3A_251 = arith.minsi %min3A_246, %get3A_250 : vector<16xi32>
      %get3A_252 = arith.constant 14 : i32
      %get3A_253 = arith.index_cast %get3A_252 : i32 to index
      %get3A_254 = arith.constant 96 : index
      %get3A_255 = tpu.vector_load %arg4[%get3A_253, %get3A_254] {strides = array<i32>} : memref<32x128xi32, #tpu.memory_space<vmem>>, vector<16xi32>,
      %min3A_256 = arith.minsi %min3A_251, %get3A_255 : vector<16xi32>
      %get3A_257 = arith.constant 15 : i32
      %get3A_258 = arith.index_cast %get3A_257 : i32 to index
      %get3A_259 = arith.constant 96 : index
      %get3A_260 = tpu.vector_load %arg4[%get3A_258, %get3A_259] {strides = array<i32>} : memref<32x128xi32, #tpu.memory_space<vmem>>, vector<16xi32>,
      %min3A_261 = arith.minsi %min3A_256, %get3A_260 : vector<16xi32>
      %get3A_262 = arith.constant 16 : i32
      %get3A_263 = arith.index_cast %get3A_262 : i32 to index
      %get3A_264 = arith.constant 96 : index
      %get3A_265 = tpu.vector_load %arg4[%get3A_263, %get3A_264] {strides = array<i32>} : memref<32x128xi32, #tpu.memory_space<vmem>>, vector<16xi32>,
      %min3A_266 = arith.minsi %min3A_261, %get3A_265 : vector<16xi32>
      %get3A_267 = arith.constant 17 : i32
      %get3A_268 = arith.index_cast %get3A_267 : i32 to index
      %get3A_269 = arith.constant 96 : index
      %get3A_270 = tpu.vector_load %arg4[%get3A_268, %get3A_269] {strides = array<i32>} : memref<32x128xi32, #tpu.memory_space<vmem>>, vector<16xi32>,
      %min3A_271 = arith.minsi %min3A_266, %get3A_270 : vector<16xi32>
      %get3A_272 = arith.constant 18 : i32
      %get3A_273 = arith.index_cast %get3A_272 : i32 to index
      %get3A_274 = arith.constant 96 : index
      %get3A_275 = tpu.vector_load %arg4[%get3A_273, %get3A_274] {strides = array<i32>} : memref<32x128xi32, #tpu.memory_space<vmem>>, vector<16xi32>,
      %min3A_276 = arith.minsi %min3A_271, %get3A_275 : vector<16xi32>
      %get3A_277 = arith.constant 19 : i32
      %get3A_278 = arith.index_cast %get3A_277 : i32 to index
      %get3A_279 = arith.constant 96 : index
      %get3A_280 = tpu.vector_load %arg4[%get3A_278, %get3A_279] {strides = array<i32>} : memref<32x128xi32, #tpu.memory_space<vmem>>, vector<16xi32>,
      %min3A_281 = arith.minsi %min3A_276, %get3A_280 : vector<16xi32>
      %get3A_282 = arith.constant 20 : i32
      %get3A_283 = arith.index_cast %get3A_282 : i32 to index
      %get3A_284 = arith.constant 96 : index
      %get3A_285 = tpu.vector_load %arg4[%get3A_283, %get3A_284] {strides = array<i32>} : memref<32x128xi32, #tpu.memory_space<vmem>>, vector<16xi32>,
      %min3A_286 = arith.minsi %min3A_281, %get3A_285 : vector<16xi32>
      %get3A_287 = arith.constant 21 : i32
      %get3A_288 = arith.index_cast %get3A_287 : i32 to index
      %get3A_289 = arith.constant 96 : index
      %get3A_290 = tpu.vector_load %arg4[%get3A_288, %get3A_289] {strides = array<i32>} : memref<32x128xi32, #tpu.memory_space<vmem>>, vector<16xi32>,
      %min3A_291 = arith.minsi %min3A_286, %get3A_290 : vector<16xi32>
      %get3A_292 = arith.constant 22 : i32
      %get3A_293 = arith.index_cast %get3A_292 : i32 to index
      %get3A_294 = arith.constant 96 : index
      %get3A_295 = tpu.vector_load %arg4[%get3A_293, %get3A_294] {strides = array<i32>} : memref<32x128xi32, #tpu.memory_space<vmem>>, vector<16xi32>,
      %min3A_296 = arith.minsi %min3A_291, %get3A_295 : vector<16xi32>
      %get3A_297 = arith.constant 23 : i32
      %get3A_298 = arith.index_cast %get3A_297 : i32 to index
      %get3A_299 = arith.constant 96 : index
      %get3A_300 = tpu.vector_load %arg4[%get3A_298, %get3A_299] {strides = array<i32>} : memref<32x128xi32, #tpu.memory_space<vmem>>, vector<16xi32>,
      %min3A_301 = arith.minsi %min3A_296, %get3A_300 : vector<16xi32>
      %get3A_302 = arith.constant 24 : i32
      %get3A_303 = arith.index_cast %get3A_302 : i32 to index
      %get3A_304 = arith.constant 96 : index
      %get3A_305 = tpu.vector_load %arg4[%get3A_303, %get3A_304] {strides = array<i32>} : memref<32x128xi32, #tpu.memory_space<vmem>>, vector<16xi32>,
      %min3A_306 = arith.minsi %min3A_301, %get3A_305 : vector<16xi32>
      %get3A_307 = arith.constant 25 : i32
      %get3A_308 = arith.index_cast %get3A_307 : i32 to index
      %get3A_309 = arith.constant 96 : index
      %get3A_310 = tpu.vector_load %arg4[%get3A_308, %get3A_309] {strides = array<i32>} : memref<32x128xi32, #tpu.memory_space<vmem>>, vector<16xi32>,
      %min3A_311 = arith.minsi %min3A_306, %get3A_310 : vector<16xi32>
      %get3A_312 = arith.constant 26 : i32
      %get3A_313 = arith.index_cast %get3A_312 : i32 to index
      %get3A_314 = arith.constant 96 : index
      %get3A_315 = tpu.vector_load %arg4[%get3A_313, %get3A_314] {strides = array<i32>} : memref<32x128xi32, #tpu.memory_space<vmem>>, vector<16xi32>,
      %min3A_316 = arith.minsi %min3A_311, %get3A_315 : vector<16xi32>
      %get3A_317 = arith.constant 27 : i32
      %get3A_318 = arith.index_cast %get3A_317 : i32 to index
      %get3A_319 = arith.constant 96 : index
      %get3A_320 = tpu.vector_load %arg4[%get3A_318, %get3A_319] {strides = array<i32>} : memref<32x128xi32, #tpu.memory_space<vmem>>, vector<16xi32>,
      %min3A_321 = arith.minsi %min3A_316, %get3A_320 : vector<16xi32>
      %get3A_322 = arith.constant 28 : i32
      %get3A_323 = arith.index_cast %get3A_322 : i32 to index
      %get3A_324 = arith.constant 96 : index
      %get3A_325 = tpu.vector_load %arg4[%get3A_323, %get3A_324] {strides = array<i32>} : memref<32x128xi32, #tpu.memory_space<vmem>>, vector<16xi32>,
      %min3A_326 = arith.minsi %min3A_321, %get3A_325 : vector<16xi32>
      %get3A_327 = arith.constant 29 : i32
      %get3A_328 = arith.index_cast %get3A_327 : i32 to index
      %get3A_329 = arith.constant 96 : index
      %get3A_330 = tpu.vector_load %arg4[%get3A_328, %get3A_329] {strides = array<i32>} : memref<32x128xi32, #tpu.memory_space<vmem>>, vector<16xi32>,
      %min3A_331 = arith.minsi %min3A_326, %get3A_330 : vector<16xi32>
      %get3A_332 = arith.constant 30 : i32
      %get3A_333 = arith.index_cast %get3A_332 : i32 to index
      %get3A_334 = arith.constant 96 : index
      %get3A_335 = tpu.vector_load %arg4[%get3A_333, %get3A_334] {strides = array<i32>} : memref<32x128xi32, #tpu.memory_space<vmem>>, vector<16xi32>,
      %min3A_336 = arith.minsi %min3A_331, %get3A_335 : vector<16xi32>
      %get3A_337 = arith.constant 31 : i32
      %get3A_338 = arith.index_cast %get3A_337 : i32 to index
      %get3A_339 = arith.constant 96 : index
      %get3A_340 = tpu.vector_load %arg4[%get3A_338, %get3A_339] {strides = array<i32>} : memref<32x128xi32, #tpu.memory_space<vmem>>, vector<16xi32>,
      %min3A_341 = arith.minsi %min3A_336, %get3A_340 : vector<16xi32>
      %rev3A_342 = arith.constant 15 : i32
      %rev3A_343 = vector.broadcast %rev3A_342 : i32 to vector<16xi32>
      %rev3A_344 = tpu.iota {dimensions = array<i32: 0>} : vector<16xi32>
      %rev3A_345 = arith.subi %rev3A_343, %rev3A_344 : vector<16xi32>
      %rev3A_346 = tpu.dynamic_gather %min3A_341[%rev3A_345] in [0] : vector<16xi32>, vector<16xi32> -> vector<16xi32>
      %neg3A_347 = arith.constant 0 : i32
      %neg3A_348 = vector.broadcast %neg3A_347 : i32 to vector<16xi32>
      %neg3A_349 = arith.subi %neg3A_348, %rev3A_346 : vector<16xi32>
      %broadcast_in_dim3A_350 = arith.constant true
      %broadcast_in_dim3A_351 = vector.broadcast %broadcast_in_dim3A_350 : i1 to vector<16xi1>
      %masked_cummax3A_352 = arith.constant -2147483648 : i32
      %masked_cummax3A_353 = vector.broadcast %masked_cummax3A_352 : i32 to vector<16xi32>
      %masked_cummax3A_354 = arith.xori %neg3A_349, %masked_cummax3A_353 : vector<16xi32>
      %masked_cummax3A_355 = tpu.scan <max>, %masked_cummax3A_354 masked %broadcast_in_dim3A_351 : vector<16xi32>, vector<16xi1> -> vector<16xi32>
      %masked_cummax3A_356 = arith.xori %masked_cummax3A_355, %masked_cummax3A_353 : vector<16xi32>
      %neg3A_357 = arith.constant 0 : i32
      %neg3A_358 = vector.broadcast %neg3A_357 : i32 to vector<16xi32>
      %neg3A_359 = arith.subi %neg3A_358, %masked_cummax3A_356 : vector<16xi32>
      %rev3A_360 = arith.constant 15 : i32
      %rev3A_361 = vector.broadcast %rev3A_360 : i32 to vector<16xi32>
      %rev3A_362 = tpu.iota {dimensions = array<i32: 0>} : vector<16xi32>
      %rev3A_363 = arith.subi %rev3A_361, %rev3A_362 : vector<16xi32>
      %rev3A_364 = tpu.dynamic_gather %neg3A_359[%rev3A_363] in [0] : vector<16xi32>, vector<16xi32> -> vector<16xi32>
      %min3A_365 = vector.broadcast %squeeze3A : i32 to vector<16xi32>
      %min3A_366 = arith.minsi %rev3A_364, %min3A_365 : vector<16xi32>
      %swap3A_367 = arith.constant 96 : index
      %swap3A_368 = tpu.vector_load %arg5[%swap3A_367] {strides = array<i32>} : memref<128xi32, #tpu.memory_space<vmem>>, vector<16xi32>,
      tpu.vector_store %arg5[%swap3A_367], %min3A_366 {strides = array<i32>} : memref<128xi32, #tpu.memory_space<vmem>>, vector<16xi32>,
      %slice3A_369 = vector.extract_strided_slice %min3A_366 {offsets = [0], sizes = [1], strides = [1]} : vector<16xi32> to vector<1xi32>
      %squeeze3A_370 = vector.extract %slice3A_369[0] : i32 from vector<1xi32>
      %get3A_371 = arith.constant 0 : i32
      %get3A_372 = arith.index_cast %get3A_371 : i32 to index
      %get3A_373 = arith.constant 80 : index
      %get3A_374 = tpu.vector_load %arg4[%get3A_372, %get3A_373] {strides = array<i32>} : memref<32x128xi32, #tpu.memory_space<vmem>>, vector<16xi32>,
      %get3A_375 = arith.constant 1 : i32
      %get3A_376 = arith.index_cast %get3A_375 : i32 to index
      %get3A_377 = arith.constant 80 : index
      %get3A_378 = tpu.vector_load %arg4[%get3A_376, %get3A_377] {strides = array<i32>} : memref<32x128xi32, #tpu.memory_space<vmem>>, vector<16xi32>,
      %min3A_379 = arith.minsi %get3A_374, %get3A_378 : vector<16xi32>
      %get3A_380 = arith.constant 2 : i32
      %get3A_381 = arith.index_cast %get3A_380 : i32 to index
      %get3A_382 = arith.constant 80 : index
      %get3A_383 = tpu.vector_load %arg4[%get3A_381, %get3A_382] {strides = array<i32>} : memref<32x128xi32, #tpu.memory_space<vmem>>, vector<16xi32>,
      %min3A_384 = arith.minsi %min3A_379, %get3A_383 : vector<16xi32>
      %get3A_385 = arith.constant 3 : i32
      %get3A_386 = arith.index_cast %get3A_385 : i32 to index
      %get3A_387 = arith.constant 80 : index
      %get3A_388 = tpu.vector_load %arg4[%get3A_386, %get3A_387] {strides = array<i32>} : memref<32x128xi32, #tpu.memory_space<vmem>>, vector<16xi32>,
      %min3A_389 = arith.minsi %min3A_384, %get3A_388 : vector<16xi32>
      %get3A_390 = arith.constant 4 : i32
      %get3A_391 = arith.index_cast %get3A_390 : i32 to index
      %get3A_392 = arith.constant 80 : index
      %get3A_393 = tpu.vector_load %arg4[%get3A_391, %get3A_392] {strides = array<i32>} : memref<32x128xi32, #tpu.memory_space<vmem>>, vector<16xi32>,
      %min3A_394 = arith.minsi %min3A_389, %get3A_393 : vector<16xi32>
      %get3A_395 = arith.constant 5 : i32
      %get3A_396 = arith.index_cast %get3A_395 : i32 to index
      %get3A_397 = arith.constant 80 : index
      %get3A_398 = tpu.vector_load %arg4[%get3A_396, %get3A_397] {strides = array<i32>} : memref<32x128xi32, #tpu.memory_space<vmem>>, vector<16xi32>,
      %min3A_399 = arith.minsi %min3A_394, %get3A_398 : vector<16xi32>
      %get3A_400 = arith.constant 6 : i32
      %get3A_401 = arith.index_cast %get3A_400 : i32 to index
      %get3A_402 = arith.constant 80 : index
      %get3A_403 = tpu.vector_load %arg4[%get3A_401, %get3A_402] {strides = array<i32>} : memref<32x128xi32, #tpu.memory_space<vmem>>, vector<16xi32>,
      %min3A_404 = arith.minsi %min3A_399, %get3A_403 : vector<16xi32>
      %get3A_405 = arith.constant 7 : i32
      %get3A_406 = arith.index_cast %get3A_405 : i32 to index
      %get3A_407 = arith.constant 80 : index
      %get3A_408 = tpu.vector_load %arg4[%get3A_406, %get3A_407] {strides = array<i32>} : memref<32x128xi32, #tpu.memory_space<vmem>>, vector<16xi32>,
      %min3A_409 = arith.minsi %min3A_404, %get3A_408 : vector<16xi32>
      %get3A_410 = arith.constant 8 : i32
      %get3A_411 = arith.index_cast %get3A_410 : i32 to index
      %get3A_412 = arith.constant 80 : index
      %get3A_413 = tpu.vector_load %arg4[%get3A_411, %get3A_412] {strides = array<i32>} : memref<32x128xi32, #tpu.memory_space<vmem>>, vector<16xi32>,
      %min3A_414 = arith.minsi %min3A_409, %get3A_413 : vector<16xi32>
      %get3A_415 = arith.constant 9 : i32
      %get3A_416 = arith.index_cast %get3A_415 : i32 to index
      %get3A_417 = arith.constant 80 : index
      %get3A_418 = tpu.vector_load %arg4[%get3A_416, %get3A_417] {strides = array<i32>} : memref<32x128xi32, #tpu.memory_space<vmem>>, vector<16xi32>,
      %min3A_419 = arith.minsi %min3A_414, %get3A_418 : vector<16xi32>
      %get3A_420 = arith.constant 10 : i32
      %get3A_421 = arith.index_cast %get3A_420 : i32 to index
      %get3A_422 = arith.constant 80 : index
      %get3A_423 = tpu.vector_load %arg4[%get3A_421, %get3A_422] {strides = array<i32>} : memref<32x128xi32, #tpu.memory_space<vmem>>, vector<16xi32>,
      %min3A_424 = arith.minsi %min3A_419, %get3A_423 : vector<16xi32>
      %get3A_425 = arith.constant 11 : i32
      %get3A_426 = arith.index_cast %get3A_425 : i32 to index
      %get3A_427 = arith.constant 80 : index
      %get3A_428 = tpu.vector_load %arg4[%get3A_426, %get3A_427] {strides = array<i32>} : memref<32x128xi32, #tpu.memory_space<vmem>>, vector<16xi32>,
      %min3A_429 = arith.minsi %min3A_424, %get3A_428 : vector<16xi32>
      %get3A_430 = arith.constant 12 : i32
      %get3A_431 = arith.index_cast %get3A_430 : i32 to index
      %get3A_432 = arith.constant 80 : index
      %get3A_433 = tpu.vector_load %arg4[%get3A_431, %get3A_432] {strides = array<i32>} : memref<32x128xi32, #tpu.memory_space<vmem>>, vector<16xi32>,
      %min3A_434 = arith.minsi %min3A_429, %get3A_433 : vector<16xi32>
      %get3A_435 = arith.constant 13 : i32
      %get3A_436 = arith.index_cast %get3A_435 : i32 to index
      %get3A_437 = arith.constant 80 : index
      %get3A_438 = tpu.vector_load %arg4[%get3A_436, %get3A_437] {strides = array<i32>} : memref<32x128xi32, #tpu.memory_space<vmem>>, vector<16xi32>,
      %min3A_439 = arith.minsi %min3A_434, %get3A_438 : vector<16xi32>
      %get3A_440 = arith.constant 14 : i32
      %get3A_441 = arith.index_cast %get3A_440 : i32 to index
      %get3A_442 = arith.constant 80 : index
      %get3A_443 = tpu.vector_load %arg4[%get3A_441, %get3A_442] {strides = array<i32>} : memref<32x128xi32, #tpu.memory_space<vmem>>, vector<16xi32>,
      %min3A_444 = arith.minsi %min3A_439, %get3A_443 : vector<16xi32>
      %get3A_445 = arith.constant 15 : i32
      %get3A_446 = arith.index_cast %get3A_445 : i32 to index
      %get3A_447 = arith.constant 80 : index
      %get3A_448 = tpu.vector_load %arg4[%get3A_446, %get3A_447] {strides = array<i32>} : memref<32x128xi32, #tpu.memory_space<vmem>>, vector<16xi32>,
      %min3A_449 = arith.minsi %min3A_444, %get3A_448 : vector<16xi32>
      %get3A_450 = arith.constant 16 : i32
      %get3A_451 = arith.index_cast %get3A_450 : i32 to index
      %get3A_452 = arith.constant 80 : index
      %get3A_453 = tpu.vector_load %arg4[%get3A_451, %get3A_452] {strides = array<i32>} : memref<32x128xi32, #tpu.memory_space<vmem>>, vector<16xi32>,
      %min3A_454 = arith.minsi %min3A_449, %get3A_453 : vector<16xi32>
      %get3A_455 = arith.constant 17 : i32
      %get3A_456 = arith.index_cast %get3A_455 : i32 to index
      %get3A_457 = arith.constant 80 : index
      %get3A_458 = tpu.vector_load %arg4[%get3A_456, %get3A_457] {strides = array<i32>} : memref<32x128xi32, #tpu.memory_space<vmem>>, vector<16xi32>,
      %min3A_459 = arith.minsi %min3A_454, %get3A_458 : vector<16xi32>
      %get3A_460 = arith.constant 18 : i32
      %get3A_461 = arith.index_cast %get3A_460 : i32 to index
      %get3A_462 = arith.constant 80 : index
      %get3A_463 = tpu.vector_load %arg4[%get3A_461, %get3A_462] {strides = array<i32>} : memref<32x128xi32, #tpu.memory_space<vmem>>, vector<16xi32>,
      %min3A_464 = arith.minsi %min3A_459, %get3A_463 : vector<16xi32>
      %get3A_465 = arith.constant 19 : i32
      %get3A_466 = arith.index_cast %get3A_465 : i32 to index
      %get3A_467 = arith.constant 80 : index
      %get3A_468 = tpu.vector_load %arg4[%get3A_466, %get3A_467] {strides = array<i32>} : memref<32x128xi32, #tpu.memory_space<vmem>>, vector<16xi32>,
      %min3A_469 = arith.minsi %min3A_464, %get3A_468 : vector<16xi32>
      %get3A_470 = arith.constant 20 : i32
      %get3A_471 = arith.index_cast %get3A_470 : i32 to index
      %get3A_472 = arith.constant 80 : index
      %get3A_473 = tpu.vector_load %arg4[%get3A_471, %get3A_472] {strides = array<i32>} : memref<32x128xi32, #tpu.memory_space<vmem>>, vector<16xi32>,
      %min3A_474 = arith.minsi %min3A_469, %get3A_473 : vector<16xi32>
      %get3A_475 = arith.constant 21 : i32
      %get3A_476 = arith.index_cast %get3A_475 : i32 to index
      %get3A_477 = arith.constant 80 : index
      %get3A_478 = tpu.vector_load %arg4[%get3A_476, %get3A_477] {strides = array<i32>} : memref<32x128xi32, #tpu.memory_space<vmem>>, vector<16xi32>,
      %min3A_479 = arith.minsi %min3A_474, %get3A_478 : vector<16xi32>
      %get3A_480 = arith.constant 22 : i32
      %get3A_481 = arith.index_cast %get3A_480 : i32 to index
      %get3A_482 = arith.constant 80 : index
      %get3A_483 = tpu.vector_load %arg4[%get3A_481, %get3A_482] {strides = array<i32>} : memref<32x128xi32, #tpu.memory_space<vmem>>, vector<16xi32>,
      %min3A_484 = arith.minsi %min3A_479, %get3A_483 : vector<16xi32>
      %get3A_485 = arith.constant 23 : i32
      %get3A_486 = arith.index_cast %get3A_485 : i32 to index
      %get3A_487 = arith.constant 80 : index
      %get3A_488 = tpu.vector_load %arg4[%get3A_486, %get3A_487] {strides = array<i32>} : memref<32x128xi32, #tpu.memory_space<vmem>>, vector<16xi32>,
      %min3A_489 = arith.minsi %min3A_484, %get3A_488 : vector<16xi32>
      %get3A_490 = arith.constant 24 : i32
      %get3A_491 = arith.index_cast %get3A_490 : i32 to index
      %get3A_492 = arith.constant 80 : index
      %get3A_493 = tpu.vector_load %arg4[%get3A_491, %get3A_492] {strides = array<i32>} : memref<32x128xi32, #tpu.memory_space<vmem>>, vector<16xi32>,
      %min3A_494 = arith.minsi %min3A_489, %get3A_493 : vector<16xi32>
      %get3A_495 = arith.constant 25 : i32
      %get3A_496 = arith.index_cast %get3A_495 : i32 to index
      %get3A_497 = arith.constant 80 : index
      %get3A_498 = tpu.vector_load %arg4[%get3A_496, %get3A_497] {strides = array<i32>} : memref<32x128xi32, #tpu.memory_space<vmem>>, vector<16xi32>,
      %min3A_499 = arith.minsi %min3A_494, %get3A_498 : vector<16xi32>
      %get3A_500 = arith.constant 26 : i32
      %get3A_501 = arith.index_cast %get3A_500 : i32 to index
      %get3A_502 = arith.constant 80 : index
      %get3A_503 = tpu.vector_load %arg4[%get3A_501, %get3A_502] {strides = array<i32>} : memref<32x128xi32, #tpu.memory_space<vmem>>, vector<16xi32>,
      %min3A_504 = arith.minsi %min3A_499, %get3A_503 : vector<16xi32>
      %get3A_505 = arith.constant 27 : i32
      %get3A_506 = arith.index_cast %get3A_505 : i32 to index
      %get3A_507 = arith.constant 80 : index
      %get3A_508 = tpu.vector_load %arg4[%get3A_506, %get3A_507] {strides = array<i32>} : memref<32x128xi32, #tpu.memory_space<vmem>>, vector<16xi32>,
      %min3A_509 = arith.minsi %min3A_504, %get3A_508 : vector<16xi32>
      %get3A_510 = arith.constant 28 : i32
      %get3A_511 = arith.index_cast %get3A_510 : i32 to index
      %get3A_512 = arith.constant 80 : index
      %get3A_513 = tpu.vector_load %arg4[%get3A_511, %get3A_512] {strides = array<i32>} : memref<32x128xi32, #tpu.memory_space<vmem>>, vector<16xi32>,
      %min3A_514 = arith.minsi %min3A_509, %get3A_513 : vector<16xi32>
      %get3A_515 = arith.constant 29 : i32
      %get3A_516 = arith.index_cast %get3A_515 : i32 to index
      %get3A_517 = arith.constant 80 : index
      %get3A_518 = tpu.vector_load %arg4[%get3A_516, %get3A_517] {strides = array<i32>} : memref<32x128xi32, #tpu.memory_space<vmem>>, vector<16xi32>,
      %min3A_519 = arith.minsi %min3A_514, %get3A_518 : vector<16xi32>
      %get3A_520 = arith.constant 30 : i32
      %get3A_521 = arith.index_cast %get3A_520 : i32 to index
      %get3A_522 = arith.constant 80 : index
      %get3A_523 = tpu.vector_load %arg4[%get3A_521, %get3A_522] {strides = array<i32>} : memref<32x128xi32, #tpu.memory_space<vmem>>, vector<16xi32>,
      %min3A_524 = arith.minsi %min3A_519, %get3A_523 : vector<16xi32>
      %get3A_525 = arith.constant 31 : i32
      %get3A_526 = arith.index_cast %get3A_525 : i32 to index
      %get3A_527 = arith.constant 80 : index
      %get3A_528 = tpu.vector_load %arg4[%get3A_526, %get3A_527] {strides = array<i32>} : memref<32x128xi32, #tpu.memory_space<vmem>>, vector<16xi32>,
      %min3A_529 = arith.minsi %min3A_524, %get3A_528 : vector<16xi32>
      %rev3A_530 = arith.constant 15 : i32
      %rev3A_531 = vector.broadcast %rev3A_530 : i32 to vector<16xi32>
      %rev3A_532 = tpu.iota {dimensions = array<i32: 0>} : vector<16xi32>
      %rev3A_533 = arith.subi %rev3A_531, %rev3A_532 : vector<16xi32>
      %rev3A_534 = tpu.dynamic_gather %min3A_529[%rev3A_533] in [0] : vector<16xi32>, vector<16xi32> -> vector<16xi32>
      %neg3A_535 = arith.constant 0 : i32
      %neg3A_536 = vector.broadcast %neg3A_535 : i32 to vector<16xi32>
      %neg3A_537 = arith.subi %neg3A_536, %rev3A_534 : vector<16xi32>
      %broadcast_in_dim3A_538 = arith.constant true
      %broadcast_in_dim3A_539 = vector.broadcast %broadcast_in_dim3A_538 : i1 to vector<16xi1>
      %masked_cummax3A_540 = arith.constant -2147483648 : i32
      %masked_cummax3A_541 = vector.broadcast %masked_cummax3A_540 : i32 to vector<16xi32>
      %masked_cummax3A_542 = arith.xori %neg3A_537, %masked_cummax3A_541 : vector<16xi32>
      %masked_cummax3A_543 = tpu.scan <max>, %masked_cummax3A_542 masked %broadcast_in_dim3A_539 : vector<16xi32>, vector<16xi1> -> vector<16xi32>
      %masked_cummax3A_544 = arith.xori %masked_cummax3A_543, %masked_cummax3A_541 : vector<16xi32>
      %neg3A_545 = arith.constant 0 : i32
      %neg3A_546 = vector.broadcast %neg3A_545 : i32 to vector<16xi32>
      %neg3A_547 = arith.subi %neg3A_546, %masked_cummax3A_544 : vector<16xi32>
      %rev3A_548 = arith.constant 15 : i32
      %rev3A_549 = vector.broadcast %rev3A_548 : i32 to vector<16xi32>
      %rev3A_550 = tpu.iota {dimensions = array<i32: 0>} : vector<16xi32>
      %rev3A_551 = arith.subi %rev3A_549, %rev3A_550 : vector<16xi32>
      %rev3A_552 = tpu.dynamic_gather %neg3A_547[%rev3A_551] in [0] : vector<16xi32>, vector<16xi32> -> vector<16xi32>
      %min3A_553 = vector.broadcast %squeeze3A_370 : i32 to vector<16xi32>
      %min3A_554 = arith.minsi %rev3A_552, %min3A_553 : vector<16xi32>
      %swap3A_555 = arith.constant 80 : index
      %swap3A_556 = tpu.vector_load %arg5[%swap3A_555] {strides = array<i32>} : memref<128xi32, #tpu.memory_space<vmem>>, vector<16xi32>,
      tpu.vector_store %arg5[%swap3A_555], %min3A_554 {strides = array<i32>} : memref<128xi32, #tpu.memory_space<vmem>>, vector<16xi32>,
      %slice3A_557 = vector.extract_strided_slice %min3A_554 {offsets = [0], sizes = [1], strides = [1]} : vector<16xi32> to vector<1xi32>
      %squeeze3A_558 = vector.extract %slice3A_557[0] : i32 from vector<1xi32>
      %get3A_559 = arith.constant 0 : i32
      %get3A_560 = arith.index_cast %get3A_559 : i32 to index
      %get3A_561 = arith.constant 64 : index
      %get3A_562 = tpu.vector_load %arg4[%get3A_560, %get3A_561] {strides = array<i32>} : memref<32x128xi32, #tpu.memory_space<vmem>>, vector<16xi32>,
      %get3A_563 = arith.constant 1 : i32
      %get3A_564 = arith.index_cast %get3A_563 : i32 to index
      %get3A_565 = arith.constant 64 : index
      %get3A_566 = tpu.vector_load %arg4[%get3A_564, %get3A_565] {strides = array<i32>} : memref<32x128xi32, #tpu.memory_space<vmem>>, vector<16xi32>,
      %min3A_567 = arith.minsi %get3A_562, %get3A_566 : vector<16xi32>
      %get3A_568 = arith.constant 2 : i32
      %get3A_569 = arith.index_cast %get3A_568 : i32 to index
      %get3A_570 = arith.constant 64 : index
      %get3A_571 = tpu.vector_load %arg4[%get3A_569, %get3A_570] {strides = array<i32>} : memref<32x128xi32, #tpu.memory_space<vmem>>, vector<16xi32>,
      %min3A_572 = arith.minsi %min3A_567, %get3A_571 : vector<16xi32>
      %get3A_573 = arith.constant 3 : i32
      %get3A_574 = arith.index_cast %get3A_573 : i32 to index
      %get3A_575 = arith.constant 64 : index
      %get3A_576 = tpu.vector_load %arg4[%get3A_574, %get3A_575] {strides = array<i32>} : memref<32x128xi32, #tpu.memory_space<vmem>>, vector<16xi32>,
      %min3A_577 = arith.minsi %min3A_572, %get3A_576 : vector<16xi32>
      %get3A_578 = arith.constant 4 : i32
      %get3A_579 = arith.index_cast %get3A_578 : i32 to index
      %get3A_580 = arith.constant 64 : index
      %get3A_581 = tpu.vector_load %arg4[%get3A_579, %get3A_580] {strides = array<i32>} : memref<32x128xi32, #tpu.memory_space<vmem>>, vector<16xi32>,
      %min3A_582 = arith.minsi %min3A_577, %get3A_581 : vector<16xi32>
      %get3A_583 = arith.constant 5 : i32
      %get3A_584 = arith.index_cast %get3A_583 : i32 to index
      %get3A_585 = arith.constant 64 : index
      %get3A_586 = tpu.vector_load %arg4[%get3A_584, %get3A_585] {strides = array<i32>} : memref<32x128xi32, #tpu.memory_space<vmem>>, vector<16xi32>,
      %min3A_587 = arith.minsi %min3A_582, %get3A_586 : vector<16xi32>
      %get3A_588 = arith.constant 6 : i32
      %get3A_589 = arith.index_cast %get3A_588 : i32 to index
      %get3A_590 = arith.constant 64 : index
      %get3A_591 = tpu.vector_load %arg4[%get3A_589, %get3A_590] {strides = array<i32>} : memref<32x128xi32, #tpu.memory_space<vmem>>, vector<16xi32>,
      %min3A_592 = arith.minsi %min3A_587, %get3A_591 : vector<16xi32>
      %get3A_593 = arith.constant 7 : i32
      %get3A_594 = arith.index_cast %get3A_593 : i32 to index
      %get3A_595 = arith.constant 64 : index
      %get3A_596 = tpu.vector_load %arg4[%get3A_594, %get3A_595] {strides = array<i32>} : memref<32x128xi32, #tpu.memory_space<vmem>>, vector<16xi32>,
      %min3A_597 = arith.minsi %min3A_592, %get3A_596 : vector<16xi32>
      %get3A_598 = arith.constant 8 : i32
      %get3A_599 = arith.index_cast %get3A_598 : i32 to index
      %get3A_600 = arith.constant 64 : index
      %get3A_601 = tpu.vector_load %arg4[%get3A_599, %get3A_600] {strides = array<i32>} : memref<32x128xi32, #tpu.memory_space<vmem>>, vector<16xi32>,
      %min3A_602 = arith.minsi %min3A_597, %get3A_601 : vector<16xi32>
      %get3A_603 = arith.constant 9 : i32
      %get3A_604 = arith.index_cast %get3A_603 : i32 to index
      %get3A_605 = arith.constant 64 : index
      %get3A_606 = tpu.vector_load %arg4[%get3A_604, %get3A_605] {strides = array<i32>} : memref<32x128xi32, #tpu.memory_space<vmem>>, vector<16xi32>,
      %min3A_607 = arith.minsi %min3A_602, %get3A_606 : vector<16xi32>
      %get3A_608 = arith.constant 10 : i32
      %get3A_609 = arith.index_cast %get3A_608 : i32 to index
      %get3A_610 = arith.constant 64 : index
      %get3A_611 = tpu.vector_load %arg4[%get3A_609, %get3A_610] {strides = array<i32>} : memref<32x128xi32, #tpu.memory_space<vmem>>, vector<16xi32>,
      %min3A_612 = arith.minsi %min3A_607, %get3A_611 : vector<16xi32>
      %get3A_613 = arith.constant 11 : i32
      %get3A_614 = arith.index_cast %get3A_613 : i32 to index
      %get3A_615 = arith.constant 64 : index
      %get3A_616 = tpu.vector_load %arg4[%get3A_614, %get3A_615] {strides = array<i32>} : memref<32x128xi32, #tpu.memory_space<vmem>>, vector<16xi32>,
      %min3A_617 = arith.minsi %min3A_612, %get3A_616 : vector<16xi32>
      %get3A_618 = arith.constant 12 : i32
      %get3A_619 = arith.index_cast %get3A_618 : i32 to index
      %get3A_620 = arith.constant 64 : index
      %get3A_621 = tpu.vector_load %arg4[%get3A_619, %get3A_620] {strides = array<i32>} : memref<32x128xi32, #tpu.memory_space<vmem>>, vector<16xi32>,
      %min3A_622 = arith.minsi %min3A_617, %get3A_621 : vector<16xi32>
      %get3A_623 = arith.constant 13 : i32
      %get3A_624 = arith.index_cast %get3A_623 : i32 to index
      %get3A_625 = arith.constant 64 : index
      %get3A_626 = tpu.vector_load %arg4[%get3A_624, %get3A_625] {strides = array<i32>} : memref<32x128xi32, #tpu.memory_space<vmem>>, vector<16xi32>,
      %min3A_627 = arith.minsi %min3A_622, %get3A_626 : vector<16xi32>
      %get3A_628 = arith.constant 14 : i32
      %get3A_629 = arith.index_cast %get3A_628 : i32 to index
      %get3A_630 = arith.constant 64 : index
      %get3A_631 = tpu.vector_load %arg4[%get3A_629, %get3A_630] {strides = array<i32>} : memref<32x128xi32, #tpu.memory_space<vmem>>, vector<16xi32>,
      %min3A_632 = arith.minsi %min3A_627, %get3A_631 : vector<16xi32>
      %get3A_633 = arith.constant 15 : i32
      %get3A_634 = arith.index_cast %get3A_633 : i32 to index
      %get3A_635 = arith.constant 64 : index
      %get3A_636 = tpu.vector_load %arg4[%get3A_634, %get3A_635] {strides = array<i32>} : memref<32x128xi32, #tpu.memory_space<vmem>>, vector<16xi32>,
      %min3A_637 = arith.minsi %min3A_632, %get3A_636 : vector<16xi32>
      %get3A_638 = arith.constant 16 : i32
      %get3A_639 = arith.index_cast %get3A_638 : i32 to index
      %get3A_640 = arith.constant 64 : index
      %get3A_641 = tpu.vector_load %arg4[%get3A_639, %get3A_640] {strides = array<i32>} : memref<32x128xi32, #tpu.memory_space<vmem>>, vector<16xi32>,
      %min3A_642 = arith.minsi %min3A_637, %get3A_641 : vector<16xi32>
      %get3A_643 = arith.constant 17 : i32
      %get3A_644 = arith.index_cast %get3A_643 : i32 to index
      %get3A_645 = arith.constant 64 : index
      %get3A_646 = tpu.vector_load %arg4[%get3A_644, %get3A_645] {strides = array<i32>} : memref<32x128xi32, #tpu.memory_space<vmem>>, vector<16xi32>,
      %min3A_647 = arith.minsi %min3A_642, %get3A_646 : vector<16xi32>
      %get3A_648 = arith.constant 18 : i32
      %get3A_649 = arith.index_cast %get3A_648 : i32 to index
      %get3A_650 = arith.constant 64 : index
      %get3A_651 = tpu.vector_load %arg4[%get3A_649, %get3A_650] {strides = array<i32>} : memref<32x128xi32, #tpu.memory_space<vmem>>, vector<16xi32>,
      %min3A_652 = arith.minsi %min3A_647, %get3A_651 : vector<16xi32>
      %get3A_653 = arith.constant 19 : i32
      %get3A_654 = arith.index_cast %get3A_653 : i32 to index
      %get3A_655 = arith.constant 64 : index
      %get3A_656 = tpu.vector_load %arg4[%get3A_654, %get3A_655] {strides = array<i32>} : memref<32x128xi32, #tpu.memory_space<vmem>>, vector<16xi32>,
      %min3A_657 = arith.minsi %min3A_652, %get3A_656 : vector<16xi32>
      %get3A_658 = arith.constant 20 : i32
      %get3A_659 = arith.index_cast %get3A_658 : i32 to index
      %get3A_660 = arith.constant 64 : index
      %get3A_661 = tpu.vector_load %arg4[%get3A_659, %get3A_660] {strides = array<i32>} : memref<32x128xi32, #tpu.memory_space<vmem>>, vector<16xi32>,
      %min3A_662 = arith.minsi %min3A_657, %get3A_661 : vector<16xi32>
      %get3A_663 = arith.constant 21 : i32
      %get3A_664 = arith.index_cast %get3A_663 : i32 to index
      %get3A_665 = arith.constant 64 : index
      %get3A_666 = tpu.vector_load %arg4[%get3A_664, %get3A_665] {strides = array<i32>} : memref<32x128xi32, #tpu.memory_space<vmem>>, vector<16xi32>,
      %min3A_667 = arith.minsi %min3A_662, %get3A_666 : vector<16xi32>
      %get3A_668 = arith.constant 22 : i32
      %get3A_669 = arith.index_cast %get3A_668 : i32 to index
      %get3A_670 = arith.constant 64 : index
      %get3A_671 = tpu.vector_load %arg4[%get3A_669, %get3A_670] {strides = array<i32>} : memref<32x128xi32, #tpu.memory_space<vmem>>, vector<16xi32>,
      %min3A_672 = arith.minsi %min3A_667, %get3A_671 : vector<16xi32>
      %get3A_673 = arith.constant 23 : i32
      %get3A_674 = arith.index_cast %get3A_673 : i32 to index
      %get3A_675 = arith.constant 64 : index
      %get3A_676 = tpu.vector_load %arg4[%get3A_674, %get3A_675] {strides = array<i32>} : memref<32x128xi32, #tpu.memory_space<vmem>>, vector<16xi32>,
      %min3A_677 = arith.minsi %min3A_672, %get3A_676 : vector<16xi32>
      %get3A_678 = arith.constant 24 : i32
      %get3A_679 = arith.index_cast %get3A_678 : i32 to index
      %get3A_680 = arith.constant 64 : index
      %get3A_681 = tpu.vector_load %arg4[%get3A_679, %get3A_680] {strides = array<i32>} : memref<32x128xi32, #tpu.memory_space<vmem>>, vector<16xi32>,
      %min3A_682 = arith.minsi %min3A_677, %get3A_681 : vector<16xi32>
      %get3A_683 = arith.constant 25 : i32
      %get3A_684 = arith.index_cast %get3A_683 : i32 to index
      %get3A_685 = arith.constant 64 : index
      %get3A_686 = tpu.vector_load %arg4[%get3A_684, %get3A_685] {strides = array<i32>} : memref<32x128xi32, #tpu.memory_space<vmem>>, vector<16xi32>,
      %min3A_687 = arith.minsi %min3A_682, %get3A_686 : vector<16xi32>
      %get3A_688 = arith.constant 26 : i32
      %get3A_689 = arith.index_cast %get3A_688 : i32 to index
      %get3A_690 = arith.constant 64 : index
      %get3A_691 = tpu.vector_load %arg4[%get3A_689, %get3A_690] {strides = array<i32>} : memref<32x128xi32, #tpu.memory_space<vmem>>, vector<16xi32>,
      %min3A_692 = arith.minsi %min3A_687, %get3A_691 : vector<16xi32>
      %get3A_693 = arith.constant 27 : i32
      %get3A_694 = arith.index_cast %get3A_693 : i32 to index
      %get3A_695 = arith.constant 64 : index
      %get3A_696 = tpu.vector_load %arg4[%get3A_694, %get3A_695] {strides = array<i32>} : memref<32x128xi32, #tpu.memory_space<vmem>>, vector<16xi32>,
      %min3A_697 = arith.minsi %min3A_692, %get3A_696 : vector<16xi32>
      %get3A_698 = arith.constant 28 : i32
      %get3A_699 = arith.index_cast %get3A_698 : i32 to index
      %get3A_700 = arith.constant 64 : index
      %get3A_701 = tpu.vector_load %arg4[%get3A_699, %get3A_700] {strides = array<i32>} : memref<32x128xi32, #tpu.memory_space<vmem>>, vector<16xi32>,
      %min3A_702 = arith.minsi %min3A_697, %get3A_701 : vector<16xi32>
      %get3A_703 = arith.constant 29 : i32
      %get3A_704 = arith.index_cast %get3A_703 : i32 to index
      %get3A_705 = arith.constant 64 : index
      %get3A_706 = tpu.vector_load %arg4[%get3A_704, %get3A_705] {strides = array<i32>} : memref<32x128xi32, #tpu.memory_space<vmem>>, vector<16xi32>,
      %min3A_707 = arith.minsi %min3A_702, %get3A_706 : vector<16xi32>
      %get3A_708 = arith.constant 30 : i32
      %get3A_709 = arith.index_cast %get3A_708 : i32 to index
      %get3A_710 = arith.constant 64 : index
      %get3A_711 = tpu.vector_load %arg4[%get3A_709, %get3A_710] {strides = array<i32>} : memref<32x128xi32, #tpu.memory_space<vmem>>, vector<16xi32>,
      %min3A_712 = arith.minsi %min3A_707, %get3A_711 : vector<16xi32>
      %get3A_713 = arith.constant 31 : i32
      %get3A_714 = arith.index_cast %get3A_713 : i32 to index
      %get3A_715 = arith.constant 64 : index
      %get3A_716 = tpu.vector_load %arg4[%get3A_714, %get3A_715] {strides = array<i32>} : memref<32x128xi32, #tpu.memory_space<vmem>>, vector<16xi32>,
      %min3A_717 = arith.minsi %min3A_712, %get3A_716 : vector<16xi32>
      %rev3A_718 = arith.constant 15 : i32
      %rev3A_719 = vector.broadcast %rev3A_718 : i32 to vector<16xi32>
      %rev3A_720 = tpu.iota {dimensions = array<i32: 0>} : vector<16xi32>
      %rev3A_721 = arith.subi %rev3A_719, %rev3A_720 : vector<16xi32>
      %rev3A_722 = tpu.dynamic_gather %min3A_717[%rev3A_721] in [0] : vector<16xi32>, vector<16xi32> -> vector<16xi32>
      %neg3A_723 = arith.constant 0 : i32
      %neg3A_724 = vector.broadcast %neg3A_723 : i32 to vector<16xi32>
      %neg3A_725 = arith.subi %neg3A_724, %rev3A_722 : vector<16xi32>
      %broadcast_in_dim3A_726 = arith.constant true
      %broadcast_in_dim3A_727 = vector.broadcast %broadcast_in_dim3A_726 : i1 to vector<16xi1>
      %masked_cummax3A_728 = arith.constant -2147483648 : i32
      %masked_cummax3A_729 = vector.broadcast %masked_cummax3A_728 : i32 to vector<16xi32>
      %masked_cummax3A_730 = arith.xori %neg3A_725, %masked_cummax3A_729 : vector<16xi32>
      %masked_cummax3A_731 = tpu.scan <max>, %masked_cummax3A_730 masked %broadcast_in_dim3A_727 : vector<16xi32>, vector<16xi1> -> vector<16xi32>
      %masked_cummax3A_732 = arith.xori %masked_cummax3A_731, %masked_cummax3A_729 : vector<16xi32>
      %neg3A_733 = arith.constant 0 : i32
      %neg3A_734 = vector.broadcast %neg3A_733 : i32 to vector<16xi32>
      %neg3A_735 = arith.subi %neg3A_734, %masked_cummax3A_732 : vector<16xi32>
      %rev3A_736 = arith.constant 15 : i32
      %rev3A_737 = vector.broadcast %rev3A_736 : i32 to vector<16xi32>
      %rev3A_738 = tpu.iota {dimensions = array<i32: 0>} : vector<16xi32>
      %rev3A_739 = arith.subi %rev3A_737, %rev3A_738 : vector<16xi32>
      %rev3A_740 = tpu.dynamic_gather %neg3A_735[%rev3A_739] in [0] : vector<16xi32>, vector<16xi32> -> vector<16xi32>
      %min3A_741 = vector.broadcast %squeeze3A_558 : i32 to vector<16xi32>
      %min3A_742 = arith.minsi %rev3A_740, %min3A_741 : vector<16xi32>
      %swap3A_743 = arith.constant 64 : index
      %swap3A_744 = tpu.vector_load %arg5[%swap3A_743] {strides = array<i32>} : memref<128xi32, #tpu.memory_space<vmem>>, vector<16xi32>,
      tpu.vector_store %arg5[%swap3A_743], %min3A_742 {strides = array<i32>} : memref<128xi32, #tpu.memory_space<vmem>>, vector<16xi32>,
      %slice3A_745 = vector.extract_strided_slice %min3A_742 {offsets = [0], sizes = [1], strides = [1]} : vector<16xi32> to vector<1xi32>
      %squeeze3A_746 = vector.extract %slice3A_745[0] : i32 from vector<1xi32>
      %get3A_747 = arith.constant 0 : i32
      %get3A_748 = arith.index_cast %get3A_747 : i32 to index
      %get3A_749 = arith.constant 48 : index
      %get3A_750 = tpu.vector_load %arg4[%get3A_748, %get3A_749] {strides = array<i32>} : memref<32x128xi32, #tpu.memory_space<vmem>>, vector<16xi32>,
      %get3A_751 = arith.constant 1 : i32
      %get3A_752 = arith.index_cast %get3A_751 : i32 to index
      %get3A_753 = arith.constant 48 : index
      %get3A_754 = tpu.vector_load %arg4[%get3A_752, %get3A_753] {strides = array<i32>} : memref<32x128xi32, #tpu.memory_space<vmem>>, vector<16xi32>,
      %min3A_755 = arith.minsi %get3A_750, %get3A_754 : vector<16xi32>
      %get3A_756 = arith.constant 2 : i32
      %get3A_757 = arith.index_cast %get3A_756 : i32 to index
      %get3A_758 = arith.constant 48 : index
      %get3A_759 = tpu.vector_load %arg4[%get3A_757, %get3A_758] {strides = array<i32>} : memref<32x128xi32, #tpu.memory_space<vmem>>, vector<16xi32>,
      %min3A_760 = arith.minsi %min3A_755, %get3A_759 : vector<16xi32>
      %get3A_761 = arith.constant 3 : i32
      %get3A_762 = arith.index_cast %get3A_761 : i32 to index
      %get3A_763 = arith.constant 48 : index
      %get3A_764 = tpu.vector_load %arg4[%get3A_762, %get3A_763] {strides = array<i32>} : memref<32x128xi32, #tpu.memory_space<vmem>>, vector<16xi32>,
      %min3A_765 = arith.minsi %min3A_760, %get3A_764 : vector<16xi32>
      %get3A_766 = arith.constant 4 : i32
      %get3A_767 = arith.index_cast %get3A_766 : i32 to index
      %get3A_768 = arith.constant 48 : index
      %get3A_769 = tpu.vector_load %arg4[%get3A_767, %get3A_768] {strides = array<i32>} : memref<32x128xi32, #tpu.memory_space<vmem>>, vector<16xi32>,
      %min3A_770 = arith.minsi %min3A_765, %get3A_769 : vector<16xi32>
      %get3A_771 = arith.constant 5 : i32
      %get3A_772 = arith.index_cast %get3A_771 : i32 to index
      %get3A_773 = arith.constant 48 : index
      %get3A_774 = tpu.vector_load %arg4[%get3A_772, %get3A_773] {strides = array<i32>} : memref<32x128xi32, #tpu.memory_space<vmem>>, vector<16xi32>,
      %min3A_775 = arith.minsi %min3A_770, %get3A_774 : vector<16xi32>
      %get3A_776 = arith.constant 6 : i32
      %get3A_777 = arith.index_cast %get3A_776 : i32 to index
      %get3A_778 = arith.constant 48 : index
      %get3A_779 = tpu.vector_load %arg4[%get3A_777, %get3A_778] {strides = array<i32>} : memref<32x128xi32, #tpu.memory_space<vmem>>, vector<16xi32>,
      %min3A_780 = arith.minsi %min3A_775, %get3A_779 : vector<16xi32>
      %get3A_781 = arith.constant 7 : i32
      %get3A_782 = arith.index_cast %get3A_781 : i32 to index
      %get3A_783 = arith.constant 48 : index
      %get3A_784 = tpu.vector_load %arg4[%get3A_782, %get3A_783] {strides = array<i32>} : memref<32x128xi32, #tpu.memory_space<vmem>>, vector<16xi32>,
      %min3A_785 = arith.minsi %min3A_780, %get3A_784 : vector<16xi32>
      %get3A_786 = arith.constant 8 : i32
      %get3A_787 = arith.index_cast %get3A_786 : i32 to index
      %get3A_788 = arith.constant 48 : index
      %get3A_789 = tpu.vector_load %arg4[%get3A_787, %get3A_788] {strides = array<i32>} : memref<32x128xi32, #tpu.memory_space<vmem>>, vector<16xi32>,
      %min3A_790 = arith.minsi %min3A_785, %get3A_789 : vector<16xi32>
      %get3A_791 = arith.constant 9 : i32
      %get3A_792 = arith.index_cast %get3A_791 : i32 to index
      %get3A_793 = arith.constant 48 : index
      %get3A_794 = tpu.vector_load %arg4[%get3A_792, %get3A_793] {strides = array<i32>} : memref<32x128xi32, #tpu.memory_space<vmem>>, vector<16xi32>,
      %min3A_795 = arith.minsi %min3A_790, %get3A_794 : vector<16xi32>
      %get3A_796 = arith.constant 10 : i32
      %get3A_797 = arith.index_cast %get3A_796 : i32 to index
      %get3A_798 = arith.constant 48 : index
      %get3A_799 = tpu.vector_load %arg4[%get3A_797, %get3A_798] {strides = array<i32>} : memref<32x128xi32, #tpu.memory_space<vmem>>, vector<16xi32>,
      %min3A_800 = arith.minsi %min3A_795, %get3A_799 : vector<16xi32>
      %get3A_801 = arith.constant 11 : i32
      %get3A_802 = arith.index_cast %get3A_801 : i32 to index
      %get3A_803 = arith.constant 48 : index
      %get3A_804 = tpu.vector_load %arg4[%get3A_802, %get3A_803] {strides = array<i32>} : memref<32x128xi32, #tpu.memory_space<vmem>>, vector<16xi32>,
      %min3A_805 = arith.minsi %min3A_800, %get3A_804 : vector<16xi32>
      %get3A_806 = arith.constant 12 : i32
      %get3A_807 = arith.index_cast %get3A_806 : i32 to index
      %get3A_808 = arith.constant 48 : index
      %get3A_809 = tpu.vector_load %arg4[%get3A_807, %get3A_808] {strides = array<i32>} : memref<32x128xi32, #tpu.memory_space<vmem>>, vector<16xi32>,
      %min3A_810 = arith.minsi %min3A_805, %get3A_809 : vector<16xi32>
      %get3A_811 = arith.constant 13 : i32
      %get3A_812 = arith.index_cast %get3A_811 : i32 to index
      %get3A_813 = arith.constant 48 : index
      %get3A_814 = tpu.vector_load %arg4[%get3A_812, %get3A_813] {strides = array<i32>} : memref<32x128xi32, #tpu.memory_space<vmem>>, vector<16xi32>,
      %min3A_815 = arith.minsi %min3A_810, %get3A_814 : vector<16xi32>
      %get3A_816 = arith.constant 14 : i32
      %get3A_817 = arith.index_cast %get3A_816 : i32 to index
      %get3A_818 = arith.constant 48 : index
      %get3A_819 = tpu.vector_load %arg4[%get3A_817, %get3A_818] {strides = array<i32>} : memref<32x128xi32, #tpu.memory_space<vmem>>, vector<16xi32>,
      %min3A_820 = arith.minsi %min3A_815, %get3A_819 : vector<16xi32>
      %get3A_821 = arith.constant 15 : i32
      %get3A_822 = arith.index_cast %get3A_821 : i32 to index
      %get3A_823 = arith.constant 48 : index
      %get3A_824 = tpu.vector_load %arg4[%get3A_822, %get3A_823] {strides = array<i32>} : memref<32x128xi32, #tpu.memory_space<vmem>>, vector<16xi32>,
      %min3A_825 = arith.minsi %min3A_820, %get3A_824 : vector<16xi32>
      %get3A_826 = arith.constant 16 : i32
      %get3A_827 = arith.index_cast %get3A_826 : i32 to index
      %get3A_828 = arith.constant 48 : index
      %get3A_829 = tpu.vector_load %arg4[%get3A_827, %get3A_828] {strides = array<i32>} : memref<32x128xi32, #tpu.memory_space<vmem>>, vector<16xi32>,
      %min3A_830 = arith.minsi %min3A_825, %get3A_829 : vector<16xi32>
      %get3A_831 = arith.constant 17 : i32
      %get3A_832 = arith.index_cast %get3A_831 : i32 to index
      %get3A_833 = arith.constant 48 : index
      %get3A_834 = tpu.vector_load %arg4[%get3A_832, %get3A_833] {strides = array<i32>} : memref<32x128xi32, #tpu.memory_space<vmem>>, vector<16xi32>,
      %min3A_835 = arith.minsi %min3A_830, %get3A_834 : vector<16xi32>
      %get3A_836 = arith.constant 18 : i32
      %get3A_837 = arith.index_cast %get3A_836 : i32 to index
      %get3A_838 = arith.constant 48 : index
      %get3A_839 = tpu.vector_load %arg4[%get3A_837, %get3A_838] {strides = array<i32>} : memref<32x128xi32, #tpu.memory_space<vmem>>, vector<16xi32>,
      %min3A_840 = arith.minsi %min3A_835, %get3A_839 : vector<16xi32>
      %get3A_841 = arith.constant 19 : i32
      %get3A_842 = arith.index_cast %get3A_841 : i32 to index
      %get3A_843 = arith.constant 48 : index
      %get3A_844 = tpu.vector_load %arg4[%get3A_842, %get3A_843] {strides = array<i32>} : memref<32x128xi32, #tpu.memory_space<vmem>>, vector<16xi32>,
      %min3A_845 = arith.minsi %min3A_840, %get3A_844 : vector<16xi32>
      %get3A_846 = arith.constant 20 : i32
      %get3A_847 = arith.index_cast %get3A_846 : i32 to index
      %get3A_848 = arith.constant 48 : index
      %get3A_849 = tpu.vector_load %arg4[%get3A_847, %get3A_848] {strides = array<i32>} : memref<32x128xi32, #tpu.memory_space<vmem>>, vector<16xi32>,
      %min3A_850 = arith.minsi %min3A_845, %get3A_849 : vector<16xi32>
      %get3A_851 = arith.constant 21 : i32
      %get3A_852 = arith.index_cast %get3A_851 : i32 to index
      %get3A_853 = arith.constant 48 : index
      %get3A_854 = tpu.vector_load %arg4[%get3A_852, %get3A_853] {strides = array<i32>} : memref<32x128xi32, #tpu.memory_space<vmem>>, vector<16xi32>,
      %min3A_855 = arith.minsi %min3A_850, %get3A_854 : vector<16xi32>
      %get3A_856 = arith.constant 22 : i32
      %get3A_857 = arith.index_cast %get3A_856 : i32 to index
      %get3A_858 = arith.constant 48 : index
      %get3A_859 = tpu.vector_load %arg4[%get3A_857, %get3A_858] {strides = array<i32>} : memref<32x128xi32, #tpu.memory_space<vmem>>, vector<16xi32>,
      %min3A_860 = arith.minsi %min3A_855, %get3A_859 : vector<16xi32>
      %get3A_861 = arith.constant 23 : i32
      %get3A_862 = arith.index_cast %get3A_861 : i32 to index
      %get3A_863 = arith.constant 48 : index
      %get3A_864 = tpu.vector_load %arg4[%get3A_862, %get3A_863] {strides = array<i32>} : memref<32x128xi32, #tpu.memory_space<vmem>>, vector<16xi32>,
      %min3A_865 = arith.minsi %min3A_860, %get3A_864 : vector<16xi32>
      %get3A_866 = arith.constant 24 : i32
      %get3A_867 = arith.index_cast %get3A_866 : i32 to index
      %get3A_868 = arith.constant 48 : index
      %get3A_869 = tpu.vector_load %arg4[%get3A_867, %get3A_868] {strides = array<i32>} : memref<32x128xi32, #tpu.memory_space<vmem>>, vector<16xi32>,
      %min3A_870 = arith.minsi %min3A_865, %get3A_869 : vector<16xi32>
      %get3A_871 = arith.constant 25 : i32
      %get3A_872 = arith.index_cast %get3A_871 : i32 to index
      %get3A_873 = arith.constant 48 : index
      %get3A_874 = tpu.vector_load %arg4[%get3A_872, %get3A_873] {strides = array<i32>} : memref<32x128xi32, #tpu.memory_space<vmem>>, vector<16xi32>,
      %min3A_875 = arith.minsi %min3A_870, %get3A_874 : vector<16xi32>
      %get3A_876 = arith.constant 26 : i32
      %get3A_877 = arith.index_cast %get3A_876 : i32 to index
      %get3A_878 = arith.constant 48 : index
      %get3A_879 = tpu.vector_load %arg4[%get3A_877, %get3A_878] {strides = array<i32>} : memref<32x128xi32, #tpu.memory_space<vmem>>, vector<16xi32>,
      %min3A_880 = arith.minsi %min3A_875, %get3A_879 : vector<16xi32>
      %get3A_881 = arith.constant 27 : i32
      %get3A_882 = arith.index_cast %get3A_881 : i32 to index
      %get3A_883 = arith.constant 48 : index
      %get3A_884 = tpu.vector_load %arg4[%get3A_882, %get3A_883] {strides = array<i32>} : memref<32x128xi32, #tpu.memory_space<vmem>>, vector<16xi32>,
      %min3A_885 = arith.minsi %min3A_880, %get3A_884 : vector<16xi32>
      %get3A_886 = arith.constant 28 : i32
      %get3A_887 = arith.index_cast %get3A_886 : i32 to index
      %get3A_888 = arith.constant 48 : index
      %get3A_889 = tpu.vector_load %arg4[%get3A_887, %get3A_888] {strides = array<i32>} : memref<32x128xi32, #tpu.memory_space<vmem>>, vector<16xi32>,
      %min3A_890 = arith.minsi %min3A_885, %get3A_889 : vector<16xi32>
      %get3A_891 = arith.constant 29 : i32
      %get3A_892 = arith.index_cast %get3A_891 : i32 to index
      %get3A_893 = arith.constant 48 : index
      %get3A_894 = tpu.vector_load %arg4[%get3A_892, %get3A_893] {strides = array<i32>} : memref<32x128xi32, #tpu.memory_space<vmem>>, vector<16xi32>,
      %min3A_895 = arith.minsi %min3A_890, %get3A_894 : vector<16xi32>
      %get3A_896 = arith.constant 30 : i32
      %get3A_897 = arith.index_cast %get3A_896 : i32 to index
      %get3A_898 = arith.constant 48 : index
      %get3A_899 = tpu.vector_load %arg4[%get3A_897, %get3A_898] {strides = array<i32>} : memref<32x128xi32, #tpu.memory_space<vmem>>, vector<16xi32>,
      %min3A_900 = arith.minsi %min3A_895, %get3A_899 : vector<16xi32>
      %get3A_901 = arith.constant 31 : i32
      %get3A_902 = arith.index_cast %get3A_901 : i32 to index
      %get3A_903 = arith.constant 48 : index
      %get3A_904 = tpu.vector_load %arg4[%get3A_902, %get3A_903] {strides = array<i32>} : memref<32x128xi32, #tpu.memory_space<vmem>>, vector<16xi32>,
      %min3A_905 = arith.minsi %min3A_900, %get3A_904 : vector<16xi32>
      %rev3A_906 = arith.constant 15 : i32
      %rev3A_907 = vector.broadcast %rev3A_906 : i32 to vector<16xi32>
      %rev3A_908 = tpu.iota {dimensions = array<i32: 0>} : vector<16xi32>
      %rev3A_909 = arith.subi %rev3A_907, %rev3A_908 : vector<16xi32>
      %rev3A_910 = tpu.dynamic_gather %min3A_905[%rev3A_909] in [0] : vector<16xi32>, vector<16xi32> -> vector<16xi32>
      %neg3A_911 = arith.constant 0 : i32
      %neg3A_912 = vector.broadcast %neg3A_911 : i32 to vector<16xi32>
      %neg3A_913 = arith.subi %neg3A_912, %rev3A_910 : vector<16xi32>
      %broadcast_in_dim3A_914 = arith.constant true
      %broadcast_in_dim3A_915 = vector.broadcast %broadcast_in_dim3A_914 : i1 to vector<16xi1>
      %masked_cummax3A_916 = arith.constant -2147483648 : i32
      %masked_cummax3A_917 = vector.broadcast %masked_cummax3A_916 : i32 to vector<16xi32>
      %masked_cummax3A_918 = arith.xori %neg3A_913, %masked_cummax3A_917 : vector<16xi32>
      %masked_cummax3A_919 = tpu.scan <max>, %masked_cummax3A_918 masked %broadcast_in_dim3A_915 : vector<16xi32>, vector<16xi1> -> vector<16xi32>
      %masked_cummax3A_920 = arith.xori %masked_cummax3A_919, %masked_cummax3A_917 : vector<16xi32>
      %neg3A_921 = arith.constant 0 : i32
      %neg3A_922 = vector.broadcast %neg3A_921 : i32 to vector<16xi32>
      %neg3A_923 = arith.subi %neg3A_922, %masked_cummax3A_920 : vector<16xi32>
      %rev3A_924 = arith.constant 15 : i32
      %rev3A_925 = vector.broadcast %rev3A_924 : i32 to vector<16xi32>
      %rev3A_926 = tpu.iota {dimensions = array<i32: 0>} : vector<16xi32>
      %rev3A_927 = arith.subi %rev3A_925, %rev3A_926 : vector<16xi32>
      %rev3A_928 = tpu.dynamic_gather %neg3A_923[%rev3A_927] in [0] : vector<16xi32>, vector<16xi32> -> vector<16xi32>
      %min3A_929 = vector.broadcast %squeeze3A_746 : i32 to vector<16xi32>
      %min3A_930 = arith.minsi %rev3A_928, %min3A_929 : vector<16xi32>
      %swap3A_931 = arith.constant 48 : index
      %swap3A_932 = tpu.vector_load %arg5[%swap3A_931] {strides = array<i32>} : memref<128xi32, #tpu.memory_space<vmem>>, vector<16xi32>,
      tpu.vector_store %arg5[%swap3A_931], %min3A_930 {strides = array<i32>} : memref<128xi32, #tpu.memory_space<vmem>>, vector<16xi32>,
      %slice3A_933 = vector.extract_strided_slice %min3A_930 {offsets = [0], sizes = [1], strides = [1]} : vector<16xi32> to vector<1xi32>
      %squeeze3A_934 = vector.extract %slice3A_933[0] : i32 from vector<1xi32>
      %get3A_935 = arith.constant 0 : i32
      %get3A_936 = arith.index_cast %get3A_935 : i32 to index
      %get3A_937 = arith.constant 32 : index
      %get3A_938 = tpu.vector_load %arg4[%get3A_936, %get3A_937] {strides = array<i32>} : memref<32x128xi32, #tpu.memory_space<vmem>>, vector<16xi32>,
      %get3A_939 = arith.constant 1 : i32
      %get3A_940 = arith.index_cast %get3A_939 : i32 to index
      %get3A_941 = arith.constant 32 : index
      %get3A_942 = tpu.vector_load %arg4[%get3A_940, %get3A_941] {strides = array<i32>} : memref<32x128xi32, #tpu.memory_space<vmem>>, vector<16xi32>,
      %min3A_943 = arith.minsi %get3A_938, %get3A_942 : vector<16xi32>
      %get3A_944 = arith.constant 2 : i32
      %get3A_945 = arith.index_cast %get3A_944 : i32 to index
      %get3A_946 = arith.constant 32 : index
      %get3A_947 = tpu.vector_load %arg4[%get3A_945, %get3A_946] {strides = array<i32>} : memref<32x128xi32, #tpu.memory_space<vmem>>, vector<16xi32>,
      %min3A_948 = arith.minsi %min3A_943, %get3A_947 : vector<16xi32>
      %get3A_949 = arith.constant 3 : i32
      %get3A_950 = arith.index_cast %get3A_949 : i32 to index
      %get3A_951 = arith.constant 32 : index
      %get3A_952 = tpu.vector_load %arg4[%get3A_950, %get3A_951] {strides = array<i32>} : memref<32x128xi32, #tpu.memory_space<vmem>>, vector<16xi32>,
      %min3A_953 = arith.minsi %min3A_948, %get3A_952 : vector<16xi32>
      %get3A_954 = arith.constant 4 : i32
      %get3A_955 = arith.index_cast %get3A_954 : i32 to index
      %get3A_956 = arith.constant 32 : index
      %get3A_957 = tpu.vector_load %arg4[%get3A_955, %get3A_956] {strides = array<i32>} : memref<32x128xi32, #tpu.memory_space<vmem>>, vector<16xi32>,
      %min3A_958 = arith.minsi %min3A_953, %get3A_957 : vector<16xi32>
      %get3A_959 = arith.constant 5 : i32
      %get3A_960 = arith.index_cast %get3A_959 : i32 to index
      %get3A_961 = arith.constant 32 : index
      %get3A_962 = tpu.vector_load %arg4[%get3A_960, %get3A_961] {strides = array<i32>} : memref<32x128xi32, #tpu.memory_space<vmem>>, vector<16xi32>,
      %min3A_963 = arith.minsi %min3A_958, %get3A_962 : vector<16xi32>
      %get3A_964 = arith.constant 6 : i32
      %get3A_965 = arith.index_cast %get3A_964 : i32 to index
      %get3A_966 = arith.constant 32 : index
      %get3A_967 = tpu.vector_load %arg4[%get3A_965, %get3A_966] {strides = array<i32>} : memref<32x128xi32, #tpu.memory_space<vmem>>, vector<16xi32>,
      %min3A_968 = arith.minsi %min3A_963, %get3A_967 : vector<16xi32>
      %get3A_969 = arith.constant 7 : i32
      %get3A_970 = arith.index_cast %get3A_969 : i32 to index
      %get3A_971 = arith.constant 32 : index
      %get3A_972 = tpu.vector_load %arg4[%get3A_970, %get3A_971] {strides = array<i32>} : memref<32x128xi32, #tpu.memory_space<vmem>>, vector<16xi32>,
      %min3A_973 = arith.minsi %min3A_968, %get3A_972 : vector<16xi32>
      %get3A_974 = arith.constant 8 : i32
      %get3A_975 = arith.index_cast %get3A_974 : i32 to index
      %get3A_976 = arith.constant 32 : index
      %get3A_977 = tpu.vector_load %arg4[%get3A_975, %get3A_976] {strides = array<i32>} : memref<32x128xi32, #tpu.memory_space<vmem>>, vector<16xi32>,
      %min3A_978 = arith.minsi %min3A_973, %get3A_977 : vector<16xi32>
      %get3A_979 = arith.constant 9 : i32
      %get3A_980 = arith.index_cast %get3A_979 : i32 to index
      %get3A_981 = arith.constant 32 : index
      %get3A_982 = tpu.vector_load %arg4[%get3A_980, %get3A_981] {strides = array<i32>} : memref<32x128xi32, #tpu.memory_space<vmem>>, vector<16xi32>,
      %min3A_983 = arith.minsi %min3A_978, %get3A_982 : vector<16xi32>
      %get3A_984 = arith.constant 10 : i32
      %get3A_985 = arith.index_cast %get3A_984 : i32 to index
      %get3A_986 = arith.constant 32 : index
      %get3A_987 = tpu.vector_load %arg4[%get3A_985, %get3A_986] {strides = array<i32>} : memref<32x128xi32, #tpu.memory_space<vmem>>, vector<16xi32>,
      %min3A_988 = arith.minsi %min3A_983, %get3A_987 : vector<16xi32>
      %get3A_989 = arith.constant 11 : i32
      %get3A_990 = arith.index_cast %get3A_989 : i32 to index
      %get3A_991 = arith.constant 32 : index
      %get3A_992 = tpu.vector_load %arg4[%get3A_990, %get3A_991] {strides = array<i32>} : memref<32x128xi32, #tpu.memory_space<vmem>>, vector<16xi32>,
      %min3A_993 = arith.minsi %min3A_988, %get3A_992 : vector<16xi32>
      %get3A_994 = arith.constant 12 : i32
      %get3A_995 = arith.index_cast %get3A_994 : i32 to index
      %get3A_996 = arith.constant 32 : index
      %get3A_997 = tpu.vector_load %arg4[%get3A_995, %get3A_996] {strides = array<i32>} : memref<32x128xi32, #tpu.memory_space<vmem>>, vector<16xi32>,
      %min3A_998 = arith.minsi %min3A_993, %get3A_997 : vector<16xi32>
      %get3A_999 = arith.constant 13 : i32
      %get3A_1000 = arith.index_cast %get3A_999 : i32 to index
      %get3A_1001 = arith.constant 32 : index
      %get3A_1002 = tpu.vector_load %arg4[%get3A_1000, %get3A_1001] {strides = array<i32>} : memref<32x128xi32, #tpu.memory_space<vmem>>, vector<16xi32>,
      %min3A_1003 = arith.minsi %min3A_998, %get3A_1002 : vector<16xi32>
      %get3A_1004 = arith.constant 14 : i32
      %get3A_1005 = arith.index_cast %get3A_1004 : i32 to index
      %get3A_1006 = arith.constant 32 : index
      %get3A_1007 = tpu.vector_load %arg4[%get3A_1005, %get3A_1006] {strides = array<i32>} : memref<32x128xi32, #tpu.memory_space<vmem>>, vector<16xi32>,
      %min3A_1008 = arith.minsi %min3A_1003, %get3A_1007 : vector<16xi32>
      %get3A_1009 = arith.constant 15 : i32
      %get3A_1010 = arith.index_cast %get3A_1009 : i32 to index
      %get3A_1011 = arith.constant 32 : index
      %get3A_1012 = tpu.vector_load %arg4[%get3A_1010, %get3A_1011] {strides = array<i32>} : memref<32x128xi32, #tpu.memory_space<vmem>>, vector<16xi32>,
      %min3A_1013 = arith.minsi %min3A_1008, %get3A_1012 : vector<16xi32>
      %get3A_1014 = arith.constant 16 : i32
      %get3A_1015 = arith.index_cast %get3A_1014 : i32 to index
      %get3A_1016 = arith.constant 32 : index
      %get3A_1017 = tpu.vector_load %arg4[%get3A_1015, %get3A_1016] {strides = array<i32>} : memref<32x128xi32, #tpu.memory_space<vmem>>, vector<16xi32>,
      %min3A_1018 = arith.minsi %min3A_1013, %get3A_1017 : vector<16xi32>
      %get3A_1019 = arith.constant 17 : i32
      %get3A_1020 = arith.index_cast %get3A_1019 : i32 to index
      %get3A_1021 = arith.constant 32 : index
      %get3A_1022 = tpu.vector_load %arg4[%get3A_1020, %get3A_1021] {strides = array<i32>} : memref<32x128xi32, #tpu.memory_space<vmem>>, vector<16xi32>,
      %min3A_1023 = arith.minsi %min3A_1018, %get3A_1022 : vector<16xi32>
      %get3A_1024 = arith.constant 18 : i32
      %get3A_1025 = arith.index_cast %get3A_1024 : i32 to index
      %get3A_1026 = arith.constant 32 : index
      %get3A_1027 = tpu.vector_load %arg4[%get3A_1025, %get3A_1026] {strides = array<i32>} : memref<32x128xi32, #tpu.memory_space<vmem>>, vector<16xi32>,
      %min3A_1028 = arith.minsi %min3A_1023, %get3A_1027 : vector<16xi32>
      %get3A_1029 = arith.constant 19 : i32
      %get3A_1030 = arith.index_cast %get3A_1029 : i32 to index
      %get3A_1031 = arith.constant 32 : index
      %get3A_1032 = tpu.vector_load %arg4[%get3A_1030, %get3A_1031] {strides = array<i32>} : memref<32x128xi32, #tpu.memory_space<vmem>>, vector<16xi32>,
      %min3A_1033 = arith.minsi %min3A_1028, %get3A_1032 : vector<16xi32>
      %get3A_1034 = arith.constant 20 : i32
      %get3A_1035 = arith.index_cast %get3A_1034 : i32 to index
      %get3A_1036 = arith.constant 32 : index
      %get3A_1037 = tpu.vector_load %arg4[%get3A_1035, %get3A_1036] {strides = array<i32>} : memref<32x128xi32, #tpu.memory_space<vmem>>, vector<16xi32>,
      %min3A_1038 = arith.minsi %min3A_1033, %get3A_1037 : vector<16xi32>
      %get3A_1039 = arith.constant 21 : i32
      %get3A_1040 = arith.index_cast %get3A_1039 : i32 to index
      %get3A_1041 = arith.constant 32 : index
      %get3A_1042 = tpu.vector_load %arg4[%get3A_1040, %get3A_1041] {strides = array<i32>} : memref<32x128xi32, #tpu.memory_space<vmem>>, vector<16xi32>,
      %min3A_1043 = arith.minsi %min3A_1038, %get3A_1042 : vector<16xi32>
      %get3A_1044 = arith.constant 22 : i32
      %get3A_1045 = arith.index_cast %get3A_1044 : i32 to index
      %get3A_1046 = arith.constant 32 : index
      %get3A_1047 = tpu.vector_load %arg4[%get3A_1045, %get3A_1046] {strides = array<i32>} : memref<32x128xi32, #tpu.memory_space<vmem>>, vector<16xi32>,
      %min3A_1048 = arith.minsi %min3A_1043, %get3A_1047 : vector<16xi32>
      %get3A_1049 = arith.constant 23 : i32
      %get3A_1050 = arith.index_cast %get3A_1049 : i32 to index
      %get3A_1051 = arith.constant 32 : index
      %get3A_1052 = tpu.vector_load %arg4[%get3A_1050, %get3A_1051] {strides = array<i32>} : memref<32x128xi32, #tpu.memory_space<vmem>>, vector<16xi32>,
      %min3A_1053 = arith.minsi %min3A_1048, %get3A_1052 : vector<16xi32>
      %get3A_1054 = arith.constant 24 : i32
      %get3A_1055 = arith.index_cast %get3A_1054 : i32 to index
      %get3A_1056 = arith.constant 32 : index
      %get3A_1057 = tpu.vector_load %arg4[%get3A_1055, %get3A_1056] {strides = array<i32>} : memref<32x128xi32, #tpu.memory_space<vmem>>, vector<16xi32>,
      %min3A_1058 = arith.minsi %min3A_1053, %get3A_1057 : vector<16xi32>
      %get3A_1059 = arith.constant 25 : i32
      %get3A_1060 = arith.index_cast %get3A_1059 : i32 to index
      %get3A_1061 = arith.constant 32 : index
      %get3A_1062 = tpu.vector_load %arg4[%get3A_1060, %get3A_1061] {strides = array<i32>} : memref<32x128xi32, #tpu.memory_space<vmem>>, vector<16xi32>,
      %min3A_1063 = arith.minsi %min3A_1058, %get3A_1062 : vector<16xi32>
      %get3A_1064 = arith.constant 26 : i32
      %get3A_1065 = arith.index_cast %get3A_1064 : i32 to index
      %get3A_1066 = arith.constant 32 : index
      %get3A_1067 = tpu.vector_load %arg4[%get3A_1065, %get3A_1066] {strides = array<i32>} : memref<32x128xi32, #tpu.memory_space<vmem>>, vector<16xi32>,
      %min3A_1068 = arith.minsi %min3A_1063, %get3A_1067 : vector<16xi32>
      %get3A_1069 = arith.constant 27 : i32
      %get3A_1070 = arith.index_cast %get3A_1069 : i32 to index
      %get3A_1071 = arith.constant 32 : index
      %get3A_1072 = tpu.vector_load %arg4[%get3A_1070, %get3A_1071] {strides = array<i32>} : memref<32x128xi32, #tpu.memory_space<vmem>>, vector<16xi32>,
      %min3A_1073 = arith.minsi %min3A_1068, %get3A_1072 : vector<16xi32>
      %get3A_1074 = arith.constant 28 : i32
      %get3A_1075 = arith.index_cast %get3A_1074 : i32 to index
      %get3A_1076 = arith.constant 32 : index
      %get3A_1077 = tpu.vector_load %arg4[%get3A_1075, %get3A_1076] {strides = array<i32>} : memref<32x128xi32, #tpu.memory_space<vmem>>, vector<16xi32>,
      %min3A_1078 = arith.minsi %min3A_1073, %get3A_1077 : vector<16xi32>
      %get3A_1079 = arith.constant 29 : i32
      %get3A_1080 = arith.index_cast %get3A_1079 : i32 to index
      %get3A_1081 = arith.constant 32 : index
      %get3A_1082 = tpu.vector_load %arg4[%get3A_1080, %get3A_1081] {strides = array<i32>} : memref<32x128xi32, #tpu.memory_space<vmem>>, vector<16xi32>,
      %min3A_1083 = arith.minsi %min3A_1078, %get3A_1082 : vector<16xi32>
      %get3A_1084 = arith.constant 30 : i32
      %get3A_1085 = arith.index_cast %get3A_1084 : i32 to index
      %get3A_1086 = arith.constant 32 : index
      %get3A_1087 = tpu.vector_load %arg4[%get3A_1085, %get3A_1086] {strides = array<i32>} : memref<32x128xi32, #tpu.memory_space<vmem>>, vector<16xi32>,
      %min3A_1088 = arith.minsi %min3A_1083, %get3A_1087 : vector<16xi32>
      %get3A_1089 = arith.constant 31 : i32
      %get3A_1090 = arith.index_cast %get3A_1089 : i32 to index
      %get3A_1091 = arith.constant 32 : index
      %get3A_1092 = tpu.vector_load %arg4[%get3A_1090, %get3A_1091] {strides = array<i32>} : memref<32x128xi32, #tpu.memory_space<vmem>>, vector<16xi32>,
      %min3A_1093 = arith.minsi %min3A_1088, %get3A_1092 : vector<16xi32>
      %rev3A_1094 = arith.constant 15 : i32
      %rev3A_1095 = vector.broadcast %rev3A_1094 : i32 to vector<16xi32>
      %rev3A_1096 = tpu.iota {dimensions = array<i32: 0>} : vector<16xi32>
      %rev3A_1097 = arith.subi %rev3A_1095, %rev3A_1096 : vector<16xi32>
      %rev3A_1098 = tpu.dynamic_gather %min3A_1093[%rev3A_1097] in [0] : vector<16xi32>, vector<16xi32> -> vector<16xi32>
      %neg3A_1099 = arith.constant 0 : i32
      %neg3A_1100 = vector.broadcast %neg3A_1099 : i32 to vector<16xi32>
      %neg3A_1101 = arith.subi %neg3A_1100, %rev3A_1098 : vector<16xi32>
      %broadcast_in_dim3A_1102 = arith.constant true
      %broadcast_in_dim3A_1103 = vector.broadcast %broadcast_in_dim3A_1102 : i1 to vector<16xi1>
      %masked_cummax3A_1104 = arith.constant -2147483648 : i32
      %masked_cummax3A_1105 = vector.broadcast %masked_cummax3A_1104 : i32 to vector<16xi32>
      %masked_cummax3A_1106 = arith.xori %neg3A_1101, %masked_cummax3A_1105 : vector<16xi32>
      %masked_cummax3A_1107 = tpu.scan <max>, %masked_cummax3A_1106 masked %broadcast_in_dim3A_1103 : vector<16xi32>, vector<16xi1> -> vector<16xi32>
      %masked_cummax3A_1108 = arith.xori %masked_cummax3A_1107, %masked_cummax3A_1105 : vector<16xi32>
      %neg3A_1109 = arith.constant 0 : i32
      %neg3A_1110 = vector.broadcast %neg3A_1109 : i32 to vector<16xi32>
      %neg3A_1111 = arith.subi %neg3A_1110, %masked_cummax3A_1108 : vector<16xi32>
      %rev3A_1112 = arith.constant 15 : i32
      %rev3A_1113 = vector.broadcast %rev3A_1112 : i32 to vector<16xi32>
      %rev3A_1114 = tpu.iota {dimensions = array<i32: 0>} : vector<16xi32>
      %rev3A_1115 = arith.subi %rev3A_1113, %rev3A_1114 : vector<16xi32>
      %rev3A_1116 = tpu.dynamic_gather %neg3A_1111[%rev3A_1115] in [0] : vector<16xi32>, vector<16xi32> -> vector<16xi32>
      %min3A_1117 = vector.broadcast %squeeze3A_934 : i32 to vector<16xi32>
      %min3A_1118 = arith.minsi %rev3A_1116, %min3A_1117 : vector<16xi32>
      %swap3A_1119 = arith.constant 32 : index
      %swap3A_1120 = tpu.vector_load %arg5[%swap3A_1119] {strides = array<i32>} : memref<128xi32, #tpu.memory_space<vmem>>, vector<16xi32>,
      tpu.vector_store %arg5[%swap3A_1119], %min3A_1118 {strides = array<i32>} : memref<128xi32, #tpu.memory_space<vmem>>, vector<16xi32>,
      %slice3A_1121 = vector.extract_strided_slice %min3A_1118 {offsets = [0], sizes = [1], strides = [1]} : vector<16xi32> to vector<1xi32>
      %squeeze3A_1122 = vector.extract %slice3A_1121[0] : i32 from vector<1xi32>
      %get3A_1123 = arith.constant 0 : i32
      %get3A_1124 = arith.index_cast %get3A_1123 : i32 to index
      %get3A_1125 = arith.constant 16 : index
      %get3A_1126 = tpu.vector_load %arg4[%get3A_1124, %get3A_1125] {strides = array<i32>} : memref<32x128xi32, #tpu.memory_space<vmem>>, vector<16xi32>,
      %get3A_1127 = arith.constant 1 : i32
      %get3A_1128 = arith.index_cast %get3A_1127 : i32 to index
      %get3A_1129 = arith.constant 16 : index
      %get3A_1130 = tpu.vector_load %arg4[%get3A_1128, %get3A_1129] {strides = array<i32>} : memref<32x128xi32, #tpu.memory_space<vmem>>, vector<16xi32>,
      %min3A_1131 = arith.minsi %get3A_1126, %get3A_1130 : vector<16xi32>
      %get3A_1132 = arith.constant 2 : i32
      %get3A_1133 = arith.index_cast %get3A_1132 : i32 to index
      %get3A_1134 = arith.constant 16 : index
      %get3A_1135 = tpu.vector_load %arg4[%get3A_1133, %get3A_1134] {strides = array<i32>} : memref<32x128xi32, #tpu.memory_space<vmem>>, vector<16xi32>,
      %min3A_1136 = arith.minsi %min3A_1131, %get3A_1135 : vector<16xi32>
      %get3A_1137 = arith.constant 3 : i32
      %get3A_1138 = arith.index_cast %get3A_1137 : i32 to index
      %get3A_1139 = arith.constant 16 : index
      %get3A_1140 = tpu.vector_load %arg4[%get3A_1138, %get3A_1139] {strides = array<i32>} : memref<32x128xi32, #tpu.memory_space<vmem>>, vector<16xi32>,
      %min3A_1141 = arith.minsi %min3A_1136, %get3A_1140 : vector<16xi32>
      %get3A_1142 = arith.constant 4 : i32
      %get3A_1143 = arith.index_cast %get3A_1142 : i32 to index
      %get3A_1144 = arith.constant 16 : index
      %get3A_1145 = tpu.vector_load %arg4[%get3A_1143, %get3A_1144] {strides = array<i32>} : memref<32x128xi32, #tpu.memory_space<vmem>>, vector<16xi32>,
      %min3A_1146 = arith.minsi %min3A_1141, %get3A_1145 : vector<16xi32>
      %get3A_1147 = arith.constant 5 : i32
      %get3A_1148 = arith.index_cast %get3A_1147 : i32 to index
      %get3A_1149 = arith.constant 16 : index
      %get3A_1150 = tpu.vector_load %arg4[%get3A_1148, %get3A_1149] {strides = array<i32>} : memref<32x128xi32, #tpu.memory_space<vmem>>, vector<16xi32>,
      %min3A_1151 = arith.minsi %min3A_1146, %get3A_1150 : vector<16xi32>
      %get3A_1152 = arith.constant 6 : i32
      %get3A_1153 = arith.index_cast %get3A_1152 : i32 to index
      %get3A_1154 = arith.constant 16 : index
      %get3A_1155 = tpu.vector_load %arg4[%get3A_1153, %get3A_1154] {strides = array<i32>} : memref<32x128xi32, #tpu.memory_space<vmem>>, vector<16xi32>,
      %min3A_1156 = arith.minsi %min3A_1151, %get3A_1155 : vector<16xi32>
      %get3A_1157 = arith.constant 7 : i32
      %get3A_1158 = arith.index_cast %get3A_1157 : i32 to index
      %get3A_1159 = arith.constant 16 : index
      %get3A_1160 = tpu.vector_load %arg4[%get3A_1158, %get3A_1159] {strides = array<i32>} : memref<32x128xi32, #tpu.memory_space<vmem>>, vector<16xi32>,
      %min3A_1161 = arith.minsi %min3A_1156, %get3A_1160 : vector<16xi32>
      %get3A_1162 = arith.constant 8 : i32
      %get3A_1163 = arith.index_cast %get3A_1162 : i32 to index
      %get3A_1164 = arith.constant 16 : index
      %get3A_1165 = tpu.vector_load %arg4[%get3A_1163, %get3A_1164] {strides = array<i32>} : memref<32x128xi32, #tpu.memory_space<vmem>>, vector<16xi32>,
      %min3A_1166 = arith.minsi %min3A_1161, %get3A_1165 : vector<16xi32>
      %get3A_1167 = arith.constant 9 : i32
      %get3A_1168 = arith.index_cast %get3A_1167 : i32 to index
      %get3A_1169 = arith.constant 16 : index
      %get3A_1170 = tpu.vector_load %arg4[%get3A_1168, %get3A_1169] {strides = array<i32>} : memref<32x128xi32, #tpu.memory_space<vmem>>, vector<16xi32>,
      %min3A_1171 = arith.minsi %min3A_1166, %get3A_1170 : vector<16xi32>
      %get3A_1172 = arith.constant 10 : i32
      %get3A_1173 = arith.index_cast %get3A_1172 : i32 to index
      %get3A_1174 = arith.constant 16 : index
      %get3A_1175 = tpu.vector_load %arg4[%get3A_1173, %get3A_1174] {strides = array<i32>} : memref<32x128xi32, #tpu.memory_space<vmem>>, vector<16xi32>,
      %min3A_1176 = arith.minsi %min3A_1171, %get3A_1175 : vector<16xi32>
      %get3A_1177 = arith.constant 11 : i32
      %get3A_1178 = arith.index_cast %get3A_1177 : i32 to index
      %get3A_1179 = arith.constant 16 : index
      %get3A_1180 = tpu.vector_load %arg4[%get3A_1178, %get3A_1179] {strides = array<i32>} : memref<32x128xi32, #tpu.memory_space<vmem>>, vector<16xi32>,
      %min3A_1181 = arith.minsi %min3A_1176, %get3A_1180 : vector<16xi32>
      %get3A_1182 = arith.constant 12 : i32
      %get3A_1183 = arith.index_cast %get3A_1182 : i32 to index
      %get3A_1184 = arith.constant 16 : index
      %get3A_1185 = tpu.vector_load %arg4[%get3A_1183, %get3A_1184] {strides = array<i32>} : memref<32x128xi32, #tpu.memory_space<vmem>>, vector<16xi32>,
      %min3A_1186 = arith.minsi %min3A_1181, %get3A_1185 : vector<16xi32>
      %get3A_1187 = arith.constant 13 : i32
      %get3A_1188 = arith.index_cast %get3A_1187 : i32 to index
      %get3A_1189 = arith.constant 16 : index
      %get3A_1190 = tpu.vector_load %arg4[%get3A_1188, %get3A_1189] {strides = array<i32>} : memref<32x128xi32, #tpu.memory_space<vmem>>, vector<16xi32>,
      %min3A_1191 = arith.minsi %min3A_1186, %get3A_1190 : vector<16xi32>
      %get3A_1192 = arith.constant 14 : i32
      %get3A_1193 = arith.index_cast %get3A_1192 : i32 to index
      %get3A_1194 = arith.constant 16 : index
      %get3A_1195 = tpu.vector_load %arg4[%get3A_1193, %get3A_1194] {strides = array<i32>} : memref<32x128xi32, #tpu.memory_space<vmem>>, vector<16xi32>,
      %min3A_1196 = arith.minsi %min3A_1191, %get3A_1195 : vector<16xi32>
      %get3A_1197 = arith.constant 15 : i32
      %get3A_1198 = arith.index_cast %get3A_1197 : i32 to index
      %get3A_1199 = arith.constant 16 : index
      %get3A_1200 = tpu.vector_load %arg4[%get3A_1198, %get3A_1199] {strides = array<i32>} : memref<32x128xi32, #tpu.memory_space<vmem>>, vector<16xi32>,
      %min3A_1201 = arith.minsi %min3A_1196, %get3A_1200 : vector<16xi32>
      %get3A_1202 = arith.constant 16 : i32
      %get3A_1203 = arith.index_cast %get3A_1202 : i32 to index
      %get3A_1204 = arith.constant 16 : index
      %get3A_1205 = tpu.vector_load %arg4[%get3A_1203, %get3A_1204] {strides = array<i32>} : memref<32x128xi32, #tpu.memory_space<vmem>>, vector<16xi32>,
      %min3A_1206 = arith.minsi %min3A_1201, %get3A_1205 : vector<16xi32>
      %get3A_1207 = arith.constant 17 : i32
      %get3A_1208 = arith.index_cast %get3A_1207 : i32 to index
      %get3A_1209 = arith.constant 16 : index
      %get3A_1210 = tpu.vector_load %arg4[%get3A_1208, %get3A_1209] {strides = array<i32>} : memref<32x128xi32, #tpu.memory_space<vmem>>, vector<16xi32>,
      %min3A_1211 = arith.minsi %min3A_1206, %get3A_1210 : vector<16xi32>
      %get3A_1212 = arith.constant 18 : i32
      %get3A_1213 = arith.index_cast %get3A_1212 : i32 to index
      %get3A_1214 = arith.constant 16 : index
      %get3A_1215 = tpu.vector_load %arg4[%get3A_1213, %get3A_1214] {strides = array<i32>} : memref<32x128xi32, #tpu.memory_space<vmem>>, vector<16xi32>,
      %min3A_1216 = arith.minsi %min3A_1211, %get3A_1215 : vector<16xi32>
      %get3A_1217 = arith.constant 19 : i32
      %get3A_1218 = arith.index_cast %get3A_1217 : i32 to index
      %get3A_1219 = arith.constant 16 : index
      %get3A_1220 = tpu.vector_load %arg4[%get3A_1218, %get3A_1219] {strides = array<i32>} : memref<32x128xi32, #tpu.memory_space<vmem>>, vector<16xi32>,
      %min3A_1221 = arith.minsi %min3A_1216, %get3A_1220 : vector<16xi32>
      %get3A_1222 = arith.constant 20 : i32
      %get3A_1223 = arith.index_cast %get3A_1222 : i32 to index
      %get3A_1224 = arith.constant 16 : index
      %get3A_1225 = tpu.vector_load %arg4[%get3A_1223, %get3A_1224] {strides = array<i32>} : memref<32x128xi32, #tpu.memory_space<vmem>>, vector<16xi32>,
      %min3A_1226 = arith.minsi %min3A_1221, %get3A_1225 : vector<16xi32>
      %get3A_1227 = arith.constant 21 : i32
      %get3A_1228 = arith.index_cast %get3A_1227 : i32 to index
      %get3A_1229 = arith.constant 16 : index
      %get3A_1230 = tpu.vector_load %arg4[%get3A_1228, %get3A_1229] {strides = array<i32>} : memref<32x128xi32, #tpu.memory_space<vmem>>, vector<16xi32>,
      %min3A_1231 = arith.minsi %min3A_1226, %get3A_1230 : vector<16xi32>
      %get3A_1232 = arith.constant 22 : i32
      %get3A_1233 = arith.index_cast %get3A_1232 : i32 to index
      %get3A_1234 = arith.constant 16 : index
      %get3A_1235 = tpu.vector_load %arg4[%get3A_1233, %get3A_1234] {strides = array<i32>} : memref<32x128xi32, #tpu.memory_space<vmem>>, vector<16xi32>,
      %min3A_1236 = arith.minsi %min3A_1231, %get3A_1235 : vector<16xi32>
      %get3A_1237 = arith.constant 23 : i32
      %get3A_1238 = arith.index_cast %get3A_1237 : i32 to index
      %get3A_1239 = arith.constant 16 : index
      %get3A_1240 = tpu.vector_load %arg4[%get3A_1238, %get3A_1239] {strides = array<i32>} : memref<32x128xi32, #tpu.memory_space<vmem>>, vector<16xi32>,
      %min3A_1241 = arith.minsi %min3A_1236, %get3A_1240 : vector<16xi32>
      %get3A_1242 = arith.constant 24 : i32
      %get3A_1243 = arith.index_cast %get3A_1242 : i32 to index
      %get3A_1244 = arith.constant 16 : index
      %get3A_1245 = tpu.vector_load %arg4[%get3A_1243, %get3A_1244] {strides = array<i32>} : memref<32x128xi32, #tpu.memory_space<vmem>>, vector<16xi32>,
      %min3A_1246 = arith.minsi %min3A_1241, %get3A_1245 : vector<16xi32>
      %get3A_1247 = arith.constant 25 : i32
      %get3A_1248 = arith.index_cast %get3A_1247 : i32 to index
      %get3A_1249 = arith.constant 16 : index
      %get3A_1250 = tpu.vector_load %arg4[%get3A_1248, %get3A_1249] {strides = array<i32>} : memref<32x128xi32, #tpu.memory_space<vmem>>, vector<16xi32>,
      %min3A_1251 = arith.minsi %min3A_1246, %get3A_1250 : vector<16xi32>
      %get3A_1252 = arith.constant 26 : i32
      %get3A_1253 = arith.index_cast %get3A_1252 : i32 to index
      %get3A_1254 = arith.constant 16 : index
      %get3A_1255 = tpu.vector_load %arg4[%get3A_1253, %get3A_1254] {strides = array<i32>} : memref<32x128xi32, #tpu.memory_space<vmem>>, vector<16xi32>,
      %min3A_1256 = arith.minsi %min3A_1251, %get3A_1255 : vector<16xi32>
      %get3A_1257 = arith.constant 27 : i32
      %get3A_1258 = arith.index_cast %get3A_1257 : i32 to index
      %get3A_1259 = arith.constant 16 : index
      %get3A_1260 = tpu.vector_load %arg4[%get3A_1258, %get3A_1259] {strides = array<i32>} : memref<32x128xi32, #tpu.memory_space<vmem>>, vector<16xi32>,
      %min3A_1261 = arith.minsi %min3A_1256, %get3A_1260 : vector<16xi32>
      %get3A_1262 = arith.constant 28 : i32
      %get3A_1263 = arith.index_cast %get3A_1262 : i32 to index
      %get3A_1264 = arith.constant 16 : index
      %get3A_1265 = tpu.vector_load %arg4[%get3A_1263, %get3A_1264] {strides = array<i32>} : memref<32x128xi32, #tpu.memory_space<vmem>>, vector<16xi32>,
      %min3A_1266 = arith.minsi %min3A_1261, %get3A_1265 : vector<16xi32>
      %get3A_1267 = arith.constant 29 : i32
      %get3A_1268 = arith.index_cast %get3A_1267 : i32 to index
      %get3A_1269 = arith.constant 16 : index
      %get3A_1270 = tpu.vector_load %arg4[%get3A_1268, %get3A_1269] {strides = array<i32>} : memref<32x128xi32, #tpu.memory_space<vmem>>, vector<16xi32>,
      %min3A_1271 = arith.minsi %min3A_1266, %get3A_1270 : vector<16xi32>
      %get3A_1272 = arith.constant 30 : i32
      %get3A_1273 = arith.index_cast %get3A_1272 : i32 to index
      %get3A_1274 = arith.constant 16 : index
      %get3A_1275 = tpu.vector_load %arg4[%get3A_1273, %get3A_1274] {strides = array<i32>} : memref<32x128xi32, #tpu.memory_space<vmem>>, vector<16xi32>,
      %min3A_1276 = arith.minsi %min3A_1271, %get3A_1275 : vector<16xi32>
      %get3A_1277 = arith.constant 31 : i32
      %get3A_1278 = arith.index_cast %get3A_1277 : i32 to index
      %get3A_1279 = arith.constant 16 : index
      %get3A_1280 = tpu.vector_load %arg4[%get3A_1278, %get3A_1279] {strides = array<i32>} : memref<32x128xi32, #tpu.memory_space<vmem>>, vector<16xi32>,
      %min3A_1281 = arith.minsi %min3A_1276, %get3A_1280 : vector<16xi32>
      %rev3A_1282 = arith.constant 15 : i32
      %rev3A_1283 = vector.broadcast %rev3A_1282 : i32 to vector<16xi32>
      %rev3A_1284 = tpu.iota {dimensions = array<i32: 0>} : vector<16xi32>
      %rev3A_1285 = arith.subi %rev3A_1283, %rev3A_1284 : vector<16xi32>
      %rev3A_1286 = tpu.dynamic_gather %min3A_1281[%rev3A_1285] in [0] : vector<16xi32>, vector<16xi32> -> vector<16xi32>
      %neg3A_1287 = arith.constant 0 : i32
      %neg3A_1288 = vector.broadcast %neg3A_1287 : i32 to vector<16xi32>
      %neg3A_1289 = arith.subi %neg3A_1288, %rev3A_1286 : vector<16xi32>
      %broadcast_in_dim3A_1290 = arith.constant true
      %broadcast_in_dim3A_1291 = vector.broadcast %broadcast_in_dim3A_1290 : i1 to vector<16xi1>
      %masked_cummax3A_1292 = arith.constant -2147483648 : i32
      %masked_cummax3A_1293 = vector.broadcast %masked_cummax3A_1292 : i32 to vector<16xi32>
      %masked_cummax3A_1294 = arith.xori %neg3A_1289, %masked_cummax3A_1293 : vector<16xi32>
      %masked_cummax3A_1295 = tpu.scan <max>, %masked_cummax3A_1294 masked %broadcast_in_dim3A_1291 : vector<16xi32>, vector<16xi1> -> vector<16xi32>
      %masked_cummax3A_1296 = arith.xori %masked_cummax3A_1295, %masked_cummax3A_1293 : vector<16xi32>
      %neg3A_1297 = arith.constant 0 : i32
      %neg3A_1298 = vector.broadcast %neg3A_1297 : i32 to vector<16xi32>
      %neg3A_1299 = arith.subi %neg3A_1298, %masked_cummax3A_1296 : vector<16xi32>
      %rev3A_1300 = arith.constant 15 : i32
      %rev3A_1301 = vector.broadcast %rev3A_1300 : i32 to vector<16xi32>
      %rev3A_1302 = tpu.iota {dimensions = array<i32: 0>} : vector<16xi32>
      %rev3A_1303 = arith.subi %rev3A_1301, %rev3A_1302 : vector<16xi32>
      %rev3A_1304 = tpu.dynamic_gather %neg3A_1299[%rev3A_1303] in [0] : vector<16xi32>, vector<16xi32> -> vector<16xi32>
      %min3A_1305 = vector.broadcast %squeeze3A_1122 : i32 to vector<16xi32>
      %min3A_1306 = arith.minsi %rev3A_1304, %min3A_1305 : vector<16xi32>
      %swap3A_1307 = arith.constant 16 : index
      %swap3A_1308 = tpu.vector_load %arg5[%swap3A_1307] {strides = array<i32>} : memref<128xi32, #tpu.memory_space<vmem>>, vector<16xi32>,
      tpu.vector_store %arg5[%swap3A_1307], %min3A_1306 {strides = array<i32>} : memref<128xi32, #tpu.memory_space<vmem>>, vector<16xi32>,
      %slice3A_1309 = vector.extract_strided_slice %min3A_1306 {offsets = [0], sizes = [1], strides = [1]} : vector<16xi32> to vector<1xi32>
      %squeeze3A_1310 = vector.extract %slice3A_1309[0] : i32 from vector<1xi32>
      %get3A_1311 = arith.constant 0 : i32
      %get3A_1312 = arith.index_cast %get3A_1311 : i32 to index
      %get3A_1313 = arith.constant 0 : index
      %get3A_1314 = tpu.vector_load %arg4[%get3A_1312, %get3A_1313] {strides = array<i32>} : memref<32x128xi32, #tpu.memory_space<vmem>>, vector<16xi32>,
      %get3A_1315 = arith.constant 1 : i32
      %get3A_1316 = arith.index_cast %get3A_1315 : i32 to index
      %get3A_1317 = arith.constant 0 : index
      %get3A_1318 = tpu.vector_load %arg4[%get3A_1316, %get3A_1317] {strides = array<i32>} : memref<32x128xi32, #tpu.memory_space<vmem>>, vector<16xi32>,
      %min3A_1319 = arith.minsi %get3A_1314, %get3A_1318 : vector<16xi32>
      %get3A_1320 = arith.constant 2 : i32
      %get3A_1321 = arith.index_cast %get3A_1320 : i32 to index
      %get3A_1322 = arith.constant 0 : index
      %get3A_1323 = tpu.vector_load %arg4[%get3A_1321, %get3A_1322] {strides = array<i32>} : memref<32x128xi32, #tpu.memory_space<vmem>>, vector<16xi32>,
      %min3A_1324 = arith.minsi %min3A_1319, %get3A_1323 : vector<16xi32>
      %get3A_1325 = arith.constant 3 : i32
      %get3A_1326 = arith.index_cast %get3A_1325 : i32 to index
      %get3A_1327 = arith.constant 0 : index
      %get3A_1328 = tpu.vector_load %arg4[%get3A_1326, %get3A_1327] {strides = array<i32>} : memref<32x128xi32, #tpu.memory_space<vmem>>, vector<16xi32>,
      %min3A_1329 = arith.minsi %min3A_1324, %get3A_1328 : vector<16xi32>
      %get3A_1330 = arith.constant 4 : i32
      %get3A_1331 = arith.index_cast %get3A_1330 : i32 to index
      %get3A_1332 = arith.constant 0 : index
      %get3A_1333 = tpu.vector_load %arg4[%get3A_1331, %get3A_1332] {strides = array<i32>} : memref<32x128xi32, #tpu.memory_space<vmem>>, vector<16xi32>,
      %min3A_1334 = arith.minsi %min3A_1329, %get3A_1333 : vector<16xi32>
      %get3A_1335 = arith.constant 5 : i32
      %get3A_1336 = arith.index_cast %get3A_1335 : i32 to index
      %get3A_1337 = arith.constant 0 : index
      %get3A_1338 = tpu.vector_load %arg4[%get3A_1336, %get3A_1337] {strides = array<i32>} : memref<32x128xi32, #tpu.memory_space<vmem>>, vector<16xi32>,
      %min3A_1339 = arith.minsi %min3A_1334, %get3A_1338 : vector<16xi32>
      %get3A_1340 = arith.constant 6 : i32
      %get3A_1341 = arith.index_cast %get3A_1340 : i32 to index
      %get3A_1342 = arith.constant 0 : index
      %get3A_1343 = tpu.vector_load %arg4[%get3A_1341, %get3A_1342] {strides = array<i32>} : memref<32x128xi32, #tpu.memory_space<vmem>>, vector<16xi32>,
      %min3A_1344 = arith.minsi %min3A_1339, %get3A_1343 : vector<16xi32>
      %get3A_1345 = arith.constant 7 : i32
      %get3A_1346 = arith.index_cast %get3A_1345 : i32 to index
      %get3A_1347 = arith.constant 0 : index
      %get3A_1348 = tpu.vector_load %arg4[%get3A_1346, %get3A_1347] {strides = array<i32>} : memref<32x128xi32, #tpu.memory_space<vmem>>, vector<16xi32>,
      %min3A_1349 = arith.minsi %min3A_1344, %get3A_1348 : vector<16xi32>
      %get3A_1350 = arith.constant 8 : i32
      %get3A_1351 = arith.index_cast %get3A_1350 : i32 to index
      %get3A_1352 = arith.constant 0 : index
      %get3A_1353 = tpu.vector_load %arg4[%get3A_1351, %get3A_1352] {strides = array<i32>} : memref<32x128xi32, #tpu.memory_space<vmem>>, vector<16xi32>,
      %min3A_1354 = arith.minsi %min3A_1349, %get3A_1353 : vector<16xi32>
      %get3A_1355 = arith.constant 9 : i32
      %get3A_1356 = arith.index_cast %get3A_1355 : i32 to index
      %get3A_1357 = arith.constant 0 : index
      %get3A_1358 = tpu.vector_load %arg4[%get3A_1356, %get3A_1357] {strides = array<i32>} : memref<32x128xi32, #tpu.memory_space<vmem>>, vector<16xi32>,
      %min3A_1359 = arith.minsi %min3A_1354, %get3A_1358 : vector<16xi32>
      %get3A_1360 = arith.constant 10 : i32
      %get3A_1361 = arith.index_cast %get3A_1360 : i32 to index
      %get3A_1362 = arith.constant 0 : index
      %get3A_1363 = tpu.vector_load %arg4[%get3A_1361, %get3A_1362] {strides = array<i32>} : memref<32x128xi32, #tpu.memory_space<vmem>>, vector<16xi32>,
      %min3A_1364 = arith.minsi %min3A_1359, %get3A_1363 : vector<16xi32>
      %get3A_1365 = arith.constant 11 : i32
      %get3A_1366 = arith.index_cast %get3A_1365 : i32 to index
      %get3A_1367 = arith.constant 0 : index
      %get3A_1368 = tpu.vector_load %arg4[%get3A_1366, %get3A_1367] {strides = array<i32>} : memref<32x128xi32, #tpu.memory_space<vmem>>, vector<16xi32>,
      %min3A_1369 = arith.minsi %min3A_1364, %get3A_1368 : vector<16xi32>
      %get3A_1370 = arith.constant 12 : i32
      %get3A_1371 = arith.index_cast %get3A_1370 : i32 to index
      %get3A_1372 = arith.constant 0 : index
      %get3A_1373 = tpu.vector_load %arg4[%get3A_1371, %get3A_1372] {strides = array<i32>} : memref<32x128xi32, #tpu.memory_space<vmem>>, vector<16xi32>,
      %min3A_1374 = arith.minsi %min3A_1369, %get3A_1373 : vector<16xi32>
      %get3A_1375 = arith.constant 13 : i32
      %get3A_1376 = arith.index_cast %get3A_1375 : i32 to index
      %get3A_1377 = arith.constant 0 : index
      %get3A_1378 = tpu.vector_load %arg4[%get3A_1376, %get3A_1377] {strides = array<i32>} : memref<32x128xi32, #tpu.memory_space<vmem>>, vector<16xi32>,
      %min3A_1379 = arith.minsi %min3A_1374, %get3A_1378 : vector<16xi32>
      %get3A_1380 = arith.constant 14 : i32
      %get3A_1381 = arith.index_cast %get3A_1380 : i32 to index
      %get3A_1382 = arith.constant 0 : index
      %get3A_1383 = tpu.vector_load %arg4[%get3A_1381, %get3A_1382] {strides = array<i32>} : memref<32x128xi32, #tpu.memory_space<vmem>>, vector<16xi32>,
      %min3A_1384 = arith.minsi %min3A_1379, %get3A_1383 : vector<16xi32>
      %get3A_1385 = arith.constant 15 : i32
      %get3A_1386 = arith.index_cast %get3A_1385 : i32 to index
      %get3A_1387 = arith.constant 0 : index
      %get3A_1388 = tpu.vector_load %arg4[%get3A_1386, %get3A_1387] {strides = array<i32>} : memref<32x128xi32, #tpu.memory_space<vmem>>, vector<16xi32>,
      %min3A_1389 = arith.minsi %min3A_1384, %get3A_1388 : vector<16xi32>
      %get3A_1390 = arith.constant 16 : i32
      %get3A_1391 = arith.index_cast %get3A_1390 : i32 to index
      %get3A_1392 = arith.constant 0 : index
      %get3A_1393 = tpu.vector_load %arg4[%get3A_1391, %get3A_1392] {strides = array<i32>} : memref<32x128xi32, #tpu.memory_space<vmem>>, vector<16xi32>,
      %min3A_1394 = arith.minsi %min3A_1389, %get3A_1393 : vector<16xi32>
      %get3A_1395 = arith.constant 17 : i32
      %get3A_1396 = arith.index_cast %get3A_1395 : i32 to index
      %get3A_1397 = arith.constant 0 : index
      %get3A_1398 = tpu.vector_load %arg4[%get3A_1396, %get3A_1397] {strides = array<i32>} : memref<32x128xi32, #tpu.memory_space<vmem>>, vector<16xi32>,
      %min3A_1399 = arith.minsi %min3A_1394, %get3A_1398 : vector<16xi32>
      %get3A_1400 = arith.constant 18 : i32
      %get3A_1401 = arith.index_cast %get3A_1400 : i32 to index
      %get3A_1402 = arith.constant 0 : index
      %get3A_1403 = tpu.vector_load %arg4[%get3A_1401, %get3A_1402] {strides = array<i32>} : memref<32x128xi32, #tpu.memory_space<vmem>>, vector<16xi32>,
      %min3A_1404 = arith.minsi %min3A_1399, %get3A_1403 : vector<16xi32>
      %get3A_1405 = arith.constant 19 : i32
      %get3A_1406 = arith.index_cast %get3A_1405 : i32 to index
      %get3A_1407 = arith.constant 0 : index
      %get3A_1408 = tpu.vector_load %arg4[%get3A_1406, %get3A_1407] {strides = array<i32>} : memref<32x128xi32, #tpu.memory_space<vmem>>, vector<16xi32>,
      %min3A_1409 = arith.minsi %min3A_1404, %get3A_1408 : vector<16xi32>
      %get3A_1410 = arith.constant 20 : i32
      %get3A_1411 = arith.index_cast %get3A_1410 : i32 to index
      %get3A_1412 = arith.constant 0 : index
      %get3A_1413 = tpu.vector_load %arg4[%get3A_1411, %get3A_1412] {strides = array<i32>} : memref<32x128xi32, #tpu.memory_space<vmem>>, vector<16xi32>,
      %min3A_1414 = arith.minsi %min3A_1409, %get3A_1413 : vector<16xi32>
      %get3A_1415 = arith.constant 21 : i32
      %get3A_1416 = arith.index_cast %get3A_1415 : i32 to index
      %get3A_1417 = arith.constant 0 : index
      %get3A_1418 = tpu.vector_load %arg4[%get3A_1416, %get3A_1417] {strides = array<i32>} : memref<32x128xi32, #tpu.memory_space<vmem>>, vector<16xi32>,
      %min3A_1419 = arith.minsi %min3A_1414, %get3A_1418 : vector<16xi32>
      %get3A_1420 = arith.constant 22 : i32
      %get3A_1421 = arith.index_cast %get3A_1420 : i32 to index
      %get3A_1422 = arith.constant 0 : index
      %get3A_1423 = tpu.vector_load %arg4[%get3A_1421, %get3A_1422] {strides = array<i32>} : memref<32x128xi32, #tpu.memory_space<vmem>>, vector<16xi32>,
      %min3A_1424 = arith.minsi %min3A_1419, %get3A_1423 : vector<16xi32>
      %get3A_1425 = arith.constant 23 : i32
      %get3A_1426 = arith.index_cast %get3A_1425 : i32 to index
      %get3A_1427 = arith.constant 0 : index
      %get3A_1428 = tpu.vector_load %arg4[%get3A_1426, %get3A_1427] {strides = array<i32>} : memref<32x128xi32, #tpu.memory_space<vmem>>, vector<16xi32>,
      %min3A_1429 = arith.minsi %min3A_1424, %get3A_1428 : vector<16xi32>
      %get3A_1430 = arith.constant 24 : i32
      %get3A_1431 = arith.index_cast %get3A_1430 : i32 to index
      %get3A_1432 = arith.constant 0 : index
      %get3A_1433 = tpu.vector_load %arg4[%get3A_1431, %get3A_1432] {strides = array<i32>} : memref<32x128xi32, #tpu.memory_space<vmem>>, vector<16xi32>,
      %min3A_1434 = arith.minsi %min3A_1429, %get3A_1433 : vector<16xi32>
      %get3A_1435 = arith.constant 25 : i32
      %get3A_1436 = arith.index_cast %get3A_1435 : i32 to index
      %get3A_1437 = arith.constant 0 : index
      %get3A_1438 = tpu.vector_load %arg4[%get3A_1436, %get3A_1437] {strides = array<i32>} : memref<32x128xi32, #tpu.memory_space<vmem>>, vector<16xi32>,
      %min3A_1439 = arith.minsi %min3A_1434, %get3A_1438 : vector<16xi32>
      %get3A_1440 = arith.constant 26 : i32
      %get3A_1441 = arith.index_cast %get3A_1440 : i32 to index
      %get3A_1442 = arith.constant 0 : index
      %get3A_1443 = tpu.vector_load %arg4[%get3A_1441, %get3A_1442] {strides = array<i32>} : memref<32x128xi32, #tpu.memory_space<vmem>>, vector<16xi32>,
      %min3A_1444 = arith.minsi %min3A_1439, %get3A_1443 : vector<16xi32>
      %get3A_1445 = arith.constant 27 : i32
      %get3A_1446 = arith.index_cast %get3A_1445 : i32 to index
      %get3A_1447 = arith.constant 0 : index
      %get3A_1448 = tpu.vector_load %arg4[%get3A_1446, %get3A_1447] {strides = array<i32>} : memref<32x128xi32, #tpu.memory_space<vmem>>, vector<16xi32>,
      %min3A_1449 = arith.minsi %min3A_1444, %get3A_1448 : vector<16xi32>
      %get3A_1450 = arith.constant 28 : i32
      %get3A_1451 = arith.index_cast %get3A_1450 : i32 to index
      %get3A_1452 = arith.constant 0 : index
      %get3A_1453 = tpu.vector_load %arg4[%get3A_1451, %get3A_1452] {strides = array<i32>} : memref<32x128xi32, #tpu.memory_space<vmem>>, vector<16xi32>,
      %min3A_1454 = arith.minsi %min3A_1449, %get3A_1453 : vector<16xi32>
      %get3A_1455 = arith.constant 29 : i32
      %get3A_1456 = arith.index_cast %get3A_1455 : i32 to index
      %get3A_1457 = arith.constant 0 : index
      %get3A_1458 = tpu.vector_load %arg4[%get3A_1456, %get3A_1457] {strides = array<i32>} : memref<32x128xi32, #tpu.memory_space<vmem>>, vector<16xi32>,
      %min3A_1459 = arith.minsi %min3A_1454, %get3A_1458 : vector<16xi32>
      %get3A_1460 = arith.constant 30 : i32
      %get3A_1461 = arith.index_cast %get3A_1460 : i32 to index
      %get3A_1462 = arith.constant 0 : index
      %get3A_1463 = tpu.vector_load %arg4[%get3A_1461, %get3A_1462] {strides = array<i32>} : memref<32x128xi32, #tpu.memory_space<vmem>>, vector<16xi32>,
      %min3A_1464 = arith.minsi %min3A_1459, %get3A_1463 : vector<16xi32>
      %get3A_1465 = arith.constant 31 : i32
      %get3A_1466 = arith.index_cast %get3A_1465 : i32 to index
      %get3A_1467 = arith.constant 0 : index
      %get3A_1468 = tpu.vector_load %arg4[%get3A_1466, %get3A_1467] {strides = array<i32>} : memref<32x128xi32, #tpu.memory_space<vmem>>, vector<16xi32>,
      %min3A_1469 = arith.minsi %min3A_1464, %get3A_1468 : vector<16xi32>
      %rev3A_1470 = arith.constant 15 : i32
      %rev3A_1471 = vector.broadcast %rev3A_1470 : i32 to vector<16xi32>
      %rev3A_1472 = tpu.iota {dimensions = array<i32: 0>} : vector<16xi32>
      %rev3A_1473 = arith.subi %rev3A_1471, %rev3A_1472 : vector<16xi32>
      %rev3A_1474 = tpu.dynamic_gather %min3A_1469[%rev3A_1473] in [0] : vector<16xi32>, vector<16xi32> -> vector<16xi32>
      %neg3A_1475 = arith.constant 0 : i32
      %neg3A_1476 = vector.broadcast %neg3A_1475 : i32 to vector<16xi32>
      %neg3A_1477 = arith.subi %neg3A_1476, %rev3A_1474 : vector<16xi32>
      %broadcast_in_dim3A_1478 = arith.constant true
      %broadcast_in_dim3A_1479 = vector.broadcast %broadcast_in_dim3A_1478 : i1 to vector<16xi1>
      %masked_cummax3A_1480 = arith.constant -2147483648 : i32
      %masked_cummax3A_1481 = vector.broadcast %masked_cummax3A_1480 : i32 to vector<16xi32>
      %masked_cummax3A_1482 = arith.xori %neg3A_1477, %masked_cummax3A_1481 : vector<16xi32>
      %masked_cummax3A_1483 = tpu.scan <max>, %masked_cummax3A_1482 masked %broadcast_in_dim3A_1479 : vector<16xi32>, vector<16xi1> -> vector<16xi32>
      %masked_cummax3A_1484 = arith.xori %masked_cummax3A_1483, %masked_cummax3A_1481 : vector<16xi32>
      %neg3A_1485 = arith.constant 0 : i32
      %neg3A_1486 = vector.broadcast %neg3A_1485 : i32 to vector<16xi32>
      %neg3A_1487 = arith.subi %neg3A_1486, %masked_cummax3A_1484 : vector<16xi32>
      %rev3A_1488 = arith.constant 15 : i32
      %rev3A_1489 = vector.broadcast %rev3A_1488 : i32 to vector<16xi32>
      %rev3A_1490 = tpu.iota {dimensions = array<i32: 0>} : vector<16xi32>
      %rev3A_1491 = arith.subi %rev3A_1489, %rev3A_1490 : vector<16xi32>
      %rev3A_1492 = tpu.dynamic_gather %neg3A_1487[%rev3A_1491] in [0] : vector<16xi32>, vector<16xi32> -> vector<16xi32>
      %min3A_1493 = vector.broadcast %squeeze3A_1310 : i32 to vector<16xi32>
      %min3A_1494 = arith.minsi %rev3A_1492, %min3A_1493 : vector<16xi32>
      %swap3A_1495 = arith.constant 0 : index
      %swap3A_1496 = tpu.vector_load %arg5[%swap3A_1495] {strides = array<i32>} : memref<128xi32, #tpu.memory_space<vmem>>, vector<16xi32>,
      tpu.vector_store %arg5[%swap3A_1495], %min3A_1494 {strides = array<i32>} : memref<128xi32, #tpu.memory_space<vmem>>, vector<16xi32>,
      %slice3A_1497 = vector.extract_strided_slice %min3A_1494 {offsets = [0], sizes = [1], strides = [1]} : vector<16xi32> to vector<1xi32>
      %squeeze3A_1498 = vector.extract %slice3A_1497[0] : i32 from vector<1xi32>
      "tpu.region"() ({
        %run_scoped3A = tpu.sem_alloc : memref<!tpu.dma_semaphore, #tpu.memory_space<semaphore_mem>>
        tpu.enqueue_dma source(%arg5 : memref<128xi32, #tpu.memory_space<vmem>>) target(%arg3 : memref<128xi32, #tpu.memory_space<hbm>>) target_semaphore(%run_scoped3A : memref<!tpu.dma_semaphore, #tpu.memory_space<semaphore_mem>>)
        tpu.wait_dma2 semaphore(%run_scoped3A : memref<!tpu.dma_semaphore, #tpu.memory_space<semaphore_mem>>) src(%arg5 : memref<128xi32, #tpu.memory_space<vmem>>) dst(%arg3 : memref<128xi32, #tpu.memory_space<hbm>>)
        tpu.yield
      }) : () -> ()
    } else {
    }
    return
  }
}

module attributes {stable_mosaic.version = 14 : i64} {
  func.func @_msg_body(%arg0: memref<10112x128xf32, #tpu.memory_space<vmem>>, %arg1: memref<10112x1xf32, #tpu.memory_space<vmem>>, %arg2: memref<128x128xf32, #tpu.memory_space<vmem>>, %arg3: memref<1x128xf32, #tpu.memory_space<vmem>>, %arg4: memref<10112x128xf32, #tpu.memory_space<vmem>>) attributes {dimension_semantics = [], scalar_prefetch = 0 : i64, scratch_operands = 0 : i64, tpu.core_type = #tpu.core_type<tc>} {
    %get3A = arith.constant 0 : index
    %get3A_0 = arith.constant 0 : index
    %get3A_1 = vector.load %arg0[%get3A, %get3A_0] : memref<10112x128xf32, #tpu.memory_space<vmem>>, vector<10112x128xf32>
    %get3A_2 = arith.constant 0 : index
    %get3A_3 = arith.constant 0 : index
    %get3A_4 = vector.load %arg2[%get3A_2, %get3A_3] : memref<128x128xf32, #tpu.memory_space<vmem>>, vector<128x128xf32>
    %dot_general3A = arith.constant dense<0.000000e+00> : vector<10112x128xf32>
    %dot_general3A_5 = tpu.matmul %get3A_1, %get3A_4, %dot_general3A {dimension_numbers = #tpu.dot_dimension_numbers<[1], [0], [0], [1], [0, 0, 1, 1], [], []>, transpose_lhs_hint = false} : vector<10112x128xf32>, vector<128x128xf32>, vector<10112x128xf32> -> vector<10112x128xf32>
    %get3A_6 = arith.constant 0 : index
    %get3A_7 = arith.constant 0 : index
    %get3A_8 = vector.load %arg1[%get3A_6, %get3A_7] : memref<10112x1xf32, #tpu.memory_space<vmem>>, vector<10112x1xf32>
    %get3A_9 = arith.constant 0 : index
    %get3A_10 = arith.constant 0 : index
    %get3A_11 = vector.load %arg3[%get3A_9, %get3A_10] : memref<1x128xf32, #tpu.memory_space<vmem>>, vector<1x128xf32>
    %mul3A = vector.broadcast %get3A_8 : vector<10112x1xf32> to vector<10112x128xf32>
    %mul3A_12 = vector.broadcast %get3A_11 : vector<1x128xf32> to vector<10112x128xf32>
    %mul3A_13 = arith.mulf %mul3A, %mul3A_12 : vector<10112x128xf32>
    %add3A = arith.addf %dot_general3A_5, %mul3A_13 : vector<10112x128xf32>
    %swap3A = arith.constant 0 : index
    %swap3A_14 = arith.constant 0 : index
    %swap3A_15 = vector.load %arg4[%swap3A, %swap3A_14] : memref<10112x128xf32, #tpu.memory_space<vmem>>, vector<10112x128xf32>
    tpu.vector_store %arg4[%swap3A, %swap3A_14], %add3A {strides = array<i32>} : memref<10112x128xf32, #tpu.memory_space<vmem>>, vector<10112x128xf32>,
    return
  }
}

module attributes {stable_mosaic.version = 14 : i64} {
  func.func @_pool_body(%arg0: i32, %arg1: memref<80xi32, #tpu.memory_space<smem>>, %arg2: memref<1x320000xi32, #tpu.memory_space<any>>, %arg3: memref<320000x128xf32, #tpu.memory_space<any>>, %arg4: memref<128x1xf32, #tpu.memory_space<vmem>>, %arg5: memref<128x128xf32, #tpu.memory_space<vmem>>, %arg6: memref<128x1xf32, #tpu.memory_space<vmem>>, %arg7: memref<8x4352x128xf32, #tpu.memory_space<vmem>>, %arg8: memref<8x1x4352xi32, #tpu.memory_space<vmem>>, %arg9: memref<128x1xf32, #tpu.memory_space<vmem>>, %arg10: memref<8x!tpu.dma_semaphore, #tpu.memory_space<semaphore_mem>>, %arg11: memref<8x!tpu.dma_semaphore, #tpu.memory_space<semaphore_mem>>) attributes {dimension_semantics = [#tpu.dimension_semantics<arbitrary>], iteration_bounds = array<i64: 79>, scalar_prefetch = 1 : i64, scratch_operands = 5 : i64, tpu.core_type = #tpu.core_type<tc>, window_params = [{}, {}, {pipeline_mode = #tpu.pipeline_mode<synchronous>, transform_indices = @transform_2, window_bounds = array<i64: 128, 1>}, {transform_indices = @transform_3, window_bounds = array<i64: 128, 128>}, {transform_indices = @transform_4, window_bounds = array<i64: 128, 1>}]} {
    %get3A = arith.index_cast %arg0 : i32 to index
    %get3A_0 = memref.load %arg1[%get3A] : memref<80xi32, #tpu.memory_space<smem>>
    %add3A = arith.constant 1 : i32
    %add3A_1 = arith.addi %arg0, %add3A : i32
    %get3A_2 = arith.index_cast %add3A_1 : i32 to index
    %get3A_3 = memref.load %arg1[%get3A_2] : memref<80xi32, #tpu.memory_space<smem>>
    %sub3A = arith.subi %get3A_3, %get3A_0 : i32
    %broadcast_in_dim3A = arith.constant 0.000000e+00 : f32
    %broadcast_in_dim3A_4 = vector.broadcast %broadcast_in_dim3A : f32 to vector<128x128xf32>
    %swap3A = arith.constant 0 : index
    %swap3A_5 = arith.constant 0 : index
    %swap3A_6 = vector.load %arg5[%swap3A, %swap3A_5] : memref<128x128xf32, #tpu.memory_space<vmem>>, vector<128x128xf32>
    tpu.vector_store %arg5[%swap3A, %swap3A_5], %broadcast_in_dim3A_4 {strides = array<i32>} : memref<128x128xf32, #tpu.memory_space<vmem>>, vector<128x128xf32>,
    %broadcast_in_dim3A_7 = arith.constant 0.000000e+00 : f32
    %broadcast_in_dim3A_8 = vector.broadcast %broadcast_in_dim3A_7 : f32 to vector<128x1xf32>
    %swap3A_9 = arith.constant 0 : index
    %swap3A_10 = arith.constant 0 : index
    %swap3A_11 = vector.load %arg9[%swap3A_9, %swap3A_10] : memref<128x1xf32, #tpu.memory_space<vmem>>, vector<128x1xf32>
    tpu.vector_store %arg9[%swap3A_9, %swap3A_10], %broadcast_in_dim3A_8 {strides = array<i32>} : memref<128x1xf32, #tpu.memory_space<vmem>>, vector<128x1xf32>,
    %shift_right_arithmetic3A = arith.constant 7 : i32
    %shift_right_arithmetic3A_12 = arith.shrsi %get3A_0, %shift_right_arithmetic3A : i32
    %shift_left3A = arith.constant 7 : i32
    %shift_left3A_13 = arith.shli %shift_right_arithmetic3A_12, %shift_left3A : i32
    %gt3A = arith.constant 0 : i32
    %gt3A_14 = arith.cmpi sgt, %sub3A, %gt3A : i32
    %sub3A_15 = arith.subi %get3A_3, %shift_left3A_13 : i32
    %add3A_16 = arith.constant 4352 : i32
    %add3A_17 = arith.addi %sub3A_15, %add3A_16 : i32
    %sub3A_18 = arith.constant 1 : i32
    %sub3A_19 = arith.subi %add3A_17, %sub3A_18 : i32
    %div3A = arith.constant 4352 : i32
    %div3A_20 = arith.divsi %sub3A_19, %div3A : i32
    %jit3A = arith.constant 0 : i32
    %select_n3A = arith.select %gt3A_14, %div3A_20, %jit3A : i32
    %rem3A = arith.constant 2 : i32
    %rem3A_21 = arith.remsi %arg0, %rem3A : i32
    %mul3A = arith.constant 4 : i32
    %mul3A_22 = arith.muli %rem3A_21, %mul3A : i32
    %eq3A = arith.constant 0 : i32
    %eq3A_23 = arith.cmpi eq, %arg0, %eq3A : i32
    %convert_element_type3A = arith.extui %eq3A_23 : i1 to i32
    %cond3A = arith.constant 0 : i32
    %cond3A_24 = arith.cmpi ne, %convert_element_type3A, %cond3A : i32
    scf.if %cond3A_24 {
      %gt3A_63 = arith.constant 0 : i32
      %gt3A_64 = arith.cmpi sgt, %select_n3A, %gt3A_63 : i32
      %convert_element_type3A_65 = arith.extui %gt3A_64 : i1 to i32
      %cond3A_66 = arith.constant 0 : i32
      %cond3A_67 = arith.cmpi ne, %convert_element_type3A_65, %cond3A_66 : i32
      scf.if %cond3A_67 {
        %add3A_78 = arith.constant 0 : i32
        %add3A_79 = arith.addi %shift_left3A_13, %add3A_78 : i32
        %min3A = arith.constant 315648 : i32
        %min3A_80 = arith.minsi %add3A_79, %min3A : i32
        %multiple_of3A = tpu.assume_multiple %min3A_80, 128 : i32
        %dma_start3A = arith.constant 0 : i32
        %dma_start3A_81 = arith.constant 0 : i32
        %dma_start3A_82 = tpu.memref_slice %arg10[%dma_start3A_81] : memref<8x!tpu.dma_semaphore, #tpu.memory_space<semaphore_mem>> -> memref<1x!tpu.dma_semaphore, #tpu.memory_space<semaphore_mem>>
        %dma_start3A_83 = tpu.memref_squeeze %dma_start3A_82 : memref<1x!tpu.dma_semaphore, #tpu.memory_space<semaphore_mem>> -> memref<!tpu.dma_semaphore, #tpu.memory_space<semaphore_mem>>
        %dma_start3A_84 = arith.constant 0 : i32
        %dma_start3A_85 = arith.constant 0 : i32
        %dma_start3A_86 = tpu.memref_slice %arg7[%dma_start3A, %dma_start3A_84, %dma_start3A_85] : memref<8x4352x128xf32, #tpu.memory_space<vmem>> -> memref<1x4352x128xf32, #tpu.memory_space<vmem>>
        %dma_start3A_87 = tpu.memref_squeeze %dma_start3A_86 : memref<1x4352x128xf32, #tpu.memory_space<vmem>> -> memref<4352x128xf32, #tpu.memory_space<vmem>>
        %dma_start3A_88 = arith.constant 0 : i32
        %dma_start3A_89 = tpu.memref_slice %arg3[%multiple_of3A, %dma_start3A_88] : memref<320000x128xf32, #tpu.memory_space<any>> -> memref<4352x128xf32, #tpu.memory_space<any>>
        tpu.enqueue_dma source(%dma_start3A_89 : memref<4352x128xf32, #tpu.memory_space<any>>) target(%dma_start3A_87 : memref<4352x128xf32, #tpu.memory_space<vmem>>) target_semaphore(%dma_start3A_83 : memref<!tpu.dma_semaphore, #tpu.memory_space<semaphore_mem>>)
        %dma_start3A_90 = arith.constant 0 : i32
        %dma_start3A_91 = arith.constant 0 : i32
        %dma_start3A_92 = tpu.memref_slice %arg11[%dma_start3A_91] : memref<8x!tpu.dma_semaphore, #tpu.memory_space<semaphore_mem>> -> memref<1x!tpu.dma_semaphore, #tpu.memory_space<semaphore_mem>>
        %dma_start3A_93 = tpu.memref_squeeze %dma_start3A_92 : memref<1x!tpu.dma_semaphore, #tpu.memory_space<semaphore_mem>> -> memref<!tpu.dma_semaphore, #tpu.memory_space<semaphore_mem>>
        %dma_start3A_94 = arith.constant 0 : i32
        %dma_start3A_95 = arith.constant 0 : i32
        %dma_start3A_96 = tpu.memref_slice %arg8[%dma_start3A_90, %dma_start3A_94, %dma_start3A_95] : memref<8x1x4352xi32, #tpu.memory_space<vmem>> -> memref<1x1x4352xi32, #tpu.memory_space<vmem>>
        %dma_start3A_97 = tpu.memref_squeeze %dma_start3A_96 : memref<1x1x4352xi32, #tpu.memory_space<vmem>> -> memref<1x4352xi32, #tpu.memory_space<vmem>>
        %dma_start3A_98 = arith.constant 0 : i32
        %dma_start3A_99 = tpu.memref_slice %arg2[%dma_start3A_98, %multiple_of3A] : memref<1x320000xi32, #tpu.memory_space<any>> -> memref<1x4352xi32, #tpu.memory_space<any>>
        tpu.enqueue_dma source(%dma_start3A_99 : memref<1x4352xi32, #tpu.memory_space<any>>) target(%dma_start3A_97 : memref<1x4352xi32, #tpu.memory_space<vmem>>) target_semaphore(%dma_start3A_93 : memref<!tpu.dma_semaphore, #tpu.memory_space<semaphore_mem>>)
      } else {
      }
      %gt3A_68 = arith.constant 1 : i32
      %gt3A_69 = arith.cmpi sgt, %select_n3A, %gt3A_68 : i32
      %convert_element_type3A_70 = arith.extui %gt3A_69 : i1 to i32
      %cond3A_71 = arith.constant 0 : i32
      %cond3A_72 = arith.cmpi ne, %convert_element_type3A_70, %cond3A_71 : i32
      scf.if %cond3A_72 {
        %add3A_78 = arith.constant 4352 : i32
        %add3A_79 = arith.addi %shift_left3A_13, %add3A_78 : i32
        %min3A = arith.constant 315648 : i32
        %min3A_80 = arith.minsi %add3A_79, %min3A : i32
        %multiple_of3A = tpu.assume_multiple %min3A_80, 128 : i32
        %dma_start3A = arith.constant 1 : i32
        %dma_start3A_81 = arith.constant 1 : i32
        %dma_start3A_82 = tpu.memref_slice %arg10[%dma_start3A_81] : memref<8x!tpu.dma_semaphore, #tpu.memory_space<semaphore_mem>> -> memref<1x!tpu.dma_semaphore, #tpu.memory_space<semaphore_mem>>
        %dma_start3A_83 = tpu.memref_squeeze %dma_start3A_82 : memref<1x!tpu.dma_semaphore, #tpu.memory_space<semaphore_mem>> -> memref<!tpu.dma_semaphore, #tpu.memory_space<semaphore_mem>>
        %dma_start3A_84 = arith.constant 0 : i32
        %dma_start3A_85 = arith.constant 0 : i32
        %dma_start3A_86 = tpu.memref_slice %arg7[%dma_start3A, %dma_start3A_84, %dma_start3A_85] : memref<8x4352x128xf32, #tpu.memory_space<vmem>> -> memref<1x4352x128xf32, #tpu.memory_space<vmem>>
        %dma_start3A_87 = tpu.memref_squeeze %dma_start3A_86 : memref<1x4352x128xf32, #tpu.memory_space<vmem>> -> memref<4352x128xf32, #tpu.memory_space<vmem>>
        %dma_start3A_88 = arith.constant 0 : i32
        %dma_start3A_89 = tpu.memref_slice %arg3[%multiple_of3A, %dma_start3A_88] : memref<320000x128xf32, #tpu.memory_space<any>> -> memref<4352x128xf32, #tpu.memory_space<any>>
        tpu.enqueue_dma source(%dma_start3A_89 : memref<4352x128xf32, #tpu.memory_space<any>>) target(%dma_start3A_87 : memref<4352x128xf32, #tpu.memory_space<vmem>>) target_semaphore(%dma_start3A_83 : memref<!tpu.dma_semaphore, #tpu.memory_space<semaphore_mem>>)
        %dma_start3A_90 = arith.constant 1 : i32
        %dma_start3A_91 = arith.constant 1 : i32
        %dma_start3A_92 = tpu.memref_slice %arg11[%dma_start3A_91] : memref<8x!tpu.dma_semaphore, #tpu.memory_space<semaphore_mem>> -> memref<1x!tpu.dma_semaphore, #tpu.memory_space<semaphore_mem>>
        %dma_start3A_93 = tpu.memref_squeeze %dma_start3A_92 : memref<1x!tpu.dma_semaphore, #tpu.memory_space<semaphore_mem>> -> memref<!tpu.dma_semaphore, #tpu.memory_space<semaphore_mem>>
        %dma_start3A_94 = arith.constant 0 : i32
        %dma_start3A_95 = arith.constant 0 : i32
        %dma_start3A_96 = tpu.memref_slice %arg8[%dma_start3A_90, %dma_start3A_94, %dma_start3A_95] : memref<8x1x4352xi32, #tpu.memory_space<vmem>> -> memref<1x1x4352xi32, #tpu.memory_space<vmem>>
        %dma_start3A_97 = tpu.memref_squeeze %dma_start3A_96 : memref<1x1x4352xi32, #tpu.memory_space<vmem>> -> memref<1x4352xi32, #tpu.memory_space<vmem>>
        %dma_start3A_98 = arith.constant 0 : i32
        %dma_start3A_99 = tpu.memref_slice %arg2[%dma_start3A_98, %multiple_of3A] : memref<1x320000xi32, #tpu.memory_space<any>> -> memref<1x4352xi32, #tpu.memory_space<any>>
        tpu.enqueue_dma source(%dma_start3A_99 : memref<1x4352xi32, #tpu.memory_space<any>>) target(%dma_start3A_97 : memref<1x4352xi32, #tpu.memory_space<vmem>>) target_semaphore(%dma_start3A_93 : memref<!tpu.dma_semaphore, #tpu.memory_space<semaphore_mem>>)
      } else {
      }
      %gt3A_73 = arith.constant 2 : i32
      %gt3A_74 = arith.cmpi sgt, %select_n3A, %gt3A_73 : i32
      %convert_element_type3A_75 = arith.extui %gt3A_74 : i1 to i32
      %cond3A_76 = arith.constant 0 : i32
      %cond3A_77 = arith.cmpi ne, %convert_element_type3A_75, %cond3A_76 : i32
      scf.if %cond3A_77 {
        %add3A_78 = arith.constant 8704 : i32
        %add3A_79 = arith.addi %shift_left3A_13, %add3A_78 : i32
        %min3A = arith.constant 315648 : i32
        %min3A_80 = arith.minsi %add3A_79, %min3A : i32
        %multiple_of3A = tpu.assume_multiple %min3A_80, 128 : i32
        %dma_start3A = arith.constant 2 : i32
        %dma_start3A_81 = arith.constant 2 : i32
        %dma_start3A_82 = tpu.memref_slice %arg10[%dma_start3A_81] : memref<8x!tpu.dma_semaphore, #tpu.memory_space<semaphore_mem>> -> memref<1x!tpu.dma_semaphore, #tpu.memory_space<semaphore_mem>>
        %dma_start3A_83 = tpu.memref_squeeze %dma_start3A_82 : memref<1x!tpu.dma_semaphore, #tpu.memory_space<semaphore_mem>> -> memref<!tpu.dma_semaphore, #tpu.memory_space<semaphore_mem>>
        %dma_start3A_84 = arith.constant 0 : i32
        %dma_start3A_85 = arith.constant 0 : i32
        %dma_start3A_86 = tpu.memref_slice %arg7[%dma_start3A, %dma_start3A_84, %dma_start3A_85] : memref<8x4352x128xf32, #tpu.memory_space<vmem>> -> memref<1x4352x128xf32, #tpu.memory_space<vmem>>
        %dma_start3A_87 = tpu.memref_squeeze %dma_start3A_86 : memref<1x4352x128xf32, #tpu.memory_space<vmem>> -> memref<4352x128xf32, #tpu.memory_space<vmem>>
        %dma_start3A_88 = arith.constant 0 : i32
        %dma_start3A_89 = tpu.memref_slice %arg3[%multiple_of3A, %dma_start3A_88] : memref<320000x128xf32, #tpu.memory_space<any>> -> memref<4352x128xf32, #tpu.memory_space<any>>
        tpu.enqueue_dma source(%dma_start3A_89 : memref<4352x128xf32, #tpu.memory_space<any>>) target(%dma_start3A_87 : memref<4352x128xf32, #tpu.memory_space<vmem>>) target_semaphore(%dma_start3A_83 : memref<!tpu.dma_semaphore, #tpu.memory_space<semaphore_mem>>)
        %dma_start3A_90 = arith.constant 2 : i32
        %dma_start3A_91 = arith.constant 2 : i32
        %dma_start3A_92 = tpu.memref_slice %arg11[%dma_start3A_91] : memref<8x!tpu.dma_semaphore, #tpu.memory_space<semaphore_mem>> -> memref<1x!tpu.dma_semaphore, #tpu.memory_space<semaphore_mem>>
        %dma_start3A_93 = tpu.memref_squeeze %dma_start3A_92 : memref<1x!tpu.dma_semaphore, #tpu.memory_space<semaphore_mem>> -> memref<!tpu.dma_semaphore, #tpu.memory_space<semaphore_mem>>
        %dma_start3A_94 = arith.constant 0 : i32
        %dma_start3A_95 = arith.constant 0 : i32
        %dma_start3A_96 = tpu.memref_slice %arg8[%dma_start3A_90, %dma_start3A_94, %dma_start3A_95] : memref<8x1x4352xi32, #tpu.memory_space<vmem>> -> memref<1x1x4352xi32, #tpu.memory_space<vmem>>
        %dma_start3A_97 = tpu.memref_squeeze %dma_start3A_96 : memref<1x1x4352xi32, #tpu.memory_space<vmem>> -> memref<1x4352xi32, #tpu.memory_space<vmem>>
        %dma_start3A_98 = arith.constant 0 : i32
        %dma_start3A_99 = tpu.memref_slice %arg2[%dma_start3A_98, %multiple_of3A] : memref<1x320000xi32, #tpu.memory_space<any>> -> memref<1x4352xi32, #tpu.memory_space<any>>
        tpu.enqueue_dma source(%dma_start3A_99 : memref<1x4352xi32, #tpu.memory_space<any>>) target(%dma_start3A_97 : memref<1x4352xi32, #tpu.memory_space<vmem>>) target_semaphore(%dma_start3A_93 : memref<!tpu.dma_semaphore, #tpu.memory_space<semaphore_mem>>)
      } else {
      }
    } else {
    }
    %add3A_25 = arith.constant 1 : i32
    %add3A_26 = arith.addi %arg0, %add3A_25 : i32
    %lt3A = arith.constant 79 : i32
    %lt3A_27 = arith.cmpi slt, %add3A_26, %lt3A : i32
    %convert_element_type3A_28 = arith.extui %lt3A_27 : i1 to i32
    %cond3A_29 = arith.constant 0 : i32
    %cond3A_30 = arith.cmpi ne, %convert_element_type3A_28, %cond3A_29 : i32
    scf.if %cond3A_30 {
      %add3A_63 = arith.constant 1 : i32
      %add3A_64 = arith.addi %arg0, %add3A_63 : i32
      %get3A_65 = arith.index_cast %add3A_64 : i32 to index
      %get3A_66 = memref.load %arg1[%get3A_65] : memref<80xi32, #tpu.memory_space<smem>>
      %add3A_67 = arith.constant 2 : i32
      %add3A_68 = arith.addi %arg0, %add3A_67 : i32
      %get3A_69 = arith.index_cast %add3A_68 : i32 to index
      %get3A_70 = memref.load %arg1[%get3A_69] : memref<80xi32, #tpu.memory_space<smem>>
      %shift_right_arithmetic3A_71 = arith.constant 7 : i32
      %shift_right_arithmetic3A_72 = arith.shrsi %get3A_66, %shift_right_arithmetic3A_71 : i32
      %shift_left3A_73 = arith.constant 7 : i32
      %shift_left3A_74 = arith.shli %shift_right_arithmetic3A_72, %shift_left3A_73 : i32
      %gt3A_75 = arith.cmpi sgt, %get3A_70, %get3A_66 : i32
      %sub3A_76 = arith.subi %get3A_70, %shift_left3A_74 : i32
      %add3A_77 = arith.constant 4352 : i32
      %add3A_78 = arith.addi %sub3A_76, %add3A_77 : i32
      %sub3A_79 = arith.constant 1 : i32
      %sub3A_80 = arith.subi %add3A_78, %sub3A_79 : i32
      %div3A_81 = arith.constant 4352 : i32
      %div3A_82 = arith.divsi %sub3A_80, %div3A_81 : i32
      %jit3A_83 = arith.constant 0 : i32
      %select_n3A_84 = arith.select %gt3A_75, %div3A_82, %jit3A_83 : i32
      %sub3A_85 = arith.constant 4 : i32
      %sub3A_86 = arith.subi %sub3A_85, %mul3A_22 : i32
      %gt3A_87 = arith.constant 0 : i32
      %gt3A_88 = arith.cmpi sgt, %select_n3A_84, %gt3A_87 : i32
      %convert_element_type3A_89 = arith.extui %gt3A_88 : i1 to i32
      %cond3A_90 = arith.constant 0 : i32
      %cond3A_91 = arith.cmpi ne, %convert_element_type3A_89, %cond3A_90 : i32
      scf.if %cond3A_91 {
        %add3A_102 = arith.constant 0 : i32
        %add3A_103 = arith.addi %sub3A_86, %add3A_102 : i32
        %add3A_104 = arith.constant 0 : i32
        %add3A_105 = arith.addi %shift_left3A_74, %add3A_104 : i32
        %min3A = arith.constant 315648 : i32
        %min3A_106 = arith.minsi %add3A_105, %min3A : i32
        %multiple_of3A = tpu.assume_multiple %min3A_106, 128 : i32
        %dma_start3A = tpu.memref_slice %arg10[%add3A_103] : memref<8x!tpu.dma_semaphore, #tpu.memory_space<semaphore_mem>> -> memref<1x!tpu.dma_semaphore, #tpu.memory_space<semaphore_mem>>
        %dma_start3A_107 = tpu.memref_squeeze %dma_start3A : memref<1x!tpu.dma_semaphore, #tpu.memory_space<semaphore_mem>> -> memref<!tpu.dma_semaphore, #tpu.memory_space<semaphore_mem>>
        %dma_start3A_108 = arith.constant 0 : i32
        %dma_start3A_109 = arith.constant 0 : i32
        %dma_start3A_110 = tpu.memref_slice %arg7[%add3A_103, %dma_start3A_108, %dma_start3A_109] : memref<8x4352x128xf32, #tpu.memory_space<vmem>> -> memref<1x4352x128xf32, #tpu.memory_space<vmem>>
        %dma_start3A_111 = tpu.memref_squeeze %dma_start3A_110 : memref<1x4352x128xf32, #tpu.memory_space<vmem>> -> memref<4352x128xf32, #tpu.memory_space<vmem>>
        %dma_start3A_112 = arith.constant 0 : i32
        %dma_start3A_113 = tpu.memref_slice %arg3[%multiple_of3A, %dma_start3A_112] : memref<320000x128xf32, #tpu.memory_space<any>> -> memref<4352x128xf32, #tpu.memory_space<any>>
        tpu.enqueue_dma source(%dma_start3A_113 : memref<4352x128xf32, #tpu.memory_space<any>>) target(%dma_start3A_111 : memref<4352x128xf32, #tpu.memory_space<vmem>>) target_semaphore(%dma_start3A_107 : memref<!tpu.dma_semaphore, #tpu.memory_space<semaphore_mem>>)
        %dma_start3A_114 = tpu.memref_slice %arg11[%add3A_103] : memref<8x!tpu.dma_semaphore, #tpu.memory_space<semaphore_mem>> -> memref<1x!tpu.dma_semaphore, #tpu.memory_space<semaphore_mem>>
        %dma_start3A_115 = tpu.memref_squeeze %dma_start3A_114 : memref<1x!tpu.dma_semaphore, #tpu.memory_space<semaphore_mem>> -> memref<!tpu.dma_semaphore, #tpu.memory_space<semaphore_mem>>
        %dma_start3A_116 = arith.constant 0 : i32
        %dma_start3A_117 = arith.constant 0 : i32
        %dma_start3A_118 = tpu.memref_slice %arg8[%add3A_103, %dma_start3A_116, %dma_start3A_117] : memref<8x1x4352xi32, #tpu.memory_space<vmem>> -> memref<1x1x4352xi32, #tpu.memory_space<vmem>>
        %dma_start3A_119 = tpu.memref_squeeze %dma_start3A_118 : memref<1x1x4352xi32, #tpu.memory_space<vmem>> -> memref<1x4352xi32, #tpu.memory_space<vmem>>
        %dma_start3A_120 = arith.constant 0 : i32
        %dma_start3A_121 = tpu.memref_slice %arg2[%dma_start3A_120, %multiple_of3A] : memref<1x320000xi32, #tpu.memory_space<any>> -> memref<1x4352xi32, #tpu.memory_space<any>>
        tpu.enqueue_dma source(%dma_start3A_121 : memref<1x4352xi32, #tpu.memory_space<any>>) target(%dma_start3A_119 : memref<1x4352xi32, #tpu.memory_space<vmem>>) target_semaphore(%dma_start3A_115 : memref<!tpu.dma_semaphore, #tpu.memory_space<semaphore_mem>>)
      } else {
      }
      %gt3A_92 = arith.constant 1 : i32
      %gt3A_93 = arith.cmpi sgt, %select_n3A_84, %gt3A_92 : i32
      %convert_element_type3A_94 = arith.extui %gt3A_93 : i1 to i32
      %cond3A_95 = arith.constant 0 : i32
      %cond3A_96 = arith.cmpi ne, %convert_element_type3A_94, %cond3A_95 : i32
      scf.if %cond3A_96 {
        %add3A_102 = arith.constant 1 : i32
        %add3A_103 = arith.addi %sub3A_86, %add3A_102 : i32
        %add3A_104 = arith.constant 4352 : i32
        %add3A_105 = arith.addi %shift_left3A_74, %add3A_104 : i32
        %min3A = arith.constant 315648 : i32
        %min3A_106 = arith.minsi %add3A_105, %min3A : i32
        %multiple_of3A = tpu.assume_multiple %min3A_106, 128 : i32
        %dma_start3A = tpu.memref_slice %arg10[%add3A_103] : memref<8x!tpu.dma_semaphore, #tpu.memory_space<semaphore_mem>> -> memref<1x!tpu.dma_semaphore, #tpu.memory_space<semaphore_mem>>
        %dma_start3A_107 = tpu.memref_squeeze %dma_start3A : memref<1x!tpu.dma_semaphore, #tpu.memory_space<semaphore_mem>> -> memref<!tpu.dma_semaphore, #tpu.memory_space<semaphore_mem>>
        %dma_start3A_108 = arith.constant 0 : i32
        %dma_start3A_109 = arith.constant 0 : i32
        %dma_start3A_110 = tpu.memref_slice %arg7[%add3A_103, %dma_start3A_108, %dma_start3A_109] : memref<8x4352x128xf32, #tpu.memory_space<vmem>> -> memref<1x4352x128xf32, #tpu.memory_space<vmem>>
        %dma_start3A_111 = tpu.memref_squeeze %dma_start3A_110 : memref<1x4352x128xf32, #tpu.memory_space<vmem>> -> memref<4352x128xf32, #tpu.memory_space<vmem>>
        %dma_start3A_112 = arith.constant 0 : i32
        %dma_start3A_113 = tpu.memref_slice %arg3[%multiple_of3A, %dma_start3A_112] : memref<320000x128xf32, #tpu.memory_space<any>> -> memref<4352x128xf32, #tpu.memory_space<any>>
        tpu.enqueue_dma source(%dma_start3A_113 : memref<4352x128xf32, #tpu.memory_space<any>>) target(%dma_start3A_111 : memref<4352x128xf32, #tpu.memory_space<vmem>>) target_semaphore(%dma_start3A_107 : memref<!tpu.dma_semaphore, #tpu.memory_space<semaphore_mem>>)
        %dma_start3A_114 = tpu.memref_slice %arg11[%add3A_103] : memref<8x!tpu.dma_semaphore, #tpu.memory_space<semaphore_mem>> -> memref<1x!tpu.dma_semaphore, #tpu.memory_space<semaphore_mem>>
        %dma_start3A_115 = tpu.memref_squeeze %dma_start3A_114 : memref<1x!tpu.dma_semaphore, #tpu.memory_space<semaphore_mem>> -> memref<!tpu.dma_semaphore, #tpu.memory_space<semaphore_mem>>
        %dma_start3A_116 = arith.constant 0 : i32
        %dma_start3A_117 = arith.constant 0 : i32
        %dma_start3A_118 = tpu.memref_slice %arg8[%add3A_103, %dma_start3A_116, %dma_start3A_117] : memref<8x1x4352xi32, #tpu.memory_space<vmem>> -> memref<1x1x4352xi32, #tpu.memory_space<vmem>>
        %dma_start3A_119 = tpu.memref_squeeze %dma_start3A_118 : memref<1x1x4352xi32, #tpu.memory_space<vmem>> -> memref<1x4352xi32, #tpu.memory_space<vmem>>
        %dma_start3A_120 = arith.constant 0 : i32
        %dma_start3A_121 = tpu.memref_slice %arg2[%dma_start3A_120, %multiple_of3A] : memref<1x320000xi32, #tpu.memory_space<any>> -> memref<1x4352xi32, #tpu.memory_space<any>>
        tpu.enqueue_dma source(%dma_start3A_121 : memref<1x4352xi32, #tpu.memory_space<any>>) target(%dma_start3A_119 : memref<1x4352xi32, #tpu.memory_space<vmem>>) target_semaphore(%dma_start3A_115 : memref<!tpu.dma_semaphore, #tpu.memory_space<semaphore_mem>>)
      } else {
      }
      %gt3A_97 = arith.constant 2 : i32
      %gt3A_98 = arith.cmpi sgt, %select_n3A_84, %gt3A_97 : i32
      %convert_element_type3A_99 = arith.extui %gt3A_98 : i1 to i32
      %cond3A_100 = arith.constant 0 : i32
      %cond3A_101 = arith.cmpi ne, %convert_element_type3A_99, %cond3A_100 : i32
      scf.if %cond3A_101 {
        %add3A_102 = arith.constant 2 : i32
        %add3A_103 = arith.addi %sub3A_86, %add3A_102 : i32
        %add3A_104 = arith.constant 8704 : i32
        %add3A_105 = arith.addi %shift_left3A_74, %add3A_104 : i32
        %min3A = arith.constant 315648 : i32
        %min3A_106 = arith.minsi %add3A_105, %min3A : i32
        %multiple_of3A = tpu.assume_multiple %min3A_106, 128 : i32
        %dma_start3A = tpu.memref_slice %arg10[%add3A_103] : memref<8x!tpu.dma_semaphore, #tpu.memory_space<semaphore_mem>> -> memref<1x!tpu.dma_semaphore, #tpu.memory_space<semaphore_mem>>
        %dma_start3A_107 = tpu.memref_squeeze %dma_start3A : memref<1x!tpu.dma_semaphore, #tpu.memory_space<semaphore_mem>> -> memref<!tpu.dma_semaphore, #tpu.memory_space<semaphore_mem>>
        %dma_start3A_108 = arith.constant 0 : i32
        %dma_start3A_109 = arith.constant 0 : i32
        %dma_start3A_110 = tpu.memref_slice %arg7[%add3A_103, %dma_start3A_108, %dma_start3A_109] : memref<8x4352x128xf32, #tpu.memory_space<vmem>> -> memref<1x4352x128xf32, #tpu.memory_space<vmem>>
        %dma_start3A_111 = tpu.memref_squeeze %dma_start3A_110 : memref<1x4352x128xf32, #tpu.memory_space<vmem>> -> memref<4352x128xf32, #tpu.memory_space<vmem>>
        %dma_start3A_112 = arith.constant 0 : i32
        %dma_start3A_113 = tpu.memref_slice %arg3[%multiple_of3A, %dma_start3A_112] : memref<320000x128xf32, #tpu.memory_space<any>> -> memref<4352x128xf32, #tpu.memory_space<any>>
        tpu.enqueue_dma source(%dma_start3A_113 : memref<4352x128xf32, #tpu.memory_space<any>>) target(%dma_start3A_111 : memref<4352x128xf32, #tpu.memory_space<vmem>>) target_semaphore(%dma_start3A_107 : memref<!tpu.dma_semaphore, #tpu.memory_space<semaphore_mem>>)
        %dma_start3A_114 = tpu.memref_slice %arg11[%add3A_103] : memref<8x!tpu.dma_semaphore, #tpu.memory_space<semaphore_mem>> -> memref<1x!tpu.dma_semaphore, #tpu.memory_space<semaphore_mem>>
        %dma_start3A_115 = tpu.memref_squeeze %dma_start3A_114 : memref<1x!tpu.dma_semaphore, #tpu.memory_space<semaphore_mem>> -> memref<!tpu.dma_semaphore, #tpu.memory_space<semaphore_mem>>
        %dma_start3A_116 = arith.constant 0 : i32
        %dma_start3A_117 = arith.constant 0 : i32
        %dma_start3A_118 = tpu.memref_slice %arg8[%add3A_103, %dma_start3A_116, %dma_start3A_117] : memref<8x1x4352xi32, #tpu.memory_space<vmem>> -> memref<1x1x4352xi32, #tpu.memory_space<vmem>>
        %dma_start3A_119 = tpu.memref_squeeze %dma_start3A_118 : memref<1x1x4352xi32, #tpu.memory_space<vmem>> -> memref<1x4352xi32, #tpu.memory_space<vmem>>
        %dma_start3A_120 = arith.constant 0 : i32
        %dma_start3A_121 = tpu.memref_slice %arg2[%dma_start3A_120, %multiple_of3A] : memref<1x320000xi32, #tpu.memory_space<any>> -> memref<1x4352xi32, #tpu.memory_space<any>>
        tpu.enqueue_dma source(%dma_start3A_121 : memref<1x4352xi32, #tpu.memory_space<any>>) target(%dma_start3A_119 : memref<1x4352xi32, #tpu.memory_space<vmem>>) target_semaphore(%dma_start3A_115 : memref<!tpu.dma_semaphore, #tpu.memory_space<semaphore_mem>>)
      } else {
      }
    } else {
    }
    %iota3A = tpu.iota {dimensions = array<i32: 1>} : vector<1x4352xi32>
    %while3A = arith.constant 0 : i32
    %while3A_31 = arith.constant 0xFF800000 : f32
    %while3A_32 = arith.subi %select_n3A, %while3A : i32
    %while3A_33 = arith.addi %while3A, %while3A_32 : i32
    %while3A_34 = arith.constant 1 : i32
    %while3A_35 = arith.divsi %while3A_32, %while3A_34 : i32
    %while3A_36 = arith.muli %while3A_35, %while3A_34 : i32
    %while3A_37 = arith.addi %while3A, %while3A_36 : i32
    %while3A_38 = arith.constant 1 : i32
    %while3A_39 = scf.for %while3A_63 = %while3A to %while3A_37 step %while3A_38 iter_args(%while3A_64 = %while3A_31) -> (f32)  : i32 {
      %rem3A_65 = arith.constant 4 : i32
      %rem3A_66 = arith.remsi %while3A_63, %rem3A_65 : i32
      %add3A_67 = arith.addi %mul3A_22, %rem3A_66 : i32
      %mul3A_68 = arith.constant 4352 : i32
      %mul3A_69 = arith.muli %while3A_63, %mul3A_68 : i32
      %add3A_70 = arith.addi %shift_left3A_13, %mul3A_69 : i32
      %min3A = arith.constant 315648 : i32
      %min3A_71 = arith.minsi %add3A_70, %min3A : i32
      %add3A_72 = arith.constant 3 : i32
      %add3A_73 = arith.addi %while3A_63, %add3A_72 : i32
      %lt3A_74 = arith.cmpi slt, %add3A_73, %select_n3A : i32
      %convert_element_type3A_75 = arith.extui %lt3A_74 : i1 to i32
      %cond3A_76 = arith.constant 0 : i32
      %cond3A_77 = arith.cmpi ne, %convert_element_type3A_75, %cond3A_76 : i32
      scf.if %cond3A_77 {
        %add3A_170 = arith.constant 3 : i32
        %add3A_171 = arith.addi %while3A_63, %add3A_170 : i32
        %add3A_172 = arith.constant 3 : i32
        %add3A_173 = arith.addi %while3A_63, %add3A_172 : i32
        %rem3A_174 = arith.constant 4 : i32
        %rem3A_175 = arith.remsi %add3A_173, %rem3A_174 : i32
        %add3A_176 = arith.addi %mul3A_22, %rem3A_175 : i32
        %mul3A_177 = arith.constant 4352 : i32
        %mul3A_178 = arith.muli %add3A_171, %mul3A_177 : i32
        %add3A_179 = arith.addi %shift_left3A_13, %mul3A_178 : i32
        %min3A_180 = arith.constant 315648 : i32
        %min3A_181 = arith.minsi %add3A_179, %min3A_180 : i32
        %multiple_of3A_182 = tpu.assume_multiple %min3A_181, 128 : i32
        %dma_start3A = tpu.memref_slice %arg10[%add3A_176] : memref<8x!tpu.dma_semaphore, #tpu.memory_space<semaphore_mem>> -> memref<1x!tpu.dma_semaphore, #tpu.memory_space<semaphore_mem>>
        %dma_start3A_183 = tpu.memref_squeeze %dma_start3A : memref<1x!tpu.dma_semaphore, #tpu.memory_space<semaphore_mem>> -> memref<!tpu.dma_semaphore, #tpu.memory_space<semaphore_mem>>
        %dma_start3A_184 = arith.constant 0 : i32
        %dma_start3A_185 = arith.constant 0 : i32
        %dma_start3A_186 = tpu.memref_slice %arg7[%add3A_176, %dma_start3A_184, %dma_start3A_185] : memref<8x4352x128xf32, #tpu.memory_space<vmem>> -> memref<1x4352x128xf32, #tpu.memory_space<vmem>>
        %dma_start3A_187 = tpu.memref_squeeze %dma_start3A_186 : memref<1x4352x128xf32, #tpu.memory_space<vmem>> -> memref<4352x128xf32, #tpu.memory_space<vmem>>
        %dma_start3A_188 = arith.constant 0 : i32
        %dma_start3A_189 = tpu.memref_slice %arg3[%multiple_of3A_182, %dma_start3A_188] : memref<320000x128xf32, #tpu.memory_space<any>> -> memref<4352x128xf32, #tpu.memory_space<any>>
        tpu.enqueue_dma source(%dma_start3A_189 : memref<4352x128xf32, #tpu.memory_space<any>>) target(%dma_start3A_187 : memref<4352x128xf32, #tpu.memory_space<vmem>>) target_semaphore(%dma_start3A_183 : memref<!tpu.dma_semaphore, #tpu.memory_space<semaphore_mem>>)
        %dma_start3A_190 = tpu.memref_slice %arg11[%add3A_176] : memref<8x!tpu.dma_semaphore, #tpu.memory_space<semaphore_mem>> -> memref<1x!tpu.dma_semaphore, #tpu.memory_space<semaphore_mem>>
        %dma_start3A_191 = tpu.memref_squeeze %dma_start3A_190 : memref<1x!tpu.dma_semaphore, #tpu.memory_space<semaphore_mem>> -> memref<!tpu.dma_semaphore, #tpu.memory_space<semaphore_mem>>
        %dma_start3A_192 = arith.constant 0 : i32
        %dma_start3A_193 = arith.constant 0 : i32
        %dma_start3A_194 = tpu.memref_slice %arg8[%add3A_176, %dma_start3A_192, %dma_start3A_193] : memref<8x1x4352xi32, #tpu.memory_space<vmem>> -> memref<1x1x4352xi32, #tpu.memory_space<vmem>>
        %dma_start3A_195 = tpu.memref_squeeze %dma_start3A_194 : memref<1x1x4352xi32, #tpu.memory_space<vmem>> -> memref<1x4352xi32, #tpu.memory_space<vmem>>
        %dma_start3A_196 = arith.constant 0 : i32
        %dma_start3A_197 = tpu.memref_slice %arg2[%dma_start3A_196, %multiple_of3A_182] : memref<1x320000xi32, #tpu.memory_space<any>> -> memref<1x4352xi32, #tpu.memory_space<any>>
        tpu.enqueue_dma source(%dma_start3A_197 : memref<1x4352xi32, #tpu.memory_space<any>>) target(%dma_start3A_195 : memref<1x4352xi32, #tpu.memory_space<vmem>>) target_semaphore(%dma_start3A_191 : memref<!tpu.dma_semaphore, #tpu.memory_space<semaphore_mem>>)
      } else {
      }
      %mul3A_78 = arith.constant 4352 : i32
      %mul3A_79 = arith.muli %while3A_63, %mul3A_78 : i32
      %add3A_80 = arith.addi %shift_left3A_13, %mul3A_79 : i32
      %min3A_81 = arith.constant 315648 : i32
      %min3A_82 = arith.minsi %add3A_80, %min3A_81 : i32
      %multiple_of3A = tpu.assume_multiple %min3A_82, 128 : i32
      %dma_wait3A = tpu.memref_slice %arg10[%add3A_67] : memref<8x!tpu.dma_semaphore, #tpu.memory_space<semaphore_mem>> -> memref<1x!tpu.dma_semaphore, #tpu.memory_space<semaphore_mem>>
      %dma_wait3A_83 = tpu.memref_squeeze %dma_wait3A : memref<1x!tpu.dma_semaphore, #tpu.memory_space<semaphore_mem>> -> memref<!tpu.dma_semaphore, #tpu.memory_space<semaphore_mem>>
      %dma_wait3A_84 = arith.constant 0 : i32
      %dma_wait3A_85 = arith.constant 0 : i32
      %dma_wait3A_86 = tpu.memref_slice %arg7[%add3A_67, %dma_wait3A_84, %dma_wait3A_85] : memref<8x4352x128xf32, #tpu.memory_space<vmem>> -> memref<1x4352x128xf32, #tpu.memory_space<vmem>>
      %dma_wait3A_87 = tpu.memref_squeeze %dma_wait3A_86 : memref<1x4352x128xf32, #tpu.memory_space<vmem>> -> memref<4352x128xf32, #tpu.memory_space<vmem>>
      %dma_wait3A_88 = arith.constant 0 : i32
      %dma_wait3A_89 = tpu.memref_slice %arg3[%multiple_of3A, %dma_wait3A_88] : memref<320000x128xf32, #tpu.memory_space<any>> -> memref<4352x128xf32, #tpu.memory_space<any>>
      tpu.wait_dma2 semaphore(%dma_wait3A_83 : memref<!tpu.dma_semaphore, #tpu.memory_space<semaphore_mem>>) src(%dma_wait3A_89 : memref<4352x128xf32, #tpu.memory_space<any>>) dst(%dma_wait3A_87 : memref<4352x128xf32, #tpu.memory_space<vmem>>)
      %dma_wait3A_90 = tpu.memref_slice %arg11[%add3A_67] : memref<8x!tpu.dma_semaphore, #tpu.memory_space<semaphore_mem>> -> memref<1x!tpu.dma_semaphore, #tpu.memory_space<semaphore_mem>>
      %dma_wait3A_91 = tpu.memref_squeeze %dma_wait3A_90 : memref<1x!tpu.dma_semaphore, #tpu.memory_space<semaphore_mem>> -> memref<!tpu.dma_semaphore, #tpu.memory_space<semaphore_mem>>
      %dma_wait3A_92 = arith.constant 0 : i32
      %dma_wait3A_93 = arith.constant 0 : i32
      %dma_wait3A_94 = tpu.memref_slice %arg8[%add3A_67, %dma_wait3A_92, %dma_wait3A_93] : memref<8x1x4352xi32, #tpu.memory_space<vmem>> -> memref<1x1x4352xi32, #tpu.memory_space<vmem>>
      %dma_wait3A_95 = tpu.memref_squeeze %dma_wait3A_94 : memref<1x1x4352xi32, #tpu.memory_space<vmem>> -> memref<1x4352xi32, #tpu.memory_space<vmem>>
      %dma_wait3A_96 = arith.constant 0 : i32
      %dma_wait3A_97 = tpu.memref_slice %arg2[%dma_wait3A_96, %multiple_of3A] : memref<1x320000xi32, #tpu.memory_space<any>> -> memref<1x4352xi32, #tpu.memory_space<any>>
      tpu.wait_dma2 semaphore(%dma_wait3A_91 : memref<!tpu.dma_semaphore, #tpu.memory_space<semaphore_mem>>) src(%dma_wait3A_97 : memref<1x4352xi32, #tpu.memory_space<any>>) dst(%dma_wait3A_95 : memref<1x4352xi32, #tpu.memory_space<vmem>>)
      %max3A = arith.maxsi %get3A_0, %add3A_70 : i32
      %sub3A_98 = arith.subi %max3A, %min3A_71 : i32
      %add3A_99 = arith.constant 4352 : i32
      %add3A_100 = arith.addi %add3A_70, %add3A_99 : i32
      %min3A_101 = arith.minsi %get3A_3, %add3A_100 : i32
      %sub3A_102 = arith.subi %min3A_101, %min3A_71 : i32
      %get3A_103 = arith.index_cast %add3A_67 : i32 to index
      %get3A_104 = arith.constant 0 : index
      %get3A_105 = arith.constant 0 : index
      %get3A_106 = vector.load %arg7[%get3A_103, %get3A_104, %get3A_105] : memref<8x4352x128xf32, #tpu.memory_space<vmem>>, vector<1x4352x128xf32>
      %get3A_107 = vector.shape_cast %get3A_106 : vector<1x4352x128xf32> to vector<4352x128xf32>
      %get3A_108 = arith.constant 0 : index
      %get3A_109 = arith.constant 0 : index
      %get3A_110 = vector.load %arg4[%get3A_108, %get3A_109] : memref<128x1xf32, #tpu.memory_space<vmem>>, vector<128x1xf32>
      %dot_general3A = arith.constant dense<0.000000e+00> : vector<4352x1xf32>
      %dot_general3A_111 = tpu.matmul %get3A_107, %get3A_110, %dot_general3A {dimension_numbers = #tpu.dot_dimension_numbers<[1], [0], [0], [1], [0, 0, 1, 1], [], []>, transpose_lhs_hint = false} : vector<4352x128xf32>, vector<128x1xf32>, vector<4352x1xf32> -> vector<4352x1xf32>
      %transpose3A = tpu.transpose %dot_general3A_111, [1, 0] : vector<4352x1xf32> -> vector<1x4352xf32>
      %ge3A = vector.broadcast %sub3A_98 : i32 to vector<1x4352xi32>
      %ge3A_112 = arith.cmpi sge, %iota3A, %ge3A : vector<1x4352xi32>
      %lt3A_113 = vector.broadcast %sub3A_102 : i32 to vector<1x4352xi32>
      %lt3A_114 = arith.cmpi slt, %iota3A, %lt3A_113 : vector<1x4352xi32>
      %and3A = arith.andi %ge3A_112, %lt3A_114 : vector<1x4352xi1>
      %jit3A_115 = arith.constant 0xFF800000 : f32
      %broadcast_in_dim3A_116 = vector.broadcast %jit3A_115 : f32 to vector<1x4352xf32>
      %select_n3A_117 = arith.select %and3A, %transpose3A, %broadcast_in_dim3A_116 : vector<1x4352xi1>, vector<1x4352xf32>
      %reduce_max3A = vector.shape_cast %select_n3A_117 : vector<1x4352xf32> to vector<1x1x4352xf32>
      %reduce_max3A_118 = arith.constant dense<0xFF800000> : vector<1xf32>
      %reduce_max3A_119 = vector.multi_reduction <maximumf>, %reduce_max3A, %reduce_max3A_118 [1, 2] : vector<1x1x4352xf32> to vector<1xf32>
      %reduce_max3A_120 = vector.shape_cast %reduce_max3A_119 : vector<1xf32> to vector<1x1x1xf32>
      %reduce_max3A_121 = vector.extract %reduce_max3A_120[0, 0, 0] : f32 from vector<1x1x1xf32>
      %max3A_122 = arith.maximumf %while3A_64, %reduce_max3A_121 : f32
      %sub3A_123 = arith.subf %while3A_64, %max3A_122 : f32
      %exp3A = math.exp %sub3A_123 : f32
      %sub3A_124 = vector.broadcast %max3A_122 : f32 to vector<1x4352xf32>
      %sub3A_125 = arith.subf %select_n3A_117, %sub3A_124 : vector<1x4352xf32>
      %exp3A_126 = math.exp %sub3A_125 : vector<1x4352xf32>
      %get3A_127 = arith.index_cast %add3A_67 : i32 to index
      %get3A_128 = arith.constant 0 : index
      %get3A_129 = arith.constant 0 : index
      %get3A_130 = vector.load %arg8[%get3A_127, %get3A_128, %get3A_129] : memref<8x1x4352xi32, #tpu.memory_space<vmem>>, vector<1x1x4352xi32>
      %get3A_131 = vector.shape_cast %get3A_130 : vector<1x1x4352xi32> to vector<1x4352xi32>
      %mul3A_132 = arith.constant 128 : i32
      %mul3A_133 = arith.muli %arg0, %mul3A_132 : i32
      %sub3A_134 = vector.broadcast %mul3A_133 : i32 to vector<1x4352xi32>
      %sub3A_135 = arith.subi %get3A_131, %sub3A_134 : vector<1x4352xi32>
      %iota3A_136 = tpu.iota {dimensions = array<i32: 0>} : vector<128x1xi32>
      %eq3A_137 = vector.broadcast %sub3A_135 : vector<1x4352xi32> to vector<128x4352xi32>
      %eq3A_138 = vector.broadcast %iota3A_136 : vector<128x1xi32> to vector<128x4352xi32>
      %eq3A_139 = arith.cmpi eq, %eq3A_137, %eq3A_138 : vector<128x4352xi32>
      %jit3A_140 = arith.constant 0.000000e+00 : f32
      %broadcast_in_dim3A_141 = vector.shape_cast %exp3A_126 : vector<1x4352xf32> to vector<1x4352xf32>
      %broadcast_in_dim3A_142 = vector.broadcast %broadcast_in_dim3A_141 : vector<1x4352xf32> to vector<128x4352xf32>
      %broadcast_in_dim3A_143 = vector.broadcast %jit3A_140 : f32 to vector<128x4352xf32>
      %select_n3A_144 = arith.select %eq3A_139, %broadcast_in_dim3A_142, %broadcast_in_dim3A_143 : vector<128x4352xi1>, vector<128x4352xf32>
      %convert_element_type3A_145 = arith.truncf %select_n3A_144 : vector<128x4352xf32> to vector<128x4352xbf16>
      %convert_element_type3A_146 = arith.truncf %get3A_107 : vector<4352x128xf32> to vector<4352x128xbf16>
      %broadcast_in_dim3A_147 = arith.constant 1.000000e+00 : bf16
      %broadcast_in_dim3A_148 = vector.broadcast %broadcast_in_dim3A_147 : bf16 to vector<4352x1xbf16>
      %concatenate3A = tpu.concatenate %convert_element_type3A_146, %broadcast_in_dim3A_148 in 1 : vector<4352x128xbf16>, vector<4352x1xbf16> -> vector<4352x129xbf16>
      %dot_general3A_149 = arith.constant dense<0.000000e+00> : vector<128x129xf32>
      %dot_general3A_150 = tpu.matmul %convert_element_type3A_145, %concatenate3A, %dot_general3A_149 {dimension_numbers = #tpu.dot_dimension_numbers<[1], [0], [0], [1], [0, 0, 1, 1], [], []>, transpose_lhs_hint = false} : vector<128x4352xbf16>, vector<4352x129xbf16>, vector<128x129xf32> -> vector<128x129xf32>
      %get3A_151 = arith.constant 0 : index
      %get3A_152 = arith.constant 0 : index
      %get3A_153 = vector.load %arg5[%get3A_151, %get3A_152] : memref<128x128xf32, #tpu.memory_space<vmem>>, vector<128x128xf32>
      %mul3A_154 = vector.broadcast %exp3A : f32 to vector<128x128xf32>
      %mul3A_155 = arith.mulf %get3A_153, %mul3A_154 : vector<128x128xf32>
      %slice3A = vector.extract_strided_slice %dot_general3A_150 {offsets = [0, 0], sizes = [128, 128], strides = [1, 1]} : vector<128x129xf32> to vector<128x128xf32>
      %add3A_156 = arith.addf %mul3A_155, %slice3A : vector<128x128xf32>
      %swap3A_157 = arith.constant 0 : index
      %swap3A_158 = arith.constant 0 : index
      %swap3A_159 = vector.load %arg5[%swap3A_157, %swap3A_158] : memref<128x128xf32, #tpu.memory_space<vmem>>, vector<128x128xf32>
      tpu.vector_store %arg5[%swap3A_157, %swap3A_158], %add3A_156 {strides = array<i32>} : memref<128x128xf32, #tpu.memory_space<vmem>>, vector<128x128xf32>,
      %get3A_160 = arith.constant 0 : index
      %get3A_161 = arith.constant 0 : index
      %get3A_162 = vector.load %arg9[%get3A_160, %get3A_161] : memref<128x1xf32, #tpu.memory_space<vmem>>, vector<128x1xf32>
      %mul3A_163 = vector.broadcast %exp3A : f32 to vector<128x1xf32>
      %mul3A_164 = arith.mulf %get3A_162, %mul3A_163 : vector<128x1xf32>
      %slice3A_165 = vector.extract_strided_slice %dot_general3A_150 {offsets = [0, 128], sizes = [128, 1], strides = [1, 1]} : vector<128x129xf32> to vector<128x1xf32>
      %add3A_166 = arith.addf %mul3A_164, %slice3A_165 : vector<128x1xf32>
      %swap3A_167 = arith.constant 0 : index
      %swap3A_168 = arith.constant 0 : index
      %swap3A_169 = vector.load %arg9[%swap3A_167, %swap3A_168] : memref<128x1xf32, #tpu.memory_space<vmem>>, vector<128x1xf32>
      tpu.vector_store %arg9[%swap3A_167, %swap3A_168], %add3A_166 {strides = array<i32>} : memref<128x1xf32, #tpu.memory_space<vmem>>, vector<128x1xf32>,
      scf.yield %max3A_122 : f32
    }
    %while3A_40 = arith.constant 1 : i32
    %while3A_41 = scf.for %while3A_63 = %while3A_37 to %while3A_33 step %while3A_40 iter_args(%while3A_64 = %while3A_39) -> (f32)  : i32 {
      %rem3A_65 = arith.constant 4 : i32
      %rem3A_66 = arith.remsi %while3A_63, %rem3A_65 : i32
      %add3A_67 = arith.addi %mul3A_22, %rem3A_66 : i32
      %mul3A_68 = arith.constant 4352 : i32
      %mul3A_69 = arith.muli %while3A_63, %mul3A_68 : i32
      %add3A_70 = arith.addi %shift_left3A_13, %mul3A_69 : i32
      %min3A = arith.constant 315648 : i32
      %min3A_71 = arith.minsi %add3A_70, %min3A : i32
      %add3A_72 = arith.constant 3 : i32
      %add3A_73 = arith.addi %while3A_63, %add3A_72 : i32
      %lt3A_74 = arith.cmpi slt, %add3A_73, %select_n3A : i32
      %convert_element_type3A_75 = arith.extui %lt3A_74 : i1 to i32
      %cond3A_76 = arith.constant 0 : i32
      %cond3A_77 = arith.cmpi ne, %convert_element_type3A_75, %cond3A_76 : i32
      scf.if %cond3A_77 {
        %add3A_170 = arith.constant 3 : i32
        %add3A_171 = arith.addi %while3A_63, %add3A_170 : i32
        %add3A_172 = arith.constant 3 : i32
        %add3A_173 = arith.addi %while3A_63, %add3A_172 : i32
        %rem3A_174 = arith.constant 4 : i32
        %rem3A_175 = arith.remsi %add3A_173, %rem3A_174 : i32
        %add3A_176 = arith.addi %mul3A_22, %rem3A_175 : i32
        %mul3A_177 = arith.constant 4352 : i32
        %mul3A_178 = arith.muli %add3A_171, %mul3A_177 : i32
        %add3A_179 = arith.addi %shift_left3A_13, %mul3A_178 : i32
        %min3A_180 = arith.constant 315648 : i32
        %min3A_181 = arith.minsi %add3A_179, %min3A_180 : i32
        %multiple_of3A_182 = tpu.assume_multiple %min3A_181, 128 : i32
        %dma_start3A = tpu.memref_slice %arg10[%add3A_176] : memref<8x!tpu.dma_semaphore, #tpu.memory_space<semaphore_mem>> -> memref<1x!tpu.dma_semaphore, #tpu.memory_space<semaphore_mem>>
        %dma_start3A_183 = tpu.memref_squeeze %dma_start3A : memref<1x!tpu.dma_semaphore, #tpu.memory_space<semaphore_mem>> -> memref<!tpu.dma_semaphore, #tpu.memory_space<semaphore_mem>>
        %dma_start3A_184 = arith.constant 0 : i32
        %dma_start3A_185 = arith.constant 0 : i32
        %dma_start3A_186 = tpu.memref_slice %arg7[%add3A_176, %dma_start3A_184, %dma_start3A_185] : memref<8x4352x128xf32, #tpu.memory_space<vmem>> -> memref<1x4352x128xf32, #tpu.memory_space<vmem>>
        %dma_start3A_187 = tpu.memref_squeeze %dma_start3A_186 : memref<1x4352x128xf32, #tpu.memory_space<vmem>> -> memref<4352x128xf32, #tpu.memory_space<vmem>>
        %dma_start3A_188 = arith.constant 0 : i32
        %dma_start3A_189 = tpu.memref_slice %arg3[%multiple_of3A_182, %dma_start3A_188] : memref<320000x128xf32, #tpu.memory_space<any>> -> memref<4352x128xf32, #tpu.memory_space<any>>
        tpu.enqueue_dma source(%dma_start3A_189 : memref<4352x128xf32, #tpu.memory_space<any>>) target(%dma_start3A_187 : memref<4352x128xf32, #tpu.memory_space<vmem>>) target_semaphore(%dma_start3A_183 : memref<!tpu.dma_semaphore, #tpu.memory_space<semaphore_mem>>)
        %dma_start3A_190 = tpu.memref_slice %arg11[%add3A_176] : memref<8x!tpu.dma_semaphore, #tpu.memory_space<semaphore_mem>> -> memref<1x!tpu.dma_semaphore, #tpu.memory_space<semaphore_mem>>
        %dma_start3A_191 = tpu.memref_squeeze %dma_start3A_190 : memref<1x!tpu.dma_semaphore, #tpu.memory_space<semaphore_mem>> -> memref<!tpu.dma_semaphore, #tpu.memory_space<semaphore_mem>>
        %dma_start3A_192 = arith.constant 0 : i32
        %dma_start3A_193 = arith.constant 0 : i32
        %dma_start3A_194 = tpu.memref_slice %arg8[%add3A_176, %dma_start3A_192, %dma_start3A_193] : memref<8x1x4352xi32, #tpu.memory_space<vmem>> -> memref<1x1x4352xi32, #tpu.memory_space<vmem>>
        %dma_start3A_195 = tpu.memref_squeeze %dma_start3A_194 : memref<1x1x4352xi32, #tpu.memory_space<vmem>> -> memref<1x4352xi32, #tpu.memory_space<vmem>>
        %dma_start3A_196 = arith.constant 0 : i32
        %dma_start3A_197 = tpu.memref_slice %arg2[%dma_start3A_196, %multiple_of3A_182] : memref<1x320000xi32, #tpu.memory_space<any>> -> memref<1x4352xi32, #tpu.memory_space<any>>
        tpu.enqueue_dma source(%dma_start3A_197 : memref<1x4352xi32, #tpu.memory_space<any>>) target(%dma_start3A_195 : memref<1x4352xi32, #tpu.memory_space<vmem>>) target_semaphore(%dma_start3A_191 : memref<!tpu.dma_semaphore, #tpu.memory_space<semaphore_mem>>)
      } else {
      }
      %mul3A_78 = arith.constant 4352 : i32
      %mul3A_79 = arith.muli %while3A_63, %mul3A_78 : i32
      %add3A_80 = arith.addi %shift_left3A_13, %mul3A_79 : i32
      %min3A_81 = arith.constant 315648 : i32
      %min3A_82 = arith.minsi %add3A_80, %min3A_81 : i32
      %multiple_of3A = tpu.assume_multiple %min3A_82, 128 : i32
      %dma_wait3A = tpu.memref_slice %arg10[%add3A_67] : memref<8x!tpu.dma_semaphore, #tpu.memory_space<semaphore_mem>> -> memref<1x!tpu.dma_semaphore, #tpu.memory_space<semaphore_mem>>
      %dma_wait3A_83 = tpu.memref_squeeze %dma_wait3A : memref<1x!tpu.dma_semaphore, #tpu.memory_space<semaphore_mem>> -> memref<!tpu.dma_semaphore, #tpu.memory_space<semaphore_mem>>
      %dma_wait3A_84 = arith.constant 0 : i32
      %dma_wait3A_85 = arith.constant 0 : i32
      %dma_wait3A_86 = tpu.memref_slice %arg7[%add3A_67, %dma_wait3A_84, %dma_wait3A_85] : memref<8x4352x128xf32, #tpu.memory_space<vmem>> -> memref<1x4352x128xf32, #tpu.memory_space<vmem>>
      %dma_wait3A_87 = tpu.memref_squeeze %dma_wait3A_86 : memref<1x4352x128xf32, #tpu.memory_space<vmem>> -> memref<4352x128xf32, #tpu.memory_space<vmem>>
      %dma_wait3A_88 = arith.constant 0 : i32
      %dma_wait3A_89 = tpu.memref_slice %arg3[%multiple_of3A, %dma_wait3A_88] : memref<320000x128xf32, #tpu.memory_space<any>> -> memref<4352x128xf32, #tpu.memory_space<any>>
      tpu.wait_dma2 semaphore(%dma_wait3A_83 : memref<!tpu.dma_semaphore, #tpu.memory_space<semaphore_mem>>) src(%dma_wait3A_89 : memref<4352x128xf32, #tpu.memory_space<any>>) dst(%dma_wait3A_87 : memref<4352x128xf32, #tpu.memory_space<vmem>>)
      %dma_wait3A_90 = tpu.memref_slice %arg11[%add3A_67] : memref<8x!tpu.dma_semaphore, #tpu.memory_space<semaphore_mem>> -> memref<1x!tpu.dma_semaphore, #tpu.memory_space<semaphore_mem>>
      %dma_wait3A_91 = tpu.memref_squeeze %dma_wait3A_90 : memref<1x!tpu.dma_semaphore, #tpu.memory_space<semaphore_mem>> -> memref<!tpu.dma_semaphore, #tpu.memory_space<semaphore_mem>>
      %dma_wait3A_92 = arith.constant 0 : i32
      %dma_wait3A_93 = arith.constant 0 : i32
      %dma_wait3A_94 = tpu.memref_slice %arg8[%add3A_67, %dma_wait3A_92, %dma_wait3A_93] : memref<8x1x4352xi32, #tpu.memory_space<vmem>> -> memref<1x1x4352xi32, #tpu.memory_space<vmem>>
      %dma_wait3A_95 = tpu.memref_squeeze %dma_wait3A_94 : memref<1x1x4352xi32, #tpu.memory_space<vmem>> -> memref<1x4352xi32, #tpu.memory_space<vmem>>
      %dma_wait3A_96 = arith.constant 0 : i32
      %dma_wait3A_97 = tpu.memref_slice %arg2[%dma_wait3A_96, %multiple_of3A] : memref<1x320000xi32, #tpu.memory_space<any>> -> memref<1x4352xi32, #tpu.memory_space<any>>
      tpu.wait_dma2 semaphore(%dma_wait3A_91 : memref<!tpu.dma_semaphore, #tpu.memory_space<semaphore_mem>>) src(%dma_wait3A_97 : memref<1x4352xi32, #tpu.memory_space<any>>) dst(%dma_wait3A_95 : memref<1x4352xi32, #tpu.memory_space<vmem>>)
      %max3A = arith.maxsi %get3A_0, %add3A_70 : i32
      %sub3A_98 = arith.subi %max3A, %min3A_71 : i32
      %add3A_99 = arith.constant 4352 : i32
      %add3A_100 = arith.addi %add3A_70, %add3A_99 : i32
      %min3A_101 = arith.minsi %get3A_3, %add3A_100 : i32
      %sub3A_102 = arith.subi %min3A_101, %min3A_71 : i32
      %get3A_103 = arith.index_cast %add3A_67 : i32 to index
      %get3A_104 = arith.constant 0 : index
      %get3A_105 = arith.constant 0 : index
      %get3A_106 = vector.load %arg7[%get3A_103, %get3A_104, %get3A_105] : memref<8x4352x128xf32, #tpu.memory_space<vmem>>, vector<1x4352x128xf32>
      %get3A_107 = vector.shape_cast %get3A_106 : vector<1x4352x128xf32> to vector<4352x128xf32>
      %get3A_108 = arith.constant 0 : index
      %get3A_109 = arith.constant 0 : index
      %get3A_110 = vector.load %arg4[%get3A_108, %get3A_109] : memref<128x1xf32, #tpu.memory_space<vmem>>, vector<128x1xf32>
      %dot_general3A = arith.constant dense<0.000000e+00> : vector<4352x1xf32>
      %dot_general3A_111 = tpu.matmul %get3A_107, %get3A_110, %dot_general3A {dimension_numbers = #tpu.dot_dimension_numbers<[1], [0], [0], [1], [0, 0, 1, 1], [], []>, transpose_lhs_hint = false} : vector<4352x128xf32>, vector<128x1xf32>, vector<4352x1xf32> -> vector<4352x1xf32>
      %transpose3A = tpu.transpose %dot_general3A_111, [1, 0] : vector<4352x1xf32> -> vector<1x4352xf32>
      %ge3A = vector.broadcast %sub3A_98 : i32 to vector<1x4352xi32>
      %ge3A_112 = arith.cmpi sge, %iota3A, %ge3A : vector<1x4352xi32>
      %lt3A_113 = vector.broadcast %sub3A_102 : i32 to vector<1x4352xi32>
      %lt3A_114 = arith.cmpi slt, %iota3A, %lt3A_113 : vector<1x4352xi32>
      %and3A = arith.andi %ge3A_112, %lt3A_114 : vector<1x4352xi1>
      %jit3A_115 = arith.constant 0xFF800000 : f32
      %broadcast_in_dim3A_116 = vector.broadcast %jit3A_115 : f32 to vector<1x4352xf32>
      %select_n3A_117 = arith.select %and3A, %transpose3A, %broadcast_in_dim3A_116 : vector<1x4352xi1>, vector<1x4352xf32>
      %reduce_max3A = vector.shape_cast %select_n3A_117 : vector<1x4352xf32> to vector<1x1x4352xf32>
      %reduce_max3A_118 = arith.constant dense<0xFF800000> : vector<1xf32>
      %reduce_max3A_119 = vector.multi_reduction <maximumf>, %reduce_max3A, %reduce_max3A_118 [1, 2] : vector<1x1x4352xf32> to vector<1xf32>
      %reduce_max3A_120 = vector.shape_cast %reduce_max3A_119 : vector<1xf32> to vector<1x1x1xf32>
      %reduce_max3A_121 = vector.extract %reduce_max3A_120[0, 0, 0] : f32 from vector<1x1x1xf32>
      %max3A_122 = arith.maximumf %while3A_64, %reduce_max3A_121 : f32
      %sub3A_123 = arith.subf %while3A_64, %max3A_122 : f32
      %exp3A = math.exp %sub3A_123 : f32
      %sub3A_124 = vector.broadcast %max3A_122 : f32 to vector<1x4352xf32>
      %sub3A_125 = arith.subf %select_n3A_117, %sub3A_124 : vector<1x4352xf32>
      %exp3A_126 = math.exp %sub3A_125 : vector<1x4352xf32>
      %get3A_127 = arith.index_cast %add3A_67 : i32 to index
      %get3A_128 = arith.constant 0 : index
      %get3A_129 = arith.constant 0 : index
      %get3A_130 = vector.load %arg8[%get3A_127, %get3A_128, %get3A_129] : memref<8x1x4352xi32, #tpu.memory_space<vmem>>, vector<1x1x4352xi32>
      %get3A_131 = vector.shape_cast %get3A_130 : vector<1x1x4352xi32> to vector<1x4352xi32>
      %mul3A_132 = arith.constant 128 : i32
      %mul3A_133 = arith.muli %arg0, %mul3A_132 : i32
      %sub3A_134 = vector.broadcast %mul3A_133 : i32 to vector<1x4352xi32>
      %sub3A_135 = arith.subi %get3A_131, %sub3A_134 : vector<1x4352xi32>
      %iota3A_136 = tpu.iota {dimensions = array<i32: 0>} : vector<128x1xi32>
      %eq3A_137 = vector.broadcast %sub3A_135 : vector<1x4352xi32> to vector<128x4352xi32>
      %eq3A_138 = vector.broadcast %iota3A_136 : vector<128x1xi32> to vector<128x4352xi32>
      %eq3A_139 = arith.cmpi eq, %eq3A_137, %eq3A_138 : vector<128x4352xi32>
      %jit3A_140 = arith.constant 0.000000e+00 : f32
      %broadcast_in_dim3A_141 = vector.shape_cast %exp3A_126 : vector<1x4352xf32> to vector<1x4352xf32>
      %broadcast_in_dim3A_142 = vector.broadcast %broadcast_in_dim3A_141 : vector<1x4352xf32> to vector<128x4352xf32>
      %broadcast_in_dim3A_143 = vector.broadcast %jit3A_140 : f32 to vector<128x4352xf32>
      %select_n3A_144 = arith.select %eq3A_139, %broadcast_in_dim3A_142, %broadcast_in_dim3A_143 : vector<128x4352xi1>, vector<128x4352xf32>
      %convert_element_type3A_145 = arith.truncf %select_n3A_144 : vector<128x4352xf32> to vector<128x4352xbf16>
      %convert_element_type3A_146 = arith.truncf %get3A_107 : vector<4352x128xf32> to vector<4352x128xbf16>
      %broadcast_in_dim3A_147 = arith.constant 1.000000e+00 : bf16
      %broadcast_in_dim3A_148 = vector.broadcast %broadcast_in_dim3A_147 : bf16 to vector<4352x1xbf16>
      %concatenate3A = tpu.concatenate %convert_element_type3A_146, %broadcast_in_dim3A_148 in 1 : vector<4352x128xbf16>, vector<4352x1xbf16> -> vector<4352x129xbf16>
      %dot_general3A_149 = arith.constant dense<0.000000e+00> : vector<128x129xf32>
      %dot_general3A_150 = tpu.matmul %convert_element_type3A_145, %concatenate3A, %dot_general3A_149 {dimension_numbers = #tpu.dot_dimension_numbers<[1], [0], [0], [1], [0, 0, 1, 1], [], []>, transpose_lhs_hint = false} : vector<128x4352xbf16>, vector<4352x129xbf16>, vector<128x129xf32> -> vector<128x129xf32>
      %get3A_151 = arith.constant 0 : index
      %get3A_152 = arith.constant 0 : index
      %get3A_153 = vector.load %arg5[%get3A_151, %get3A_152] : memref<128x128xf32, #tpu.memory_space<vmem>>, vector<128x128xf32>
      %mul3A_154 = vector.broadcast %exp3A : f32 to vector<128x128xf32>
      %mul3A_155 = arith.mulf %get3A_153, %mul3A_154 : vector<128x128xf32>
      %slice3A = vector.extract_strided_slice %dot_general3A_150 {offsets = [0, 0], sizes = [128, 128], strides = [1, 1]} : vector<128x129xf32> to vector<128x128xf32>
      %add3A_156 = arith.addf %mul3A_155, %slice3A : vector<128x128xf32>
      %swap3A_157 = arith.constant 0 : index
      %swap3A_158 = arith.constant 0 : index
      %swap3A_159 = vector.load %arg5[%swap3A_157, %swap3A_158] : memref<128x128xf32, #tpu.memory_space<vmem>>, vector<128x128xf32>
      tpu.vector_store %arg5[%swap3A_157, %swap3A_158], %add3A_156 {strides = array<i32>} : memref<128x128xf32, #tpu.memory_space<vmem>>, vector<128x128xf32>,
      %get3A_160 = arith.constant 0 : index
      %get3A_161 = arith.constant 0 : index
      %get3A_162 = vector.load %arg9[%get3A_160, %get3A_161] : memref<128x1xf32, #tpu.memory_space<vmem>>, vector<128x1xf32>
      %mul3A_163 = vector.broadcast %exp3A : f32 to vector<128x1xf32>
      %mul3A_164 = arith.mulf %get3A_162, %mul3A_163 : vector<128x1xf32>
      %slice3A_165 = vector.extract_strided_slice %dot_general3A_150 {offsets = [0, 128], sizes = [128, 1], strides = [1, 1]} : vector<128x129xf32> to vector<128x1xf32>
      %add3A_166 = arith.addf %mul3A_164, %slice3A_165 : vector<128x1xf32>
      %swap3A_167 = arith.constant 0 : index
      %swap3A_168 = arith.constant 0 : index
      %swap3A_169 = vector.load %arg9[%swap3A_167, %swap3A_168] : memref<128x1xf32, #tpu.memory_space<vmem>>, vector<128x1xf32>
      tpu.vector_store %arg9[%swap3A_167, %swap3A_168], %add3A_166 {strides = array<i32>} : memref<128x1xf32, #tpu.memory_space<vmem>>, vector<128x1xf32>,
      scf.yield %max3A_122 : f32
    }
    %get3A_42 = arith.constant 0 : index
    %get3A_43 = arith.constant 0 : index
    %get3A_44 = vector.load %arg9[%get3A_42, %get3A_43] : memref<128x1xf32, #tpu.memory_space<vmem>>, vector<128x1xf32>
    %add3A_45 = arith.constant 1.000000e-10 : f32
    %add3A_46 = vector.broadcast %add3A_45 : f32 to vector<128x1xf32>
    %add3A_47 = arith.addf %get3A_44, %add3A_46 : vector<128x1xf32>
    %div3A_48 = arith.divf %get3A_44, %add3A_47 : vector<128x1xf32>
    %swap3A_49 = arith.constant 0 : index
    %swap3A_50 = arith.constant 0 : index
    %swap3A_51 = vector.load %arg6[%swap3A_49, %swap3A_50] : memref<128x1xf32, #tpu.memory_space<vmem>>, vector<128x1xf32>
    tpu.vector_store %arg6[%swap3A_49, %swap3A_50], %div3A_48 {strides = array<i32>} : memref<128x1xf32, #tpu.memory_space<vmem>>, vector<128x1xf32>,
    %get3A_52 = arith.constant 0 : index
    %get3A_53 = arith.constant 0 : index
    %get3A_54 = vector.load %arg5[%get3A_52, %get3A_53] : memref<128x128xf32, #tpu.memory_space<vmem>>, vector<128x128xf32>
    %add3A_55 = arith.constant 1.000000e-10 : f32
    %add3A_56 = vector.broadcast %add3A_55 : f32 to vector<128x1xf32>
    %add3A_57 = arith.addf %get3A_44, %add3A_56 : vector<128x1xf32>
    %div3A_58 = vector.broadcast %add3A_57 : vector<128x1xf32> to vector<128x128xf32>
    %div3A_59 = arith.divf %get3A_54, %div3A_58 : vector<128x128xf32>
    %swap3A_60 = arith.constant 0 : index
    %swap3A_61 = arith.constant 0 : index
    %swap3A_62 = vector.load %arg5[%swap3A_60, %swap3A_61] : memref<128x128xf32, #tpu.memory_space<vmem>>, vector<128x128xf32>
    tpu.vector_store %arg5[%swap3A_60, %swap3A_61], %div3A_59 {strides = array<i32>} : memref<128x128xf32, #tpu.memory_space<vmem>>, vector<128x128xf32>,
    return
  }
  func.func @transform_2(%arg0: i32, %arg1: memref<80xi32, #tpu.memory_space<smem>>) -> (i32, i32) {
    %c0_i32 = arith.constant 0 : i32
    %c0_i32_0 = arith.constant 0 : i32
    %c0_i32_1 = arith.constant 0 : i32
    return %c0_i32, %c0_i32_0 : i32, i32
  }
  func.func @transform_3(%arg0: i32, %arg1: memref<80xi32, #tpu.memory_space<smem>>) -> (i32, i32) {
    %c0_i32 = arith.constant 0 : i32
    %c0_i32_0 = arith.constant 0 : i32
    return %arg0, %c0_i32 : i32, i32
  }
  func.func @transform_4(%arg0: i32, %arg1: memref<80xi32, #tpu.memory_space<smem>>) -> (i32, i32) {
    %c0_i32 = arith.constant 0 : i32
    %c0_i32_0 = arith.constant 0 : i32
    return %arg0, %c0_i32 : i32, i32
  }
}

</mosaic_0001>

<sc_bundles>
// kernel: kernel.6.cloned.1.call-start
scs
__scs_entry_jumppad:
0x0: {  	(pc) =	sbr.rel $0x88, $3  }
0x1: {  	(tag) =	ssettag $0x0;
	lr =	simm.s32 $0x1  }
0x2: {  	[smem:$0x3F9C] =	sst lr;
	_ =	strace $0xD0000000  }
0x3: {  	_ = 	snop  }
0x4: {  	_ = 	snop  }
0x5: {  	_ = 	snop  }
0x6: {  	_ = 	snop  }
0x7: {  	_ = 	snop  }
__scs_overlays_trampoline_lowered:
0x8: {  	[smem:$0x3FAB] =	sst s0  }
0x9: {  	[smem:$0x3FAC] =	sst s1  }
0xa: {  	[smem:$0x3FAD] =	sst s2  }
0xb: {  	[smem:$0x3FAE] =	sst s3  }
0xc: {  	[smem:$0x3FAF] =	sst s4  }
0xd: {  	[smem:$0x3FB0] =	sst s5  }
0xe: {  	[smem:$0x3FB1] =	sst s6  }
0xf: {  	[smem:$0x3FB2] =	sst s7  }
0x10: {  	[smem:$0x3FB3] =	sst s8  }
0x11: {  	[smem:$0x3FB4] =	sst s9;
	s0 =	simm.s32 @!p0 $0x0  }
0x12: {  	s1 =	sld [smem:$0x3F9A];
	s0 =	simm.s32 @p0 $0x1  }
0x13: {  	[smem:$0x3FB5] =	sst s0;
	s0 =	simm.s32 @!p1 $0x0  }
0x14: {  	s2 =	sld [smem:$0x3F99];
	s0 =	simm.s32 @p1 $0x1  }
0x15: {  	[smem:$0x3FB6] =	sst s0;
	s0 =	simm.s32 @!p2 $0x0  }
0x16: {  	s3 =	sld [smem:$0x3FDB];
	s0 =	simm.s32 @p2 $0x1  }
0x17: {  	s4 =	simm.s32 $0x1BF5;
	[smem:$0x3FB8] =	sst s0  }
0x18: {  	s0 =	sld [smem:$0x3F9B];
	_ =	swait.ge [sflag:s4], $0x0  }
0x19: {  	s7 =	sld [smem:$0x3F9C]  }
0x1a: {  	s8 =	sadd.s32 $0xFFFFE003, lr  }
0x1b: {  	s9 =	sadd.s32 $0xFFFFFEF7, lr;
	s5 =	simm.s32 $0xFFFFFFFF;
	p2 =	slt.u32 s8, $0xFFFFF086  }
0x1c: {  	p1 =	slt.u32 s9, $0xF7A;
	s5 =	simm.s32 @!p2 $0x0  }
0x1d: {  	s5 =	simm.s32 @p1 $0x1;
	p0 =	seq.s32 s7, s2  }
0x1e: {  	s7 =	smul.u32 @!p0 $0xF7A, s2;
	p2 =	seq.s32 @!p0 s5, $0x0  }
0x1f: {  	s9 =	smul.u32 $0xF7A, s1;
	s8 =	simm.s32 @!p0 $0x1BF5;
	p2 =	por !p2, p0  }
0x20: {  	[sflag:s8] =	ssyncset.s32 @!p0 $0xFFFFF086;
	s6 =	sadd.s32 @!p0 s3, s7;
	s7 =	simm.s32 @!p0 $0x108  }
0x21: {  	s3 =	sadd.s32 s3, s9;
	s6 =	sadd.s32 @!p0 $0x88, s6;
	s7 =	simm.s32 @p2 $0x1082  }
0x22: {  	[simem:s7], [sflag:s8] =	dma.local @!p0 [hbm:s6], $0xF7A  }
0x23: {  	s9 =	sor.u32 $0xD0000000, s2;
	s6 =	simm.s32 $0x108;
	_ =	swait.ge @!p0 [sflag:s8], $0x0  }
0x24: {  	s3 =	sadd.s32 $0x88, s3;
	s6 =	simm.s32 @!p1 $0x1082;
	[sflag:s4] =	ssyncset.s32 $0xFFFFF086  }
0x25: {  	[simem:s6], [sflag:s4] =	dma.local [hbm:s3], $0xF7A  }
0x26: {  	[smem:$0x3F9C] =	sst s1;
	(tag) =	ssettag s2;
	_ =	strace s9  }
0x27: {  	s1 =	sld [smem:$0x3FAC]  }
0x28: {  	s2 =	sld [smem:$0x3FAD]  }
0x29: {  	s4 =	sld [smem:$0x3FAF]  }
0x2a: {  	p0 =	seq.s32 s5, $0x0;
	s5 =	sld [smem:$0x3FB0]  }
0x2b: {  	s6 =	sld [smem:$0x3FB1]  }
0x2c: {  	s7 =	sld [smem:$0x3FB2]  }
0x2d: {  	s3 =	simm.s32 $0x108;
	s8 =	sld [smem:$0x3FB3]  }
0x2e: {  	s3 =	simm.s32 @!p0 $0x1082;
	s9 =	sld [smem:$0x3FB4]  }
0x2f: {  	lr =	sadd.s32 s0, s3;
	s0 =	sld [smem:$0x3FAB]  }
0x30: {  	s3 =	sld [smem:$0x3FAE]  }
0x31: {  	[smem:$0x3FB7] =	sst s10  }
0x32: {  	s10 =	sld [smem:$0x3FB5];
	_ =	sdelay $0x3  }
0x33: {  	p0 =	seq.s32 s10, $0x1;
	s10 =	sld [smem:$0x3FB7];
	_ =	sdelay $0x3  }
0x34: {  	[smem:$0x3FB7] =	sst s10  }
0x35: {  	s10 =	sld [smem:$0x3FB6];
	_ =	sdelay $0x3  }
0x36: {  	p1 =	seq.s32 s10, $0x1;
	s10 =	sld [smem:$0x3FB7];
	_ =	sdelay $0x3  }
0x37: {  	[smem:$0x3FB7] =	sst s10  }
0x38: {  	s10 =	sld [smem:$0x3FB8]  }
0x39: {  	_ = 	snop;
	(pc) =	sbr.ind lr, $3  }
0x3a: {  	_ = 	snop  }
0x3b: {  	_ = 	snop  }
0x3c: {  	p2 =	seq.s32 s10, $0x1;
	s10 =	sld [smem:$0x3FB7]  }
0x3d: {  	_ =	shalt  }
0x3e: {  	_ =	shalt  }
0x3f: {  	_ =	shalt  }
0x40: {  	_ =	shalt  }
0x41: {  	_ =	shalt  }
0x42: {  	_ =	shalt  }
0x43: {  	_ =	shalt  }
0x44: {  	_ =	shalt  }
0x45: {  	_ =	shalt  }
0x46: {  	_ =	shalt  }
0x47: {  	_ =	shalt  }
0x48: {  	_ =	shalt  }
0x49: {  	_ =	shalt  }
0x4a: {  	_ =	shalt  }
0x4b: {  	_ =	shalt  }
0x4c: {  	_ =	shalt  }
0x4d: {  	_ =	shalt  }
0x4e: {  	_ =	shalt  }
0x4f: {  	_ =	shalt  }
0x50: {  	_ =	shalt  }
0x51: {  	_ =	shalt  }
0x52: {  	_ =	shalt  }
0x53: {  	_ =	shalt  }
0x54: {  	_ =	shalt  }
0x55: {  	_ =	shalt  }
0x56: {  	_ =	shalt  }
0x57: {  	_ =	shalt  }
0x58: {  	_ =	shalt  }
0x59: {  	_ =	shalt  }
0x5a: {  	_ =	shalt  }
0x5b: {  	_ =	shalt  }
0x5c: {  	_ =	shalt  }
0x5d: {  	_ =	shalt  }
0x5e: {  	_ =	shalt  }
0x5f: {  	_ =	shalt  }
0x60: {  	_ =	shalt  }
0x61: {  	_ =	shalt  }
0x62: {  	_ =	shalt  }
0x63: {  	_ =	shalt  }
0x64: {  	_ =	shalt  }
0x65: {  	_ =	shalt  }
0x66: {  	_ =	shalt  }
0x67: {  	_ =	shalt  }
0x68: {  	_ =	shalt  }
0x69: {  	_ =	shalt  }
0x6a: {  	_ =	shalt  }
0x6b: {  	_ =	shalt  }
0x6c: {  	_ =	shalt  }
0x6d: {  	_ =	shalt  }
0x6e: {  	_ =	shalt  }
0x6f: {  	_ =	shalt  }
0x70: {  	_ =	shalt  }
0x71: {  	_ =	shalt  }
0x72: {  	_ =	shalt  }
0x73: {  	_ =	shalt  }
0x74: {  	_ =	shalt  }
0x75: {  	_ =	shalt  }
0x76: {  	_ =	shalt  }
0x77: {  	_ =	shalt  }
0x78: {  	_ =	shalt  }
0x79: {  	_ =	shalt  }
0x7a: {  	_ =	shalt  }
0x7b: {  	_ =	shalt  }
0x7c: {  	_ =	shalt  }
0x7d: {  	_ =	shalt  }
0x7e: {  	_ =	shalt  }
0x7f: {  	_ =	shalt  }
0x80: {  	_ =	shalt  }
0x81: {  	_ =	shalt  }
0x82: {  	_ =	shalt  }
0x83: {  	_ =	shalt  }
0x84: {  	_ =	shalt  }
0x85: {  	_ =	shalt  }
0x86: {  	_ =	shalt  }
0x87: {  	_ =	shalt  }
.Lfunc_end0:
.L_simem_size_0:
called_computation_lowered:
.L_overlay_start_0:
0x88: {  	s2 =	sld [smem:$0x3FD9]  }
0x89: {  	s3 =	sld [smem:$0x3FFE];
	_ =	sdelay $0x1  }
0x8a: {  	s1 =	srdreg.scid  }
0x8b: {  	s0 =	sand.u32 $0x1, s1  }
0x8c: {  	s18 =	sshll.u32 s0, $0xA;
	s2 =	sadd.s32 s3, s2  }
0x8d: {  	s2 =	sadd.s32 s2, s18  }
0x8e: {  	[smem:$0x3FC3] =	sst s2  }
0x8f: {  	_ = 	snop  }
0x90: {  	s2 =	sld [smem:$0x3FC8]  }
0x91: {  	s19 =	sld [smem:$0x3FD0];
	(tm) =	ssettm $0x1  }
0x92: {  	s4 =	sld [smem:$0x3FFB];
	_ =	sdelay $0x3  }
0x93: {  	_ =	strace s4  }
0x94: {  	s4 =	sld [smem:$0x3FFC];
	_ =	sdelay $0x3  }
0x95: {  	_ =	strace s4  }
0x96: {  	s4 =	sld [smem:$0x3FFD];
	_ =	sdelay $0x3  }
0x97: {  	_ =	strace s4  }
0x98: {  	_ =	strace $0x8FFFFFFF  }
0x99: {  	s20 =	sld [smem:$0x3FDB];
	_ =	sdelay $0x1  }
0x9a: {  	s5 =	simm.s32 $_scs_section_size  }
0x9b: {  	s6 =	simm.s32 $_size__tile_overlayer_lowered;
	s7 =	simm.s32 $_tile_overlayer_lowered  }
0x9c: {  	s23 =	simm.s32 $0x1BFF;
	s22 =	sshll.u32 s7, $0x1;
	s4 =	sadd.s32 s5, s20  }
0x9d: {  	s8 =	simm.s32 $0x0;
	s21 =	sshll.u32 s6, $0x1;
	s6 =	sadd.s32 s22, s4  }
0x9e: {  	[timem:s8], [sflag:s23] =	dma.local [hbm:s6], s21  }
0x9f: {  	_ =	swait.ge [sflag:s23], s21  }
0xa0: {  	s5 =	ssub.s32 $0x0, s21;
	[sflag:s23] =	ssyncset.done $0x0  }
0xa1: {  	[sflag:s23] =	ssyncadd.s32 s5;
	_ =	sdelay $0x1  }
0xa2: {  	s24 =	simm.s32 $0x1B8B  }
0xa3: {  	_ =	swait.ge [sflag:s24], $0x1  }
0xa4: {  	[sflag:s24] =	ssyncset.done $0x0  }
0xa5: {  	s25 =	simm.s32 $0x1B8E;
	[sflag:s24] =	ssyncadd.s32 $0xFFFFFFFF  }
0xa6: {  	s26 =	simm.s32 $execute0_lowered;
	[smem:$0x3FD2] =	sst s25  }
0xa7: {  	s5 =	sshll.u32 s26, $0x1;
	_ =	strace $0x80000046;
	[dreg:$0x1] =	wrdreg $0xFFFFFFFF  }
0xa8: {  	s28 =	simm.s32 $_size_execute0_lowered;
	s4 =	sadd.s32 s4, s5;
	[dreg:$0x0] =	wrdreg $0x0  }
0xa9: {  	s5 =	sshll.u32 s28, $0x1;
	[dreg:$0x2] =	wrdreg s4  }
0xaa: {  	[dreg:$0x3] =	wrdreg s5  }
0xab: {  	[dreg:$0x4] =	wrdreg $0xC0  }
0xac: {  	_ =	task [dreg:s8], $0x5FFFF  }
0xad: {  	[dreg:$0x1] =	wrdreg $0xFFFFFFFF  }
0xae: {  	[dreg:$0x0] =	wrdreg $0x60  }
0xaf: {  	[dreg:$0x2] =	wrdreg s2  }
0xb0: {  	[dreg:$0x3] =	wrdreg s19  }
0xb1: {  	[dreg:$0x4] =	wrdreg $0x9  }
0xb2: {  	_ =	task.clear_ibuf [dreg:s8], $0x5FFFF;
	_ =	strace $0x90000046  }
0xb3: {  	s29 =	simm.s32 $0x9;
	_ =	strace $0x80000048  }
0xb4: {  	_ =	swait.ge [sflag:s29], $0x1  }
0xb5: {  	[sflag:s29] =	ssyncadd.s32 $0xFFFFFFFF  }
0xb6: {  	_ =	strace $0x90000048  }
0xb7: {  	_ =	sfence  }
0xb8: {  	s30 =	sld [smem:$0x0];
	_ =	sdelay $0x2  }
0xb9: {  	s31 =	sshll.u32 s1, $0xD;
	s1 =	sshrl.u32 s1, $0x2  }
0xba: {  	s3 =	sand.u32 $0x4000, s31;
	s1 =	sadd.s32 s1, s30  }
0xbb: {  	s0 =	sor.u32 s3, s0;
	s1 =	sshll.u32 s1, $0x11  }
0xbc: {  	s0 =	sor.u32 s1, s0  }
0xbd: {  	s0 =	sadd.s32 $0x8F2B, s0  }
0xbe: {  	[sflag:s0] =	ssyncadd.remote.s32 $0x1  }
0xbf: {  	_ =	sfence.sel $0xFFFF  }
0xc0: {  	[dreg:$0x0] =	wrdreg $0xFFFFFFFF;
	(pc) =	sbr.abs _section_cstart, $3  }
0xc1: {  	[dreg:$0x1] =	wrdreg $0xFFFFFFFF  }
0xc2: {  	_ =	task.clear_ibuf [dreg:s8], $0x2FFFF;
	_ =	strace $0x9FFFFFFF  }
0xc3: {  	(tm) =	ssettm $0x7FFFFFFF  }
tec
execute0_lowered:
.L_overlay_start_1:
0x0: {  	(tag) =	ssettag $0x1  }
0x1: {  	s4 =	rddreg [dreg:$0x0];
	s1 =	srdreg.scid  }
0x2: {  	s0 =	stileid.u32;
	s5 =	rddreg [dreg:$0x1];
	s2 =	simm.s32 $0x0  }
0x3: {  	s6 =	sand.u32 $0x1, s1;
	s3 =	sshll.u32 s0, $0x1;
	s1 =	rddreg [dreg:$0x2]  }
0x4: {  	[smem:$0x7FF] =	sst s2;
	s10 =	smul.u32 $0x4E20, s0;
	s8 =	sor.u32 s6, s3  }
0x5: {  	s30 =	ssub.s32 $0x2, s6;
	_ =	strace $0x80000047;
	s12 =	smul.u32 $0x2710, s6  }
0x6: {  	v0 =	vimm.s32 $0xEDCBA987;
	v1 =	vimm.s32 $0x6543210F;
	s7 =	smul.u32 $0x2710, s8;
	s9 =	sshrl.u32 s30, $0x1;
	s11 =	sshll.u32 s8, $0x4  }
0x7: {  	v0 =	vunpack.c.l.s4.s8 v0;
	v1 =	vunpack.c.l.s4.s8 v1;
	p0 =	seq.s32 s8, $0x0;
	s8 =	simm.s32 $0x1;
	s9 =	ssub.s32 s30, s9  }
0x8: {  	s5 =	sadd.s32 s5, s11;
	s31 =	sshrl.u32 s7, $0x3;
	s7 =	smax.u32 s7, $0x10  }
0x9: {  	v2 =	vunpack.c.0.s8.s32 v0;
	v1 =	vunpack.c.0.s8.s32 v1;
	s11 =	simm.s32 $0x0;
	s6 =	smax.u32 s9, $0x1;
	s7 =	sadd.s32 $0xFFFFFFF0, s7  }
0xa: {  	s9 =	simm.s32 $0x2780;
	s3 =	sadd.s32 s4, s31;
	s7 =	sshrl.u32 s7, $0x3  }
0xb: {  	v0 =	vimm.s32 $0x4E200;
	v1 =	vcombine.low v1, v2;
	v2 =	vlaneseq.u32;
	s4 =	sadd.s32 s4, s7;
	s7 =	sadd.s32 s12, s10;
	s10 =	simm.s32 $0x2800  }
.LBB2_1:
0xc: {  	[tilespmem:s2], [sflag:$0x1] =	stream.linear.gather [hbm4b:s3+s2], $0x2710, $0x38;
	[tilespmem:$0x2880] =	vst v63  }
0xd: {  	_ =	swait.ge [sflag:s8], $0x2710  }
0xe: {  	[sflag:s8] =	ssyncset.done $0x0  }
0xf: {  	[sflag:s8] =	ssyncadd.s32 $0xFFFFD8F0  }
0x10: {  	[tilespmem:s9], [sflag:$0x1] =	stream.linear.gather [hbm4b:s4+s2], $0x10, $0x38;
	[tilespmem:$0x2880] =	vst v63  }
0x11: {  	_ =	swait.ge [sflag:s8], $0x10  }
0x12: {  	[sflag:s8] =	ssyncset.done $0x0  }
0x13: {  	[sflag:s8] =	ssyncadd.s32 $0xFFFFFFF0  }
0x14: {  	v3 =	vld [tilespmem:$0x2780];
	_ =	sdelay $0x4  }
0x15: {  	(v2sf) =	vpush v3, $0xF;
	_ =	sdelay $0x1  }
0x16: {  	[tilespmem:$0x2800] =	vst v0  }
0x17: {  	[tilespmem:$0x2810] =	vst v0  }
0x18: {  	[tilespmem:$0x2820] =	vst v0  }
0x19: {  	[tilespmem:$0x2830] =	vst v0  }
0x1a: {  	[tilespmem:$0x2840] =	vst v0  }
0x1b: {  	[tilespmem:$0x2850] =	vst v0  }
0x1c: {  	[tilespmem:$0x2860] =	vst v0  }
0x1d: {  	s12 =	simm.s32 $0x0;
	[tilespmem:$0x2870] =	vst v0  }
0x1e: {  	v3 =	vld [tilespmem:s12+$0x0];
	_ =	sdelay $0x4  }
0x1f: {  	v3 =	vshra.s32 v3, $0x7;
	s31 =	spop (v2sf)  }
0x20: {  	v4 =	vperm.xlane v3, v1;
	(v2sf) =	vpush v3, $0xF;
	s12 =	sshra.s32 s31, $0x7  }
0x21: {  	vm0 =	veq.s32 v2, $0x0;
	s12 =	simm.s32 @p0 $0xFFFFFFFF  }
0x22: {  	v4 =	vsel vm0, s12, v4  }
0x23: {  	vm1 =	vne.s32 v3, v4;
	_ =	sdelay $0x4  }
0x24: {  	v63 =	vor.u32 s7, v2  }
0x25: {  	s14 =	simm.s32 $0x10;
	s13 =	simm.s32 $0x80;
	s12 =	smov.u32 s7;
	[tilespmem:v3+s10+$0x0] =	vst.idx.msk vm1, v63  }
.LBB2_2:
0x26: {  	p1 =	sne.s32 s13, $0x9C00;
	v3 =	vld [tilespmem:s14+$0x0];
	_ =	sdelay $0x4  }
0x27: {  	v3 =	vshra.s32 v3, $0x7;
	s14 =	spop (v2sf)  }
0x28: {  	v4 =	vperm.xlane v3, v1;
	(v2sf) =	vpush v3, $0xF;
	_ =	sdelay $0x1  }
0x29: {  	v4 =	vsel vm0, s14, v4  }
0x2a: {  	vm1 =	vne.s32 v3, v4;
	_ =	sdelay $0x1  }
.Ltmp0:
0x2b: {  	(pc) =	sbr.rel @p1 .LBB2_2-.Ltmp0, $4  }
0x2c: {  	_ = 	snop  }
0x2d: {  	s12 =	sadd.s32 $0x10, s12  }
0x2e: {  	v4 =	vor.u32 s12, v2  }
0x2f: {  	s14 =	sshra.s32 s13, $0x2;
	s13 =	sadd.s32 $0x40, s13;
	[tilespmem:v3+s10+$0x0] =	vst.idx.msk vm1, v4  }
0x30: {  	v3 =	vld [tilespmem:s14+$0x0];
	_ =	sdelay $0x4  }
0x31: {  	v3 =	vshra.s32 v3, $0x7  }
0x32: {  	(v2sf) =	vpush v3, $0xF;
	_ =	sdelay $0x2  }
0x33: {  	v4 =	vperm.xlane v3, v1  }
0x34: {  	vm0 =	veq.s32 v2, $0x0;
	s13 =	spop (v2sf)  }
0x35: {  	v4 =	vsel vm0, s13, v4  }
0x36: {  	vm0 =	vne.s32 v3, v4;
	_ =	sdelay $0x3  }
0x37: {  	s12 =	sadd.s32 $0x10, s12  }
0x38: {  	s11 =	sadd.s32 $0x1, s11;
	v63 =	vor.u32 s12, v2  }
0x39: {  	p1 =	sne.s32 s11, s6;
	[tilespmem:v3+s10+$0x0] =	vst.idx.msk vm0, v63  }
0x3a: {  	[hbm4b:s5+s2] =	stream.linear.scatter [tilespmem:s10], [sflag:$0x1], $0x80, $0x38;
	[tilespmem:$0x2880] =	vst v63  }
.Ltmp1:
0x3b: {  	_ = 	snop;
	(pc) =	sbr.rel @p1 .LBB2_1-.Ltmp1, $4  }
0x3c: {  	s31 =	spop (v2sf)  }
0x3d: {  	_ =	swait.ge [sflag:s8], $0x80  }
0x3e: {  	[sflag:s8] =	ssyncset.done $0x0  }
0x3f: {  	[sflag:s8] =	ssyncadd.s32 $0xFFFFFF80  }
0x40: {  	_ =	sfence.sel $0x180000  }
0x41: {  	[bflag:$0x0] =	sbarrier.arrive $0xFFFF  }
0x42: {  	p0 =	sne.s32 s0, $0x0;
	_ =	strace $0x90000047  }
0x43: {  	s0 =	sadd.s32 @!p0 $0x100000, s1;
	[bflag:$0x2] =	sbarrier.arrive $0xFFFF  }
0x44: {  	[sflag:s0] =	ssyncadd.tile.s32 @!p0 $0x1;
	_ =	shalt  }
.Lfunc_end2:
_tile_overlayer_lowered:
.L_overlay_start_2:
0x45: {  	(tag) =	ssettag $0x2  }
0x46: {  	s0 =	rddreg [dreg:$0x0];
	s2 =	stileid.u32  }
0x47: {  	s1 =	rddreg [dreg:$0x1];
	p0 =	sne.s32 s2, $0x0  }
0x48: {  	s3 =	rddreg [dreg:$0x2];
	[bflag:$0x3] =	sbarrier.arrive $0xFFFF;
	s2 =	simm.s32 @!p0 $0x1C01  }
0x49: {  	[timem:s3], [sflag:s2] =	dma.local @!p0 [hbm:s0], s1  }
0x4a: {  	s0 =	simm.s32 @!p0 $0x1  }
0x4b: {  	_ =	swait.ge @!p0 [sflag:s0], s1  }
0x4c: {  	s1 =	ssub.s32 @!p0 $0x0, s1;
	[sflag:s0] =	ssyncset.done @!p0 $0x0  }
0x4d: {  	[sflag:s0] =	ssyncadd.s32 @!p0 s1  }
0x4e: {  	[bflag:$0x3] =	sbarrier.arrive $0xFFFF  }
0x4f: {  	_ =	shalt  }

// kernel: kernel.9.cloned.1.call-start
scs
__scs_entry_jumppad:
0x0: {  	(pc) =	sbr.rel $0x88, $3  }
0x1: {  	(tag) =	ssettag $0x0;
	lr =	simm.s32 $0x1  }
0x2: {  	[smem:$0x3F9C] =	sst lr;
	_ =	strace $0xD0000000  }
0x3: {  	_ = 	snop  }
0x4: {  	_ = 	snop  }
0x5: {  	_ = 	snop  }
0x6: {  	_ = 	snop  }
0x7: {  	_ = 	snop  }
__scs_overlays_trampoline_lowered:
0x8: {  	[smem:$0x3FAB] =	sst s0  }
0x9: {  	[smem:$0x3FAC] =	sst s1  }
0xa: {  	[smem:$0x3FAD] =	sst s2  }
0xb: {  	[smem:$0x3FAE] =	sst s3  }
0xc: {  	[smem:$0x3FAF] =	sst s4  }
0xd: {  	[smem:$0x3FB0] =	sst s5  }
0xe: {  	[smem:$0x3FB1] =	sst s6  }
0xf: {  	[smem:$0x3FB2] =	sst s7  }
0x10: {  	[smem:$0x3FB3] =	sst s8  }
0x11: {  	[smem:$0x3FB4] =	sst s9;
	s0 =	simm.s32 @!p0 $0x0  }
0x12: {  	s1 =	sld [smem:$0x3F9A];
	s0 =	simm.s32 @p0 $0x1  }
0x13: {  	[smem:$0x3FB5] =	sst s0;
	s0 =	simm.s32 @!p1 $0x0  }
0x14: {  	s2 =	sld [smem:$0x3F99];
	s0 =	simm.s32 @p1 $0x1  }
0x15: {  	[smem:$0x3FB6] =	sst s0;
	s0 =	simm.s32 @!p2 $0x0  }
0x16: {  	s3 =	sld [smem:$0x3FDB];
	s0 =	simm.s32 @p2 $0x1  }
0x17: {  	s4 =	simm.s32 $0x1BF5;
	[smem:$0x3FB8] =	sst s0  }
0x18: {  	s0 =	sld [smem:$0x3F9B];
	_ =	swait.ge [sflag:s4], $0x0  }
0x19: {  	s7 =	sld [smem:$0x3F9C]  }
0x1a: {  	s8 =	sadd.s32 $0xFFFFE003, lr  }
0x1b: {  	s9 =	sadd.s32 $0xFFFFFEF7, lr;
	s5 =	simm.s32 $0xFFFFFFFF;
	p2 =	slt.u32 s8, $0xFFFFF086  }
0x1c: {  	p1 =	slt.u32 s9, $0xF7A;
	s5 =	simm.s32 @!p2 $0x0  }
0x1d: {  	s5 =	simm.s32 @p1 $0x1;
	p0 =	seq.s32 s7, s2  }
0x1e: {  	s7 =	smul.u32 @!p0 $0xF7A, s2;
	p2 =	seq.s32 @!p0 s5, $0x0  }
0x1f: {  	s9 =	smul.u32 $0xF7A, s1;
	s8 =	simm.s32 @!p0 $0x1BF5;
	p2 =	por !p2, p0  }
0x20: {  	[sflag:s8] =	ssyncset.s32 @!p0 $0xFFFFF086;
	s6 =	sadd.s32 @!p0 s3, s7;
	s7 =	simm.s32 @!p0 $0x108  }
0x21: {  	s3 =	sadd.s32 s3, s9;
	s6 =	sadd.s32 @!p0 $0x88, s6;
	s7 =	simm.s32 @p2 $0x1082  }
0x22: {  	[simem:s7], [sflag:s8] =	dma.local @!p0 [hbm:s6], $0xF7A  }
0x23: {  	s9 =	sor.u32 $0xD0000000, s2;
	s6 =	simm.s32 $0x108;
	_ =	swait.ge @!p0 [sflag:s8], $0x0  }
0x24: {  	s3 =	sadd.s32 $0x88, s3;
	s6 =	simm.s32 @!p1 $0x1082;
	[sflag:s4] =	ssyncset.s32 $0xFFFFF086  }
0x25: {  	[simem:s6], [sflag:s4] =	dma.local [hbm:s3], $0xF7A  }
0x26: {  	[smem:$0x3F9C] =	sst s1;
	(tag) =	ssettag s2;
	_ =	strace s9  }
0x27: {  	s1 =	sld [smem:$0x3FAC]  }
0x28: {  	s2 =	sld [smem:$0x3FAD]  }
0x29: {  	s4 =	sld [smem:$0x3FAF]  }
0x2a: {  	p0 =	seq.s32 s5, $0x0;
	s5 =	sld [smem:$0x3FB0]  }
0x2b: {  	s6 =	sld [smem:$0x3FB1]  }
0x2c: {  	s7 =	sld [smem:$0x3FB2]  }
0x2d: {  	s3 =	simm.s32 $0x108;
	s8 =	sld [smem:$0x3FB3]  }
0x2e: {  	s3 =	simm.s32 @!p0 $0x1082;
	s9 =	sld [smem:$0x3FB4]  }
0x2f: {  	lr =	sadd.s32 s0, s3;
	s0 =	sld [smem:$0x3FAB]  }
0x30: {  	s3 =	sld [smem:$0x3FAE]  }
0x31: {  	[smem:$0x3FB7] =	sst s10  }
0x32: {  	s10 =	sld [smem:$0x3FB5];
	_ =	sdelay $0x3  }
0x33: {  	p0 =	seq.s32 s10, $0x1;
	s10 =	sld [smem:$0x3FB7];
	_ =	sdelay $0x3  }
0x34: {  	[smem:$0x3FB7] =	sst s10  }
0x35: {  	s10 =	sld [smem:$0x3FB6];
	_ =	sdelay $0x3  }
0x36: {  	p1 =	seq.s32 s10, $0x1;
	s10 =	sld [smem:$0x3FB7];
	_ =	sdelay $0x3  }
0x37: {  	[smem:$0x3FB7] =	sst s10  }
0x38: {  	s10 =	sld [smem:$0x3FB8]  }
0x39: {  	_ = 	snop;
	(pc) =	sbr.ind lr, $3  }
0x3a: {  	_ = 	snop  }
0x3b: {  	_ = 	snop  }
0x3c: {  	p2 =	seq.s32 s10, $0x1;
	s10 =	sld [smem:$0x3FB7]  }
0x3d: {  	_ =	shalt  }
0x3e: {  	_ =	shalt  }
0x3f: {  	_ =	shalt  }
0x40: {  	_ =	shalt  }
0x41: {  	_ =	shalt  }
0x42: {  	_ =	shalt  }
0x43: {  	_ =	shalt  }
0x44: {  	_ =	shalt  }
0x45: {  	_ =	shalt  }
0x46: {  	_ =	shalt  }
0x47: {  	_ =	shalt  }
0x48: {  	_ =	shalt  }
0x49: {  	_ =	shalt  }
0x4a: {  	_ =	shalt  }
0x4b: {  	_ =	shalt  }
0x4c: {  	_ =	shalt  }
0x4d: {  	_ =	shalt  }
0x4e: {  	_ =	shalt  }
0x4f: {  	_ =	shalt  }
0x50: {  	_ =	shalt  }
0x51: {  	_ =	shalt  }
0x52: {  	_ =	shalt  }
0x53: {  	_ =	shalt  }
0x54: {  	_ =	shalt  }
0x55: {  	_ =	shalt  }
0x56: {  	_ =	shalt  }
0x57: {  	_ =	shalt  }
0x58: {  	_ =	shalt  }
0x59: {  	_ =	shalt  }
0x5a: {  	_ =	shalt  }
0x5b: {  	_ =	shalt  }
0x5c: {  	_ =	shalt  }
0x5d: {  	_ =	shalt  }
0x5e: {  	_ =	shalt  }
0x5f: {  	_ =	shalt  }
0x60: {  	_ =	shalt  }
0x61: {  	_ =	shalt  }
0x62: {  	_ =	shalt  }
0x63: {  	_ =	shalt  }
0x64: {  	_ =	shalt  }
0x65: {  	_ =	shalt  }
0x66: {  	_ =	shalt  }
0x67: {  	_ =	shalt  }
0x68: {  	_ =	shalt  }
0x69: {  	_ =	shalt  }
0x6a: {  	_ =	shalt  }
0x6b: {  	_ =	shalt  }
0x6c: {  	_ =	shalt  }
0x6d: {  	_ =	shalt  }
0x6e: {  	_ =	shalt  }
0x6f: {  	_ =	shalt  }
0x70: {  	_ =	shalt  }
0x71: {  	_ =	shalt  }
0x72: {  	_ =	shalt  }
0x73: {  	_ =	shalt  }
0x74: {  	_ =	shalt  }
0x75: {  	_ =	shalt  }
0x76: {  	_ =	shalt  }
0x77: {  	_ =	shalt  }
0x78: {  	_ =	shalt  }
0x79: {  	_ =	shalt  }
0x7a: {  	_ =	shalt  }
0x7b: {  	_ =	shalt  }
0x7c: {  	_ =	shalt  }
0x7d: {  	_ =	shalt  }
0x7e: {  	_ =	shalt  }
0x7f: {  	_ =	shalt  }
0x80: {  	_ =	shalt  }
0x81: {  	_ =	shalt  }
0x82: {  	_ =	shalt  }
0x83: {  	_ =	shalt  }
0x84: {  	_ =	shalt  }
0x85: {  	_ =	shalt  }
0x86: {  	_ =	shalt  }
0x87: {  	_ =	shalt  }
.Lfunc_end0:
.L_simem_size_0:
called_computation.1_lowered:
.L_overlay_start_0:
0x88: {  	s2 =	sld [smem:$0x3FD9]  }
0x89: {  	s3 =	sld [smem:$0x3FFE];
	_ =	sdelay $0x1  }
0x8a: {  	s1 =	srdreg.scid  }
0x8b: {  	s0 =	sand.u32 $0x1, s1  }
0x8c: {  	s17 =	sshll.u32 s0, $0xA;
	s2 =	sadd.s32 s3, s2  }
0x8d: {  	s2 =	sadd.s32 s2, s17  }
0x8e: {  	[smem:$0x3FC3] =	sst s2  }
0x8f: {  	_ = 	snop  }
0x90: {  	s2 =	sld [smem:$0x3FD0];
	(tm) =	ssettm $0x1  }
0x91: {  	s18 =	sld [smem:$0x3FFB];
	_ =	sdelay $0x3  }
0x92: {  	_ =	strace s18  }
0x93: {  	s3 =	sld [smem:$0x3FFC];
	_ =	sdelay $0x3  }
0x94: {  	_ =	strace s3  }
0x95: {  	s3 =	sld [smem:$0x3FFD];
	_ =	sdelay $0x3  }
0x96: {  	_ =	strace s3  }
0x97: {  	_ =	strace $0x8FFFFFFF  }
0x98: {  	s19 =	sld [smem:$0x3FDB];
	_ =	sdelay $0x1  }
0x99: {  	s4 =	simm.s32 $_scs_section_size  }
0x9a: {  	s5 =	simm.s32 $_size__tile_overlayer_lowered;
	s6 =	simm.s32 $_tile_overlayer_lowered  }
0x9b: {  	s22 =	simm.s32 $0x1BFF;
	s21 =	sshll.u32 s6, $0x1;
	s3 =	sadd.s32 s4, s19  }
0x9c: {  	s7 =	simm.s32 $0x0;
	s20 =	sshll.u32 s5, $0x1;
	s5 =	sadd.s32 s21, s3  }
0x9d: {  	[timem:s7], [sflag:s22] =	dma.local [hbm:s5], s20  }
0x9e: {  	_ =	swait.ge [sflag:s22], s20  }
0x9f: {  	s4 =	ssub.s32 $0x0, s20;
	[sflag:s22] =	ssyncset.done $0x0  }
0xa0: {  	[sflag:s22] =	ssyncadd.s32 s4;
	_ =	sdelay $0x1  }
0xa1: {  	s23 =	simm.s32 $0x1B8B  }
0xa2: {  	_ =	swait.ge [sflag:s23], $0x1  }
0xa3: {  	[sflag:s23] =	ssyncset.done $0x0  }
0xa4: {  	s25 =	simm.s32 $0x1B8E;
	s24 =	sld [smem:$0x3FFE];
	[sflag:s23] =	ssyncadd.s32 $0xFFFFFFFF  }
0xa5: {  	s26 =	simm.s32 $execute0_lowered;
	[smem:$0x3FD2] =	sst s25  }
0xa6: {  	s5 =	sshll.u32 s26, $0x1;
	_ =	strace $0x80000049;
	[dreg:$0x1] =	wrdreg $0xFFFFFFFF  }
0xa7: {  	s28 =	simm.s32 $_size_execute0_lowered;
	s3 =	sadd.s32 s3, s5;
	[dreg:$0x0] =	wrdreg $0x0  }
0xa8: {  	s5 =	sshll.u32 s28, $0x1;
	[dreg:$0x2] =	wrdreg s3  }
0xa9: {  	[dreg:$0x3] =	wrdreg s5  }
0xaa: {  	[dreg:$0x4] =	wrdreg $0xC0  }
0xab: {  	_ =	task [dreg:s7], $0x5FFFF  }
0xac: {  	[dreg:$0x1] =	wrdreg $0xFFFFFFFF  }
0xad: {  	[dreg:$0x0] =	wrdreg $0x60  }
0xae: {  	[dreg:$0x2] =	wrdreg s2  }
0xaf: {  	[dreg:$0x3] =	wrdreg s24  }
0xb0: {  	[dreg:$0x4] =	wrdreg $0x9  }
0xb1: {  	_ =	task.clear_ibuf [dreg:s7], $0x5FFFF;
	_ =	strace $0x90000049  }
0xb2: {  	s29 =	simm.s32 $0x9;
	_ =	strace $0x8000004B  }
0xb3: {  	_ =	swait.ge [sflag:s29], $0x1  }
0xb4: {  	[sflag:s29] =	ssyncadd.s32 $0xFFFFFFFF  }
0xb5: {  	_ =	strace $0x9000004B  }
0xb6: {  	_ =	sfence  }
0xb7: {  	s30 =	sld [smem:$0x0];
	_ =	sdelay $0x2  }
0xb8: {  	s31 =	sshll.u32 s1, $0xD;
	s1 =	sshrl.u32 s1, $0x2  }
0xb9: {  	s3 =	sand.u32 $0x4000, s31;
	s1 =	sadd.s32 s1, s30  }
0xba: {  	s0 =	sor.u32 s3, s0;
	s1 =	sshll.u32 s1, $0x11  }
0xbb: {  	s0 =	sor.u32 s1, s0  }
0xbc: {  	s0 =	sadd.s32 $0x8F2B, s0  }
0xbd: {  	[sflag:s0] =	ssyncadd.remote.s32 $0x1  }
0xbe: {  	_ =	sfence.sel $0xFFFF  }
0xbf: {  	[dreg:$0x0] =	wrdreg $0xFFFFFFFF;
	(pc) =	sbr.abs _section_cstart, $3  }
0xc0: {  	[dreg:$0x1] =	wrdreg $0xFFFFFFFF  }
0xc1: {  	_ =	task.clear_ibuf [dreg:s7], $0x2FFFF;
	_ =	strace $0x9FFFFFFF  }
0xc2: {  	(tm) =	ssettm $0x7FFFFFFF  }
0xc3: {  	_ =	shalt  }
tec
execute0_lowered:
.L_overlay_start_1:
0x0: {  	(tag) =	ssettag $0x1  }
0x1: {  	s0 =	srdreg.scid  }
0x2: {  	s4 =	sand.u32 $0x1, s0;
	s0 =	stileid.u32  }
0x3: {  	s5 =	sshll.u32 s0, $0x1;
	s6 =	ssub.s32 $0x0, s4  }
0x4: {  	p0 =	sne.s32 s5, s6  }
.Ltmp0:
0x5: {  	_ = 	snop;
	(pc) =	sbr.rel @p0 .LBB2_3-.Ltmp0, $4  }
0x6: {  	_ = 	snop  }
0x7: {  	s2 =	rddreg [dreg:$0x0]  }
0x8: {  	s3 =	rddreg [dreg:$0x1]  }
0x9: {  	s1 =	rddreg [dreg:$0x2];
	_ =	strace $0x8000004A  }
0xa: {  	s4 =	ssub.s32 $0x2, s4;
	v0 =	vlaneseq.u32  }
0xb: {  	s5 =	sshrl.u32 s4, $0x1;
	v0 =	vmul.u32 $0xFFFFFFFF, v0  }
0xc: {  	s3 =	sadd.s32 $0x1200, s3;
	s6 =	simm.s32 $0x1;
	s4 =	ssub.s32 s4, s5  }
0xd: {  	s7 =	simm.s32 $0x1000;
	s5 =	simm.s32 $0x0;
	s4 =	smax.u32 s4, $0x1;
	v27 =	vadd.s32 $0xF, v0  }
.LBB2_2:
0xe: {  	[tilespmem:s5], [sflag:$0x1] =	stream.linear.gather [hbm4b:s2+s5], $0x1000, $0x38;
	[tilespmem:$0x1080] =	vst v63  }
0xf: {  	_ =	swait.ge [sflag:s6], $0x1000  }
0x10: {  	[sflag:s6] =	ssyncset.done $0x0  }
0x11: {  	[sflag:s6] =	ssyncadd.s32 $0xFFFFF000  }
0x12: {  	v1 =	vld [tilespmem:$0x70]  }
0x13: {  	v2 =	vld [tilespmem:$0xF0]  }
0x14: {  	v3 =	vld [tilespmem:$0x170]  }
0x15: {  	v14 =	vld [tilespmem:$0x1F0]  }
0x16: {  	v21 =	vld [tilespmem:$0x270]  }
0x17: {  	v24 =	vld [tilespmem:$0x2F0]  }
0x18: {  	v28 =	vld [tilespmem:$0x370]  }
0x19: {  	v30 =	vld [tilespmem:$0x3F0]  }
0x1a: {  	v54 =	vld [tilespmem:$0x470]  }
0x1b: {  	v56 =	vld [tilespmem:$0x4F0]  }
0x1c: {  	v58 =	vld [tilespmem:$0x570]  }
0x1d: {  	v61 =	vld [tilespmem:$0x5F0]  }
0x1e: {  	v63 =	vld [tilespmem:$0x670]  }
0x1f: {  	v7 =	vld [tilespmem:$0x6F0]  }
0x20: {  	v6 =	vld [tilespmem:$0x770]  }
0x21: {  	v46 =	vld [tilespmem:$0x7F0]  }
0x22: {  	v44 =	vld [tilespmem:$0x870]  }
0x23: {  	v51 =	vld [tilespmem:$0x8F0]  }
0x24: {  	v49 =	vld [tilespmem:$0x970]  }
0x25: {  	v42 =	vld [tilespmem:$0x9F0]  }
0x26: {  	v39 =	vld [tilespmem:$0xA70]  }
0x27: {  	v34 =	vld [tilespmem:$0xAF0]  }
0x28: {  	v35 =	vld [tilespmem:$0xB70]  }
0x29: {  	v43 =	vld [tilespmem:$0xBF0]  }
0x2a: {  	v0 =	vld [tilespmem:$0xC70]  }
0x2b: {  	v50 =	vld [tilespmem:$0xCF0]  }
0x2c: {  	v52 =	vld [tilespmem:$0xD70]  }
0x2d: {  	v53 =	vld [tilespmem:$0xDF0]  }
0x2e: {  	v55 =	vld [tilespmem:$0xE70]  }
0x2f: {  	v57 =	vld [tilespmem:$0xEF0]  }
0x30: {  	v59 =	vld [tilespmem:$0xF70]  }
0x31: {  	v60 =	vld [tilespmem:$0xFF0]  }
0x32: {  	v33 =	vld [tilespmem:$0x60]  }
0x33: {  	v36 =	vld [tilespmem:$0xE0]  }
0x34: {  	v38 =	vld [tilespmem:$0x160]  }
0x35: {  	v15 =	vld [tilespmem:$0x1E0]  }
0x36: {  	v16 =	vld [tilespmem:$0x260]  }
0x37: {  	v8 =	vld [tilespmem:$0x2E0]  }
0x38: {  	v10 =	vld [tilespmem:$0x360]  }
0x39: {  	v18 =	vld [tilespmem:$0x3E0]  }
0x3a: {  	v47 =	vld [tilespmem:$0x460]  }
0x3b: {  	v19 =	vld [tilespmem:$0x4E0]  }
0x3c: {  	v48 =	vld [tilespmem:$0x560]  }
0x3d: {  	v12 =	vld [tilespmem:$0x5E0]  }
0x3e: {  	v37 =	vld [tilespmem:$0x7E0]  }
0x3f: {  	v29 =	vld [tilespmem:$0x860]  }
0x40: {  	v23 =	vld [tilespmem:$0x8E0]  }
0x41: {  	v32 =	vld [tilespmem:$0x960]  }
0x42: {  	v26 =	vld [tilespmem:$0x9E0]  }
0x43: {  	v20 =	vld [tilespmem:$0xA60]  }
0x44: {  	v31 =	vld [tilespmem:$0xB60]  }
0x45: {  	v41 =	vld [tilespmem:$0xBE0]  }
0x46: {  	v62 =	vld [tilespmem:$0xC60]  }
0x47: {  	v4 =	vld [tilespmem:$0xCE0]  }
0x48: {  	v5 =	vld [tilespmem:$0xD60]  }
0x49: {  	v9 =	vld [tilespmem:$0xDE0]  }
0x4a: {  	v11 =	vld [tilespmem:$0xE60]  }
0x4b: {  	v13 =	vld [tilespmem:$0xEE0]  }
0x4c: {  	v17 =	vld [tilespmem:$0xF60]  }
0x4d: {  	v22 =	vld [tilespmem:$0xFE0]  }
0x4e: {  	v25 =	vld [tilespmem:$0x250]  }
0x4f: {  	v40 =	vld [tilespmem:$0x6D0]  }
0x50: {  	v45 =	vld [tilespmem:$0x750]  }
0x51: {  	[tilespmem:$0x1FEA0] =	vst v50;
	v50 =	vld [tilespmem:$0x660]  }
0x52: {  	[tilespmem:$0x1FEB0] =	vst v52;
	v52 =	vld [tilespmem:$0x6E0]  }
0x53: {  	[tilespmem:$0x1FEC0] =	vst v53;
	v53 =	vld [tilespmem:$0x760]  }
0x54: {  	[tilespmem:$0x1FF20] =	vst v59;
	v59 =	vld [tilespmem:$0xAE0]  }
0x55: {  	[tilespmem:$0x1FF60] =	vst v13;
	v13 =	vld [tilespmem:$0x50]  }
0x56: {  	[tilespmem:$0x1FF80] =	vst v22;
	v22 =	vld [tilespmem:$0xD0]  }
0x57: {  	[tilespmem:$0x1FEE0] =	vst v55;
	v55 =	vld [tilespmem:$0x150]  }
0x58: {  	[tilespmem:$0x1FF00] =	vst v57;
	v57 =	vld [tilespmem:$0x1D0]  }
0x59: {  	[tilespmem:$0x1FF50] =	vst v11;
	v11 =	vld [tilespmem:$0x2D0]  }
0x5a: {  	[tilespmem:$0x1FE90] =	vst v0;
	v0 =	vld [tilespmem:$0x350]  }
0x5b: {  	[tilespmem:$0x1FF70] =	vst v17;
	v17 =	vld [tilespmem:$0x3D0]  }
0x5c: {  	[tilespmem:$0x1FEF0] =	vst v4;
	v4 =	vld [tilespmem:$0x450]  }
0x5d: {  	[tilespmem:$0x1FF10] =	vst v5;
	v5 =	vld [tilespmem:$0x4D0]  }
0x5e: {  	[tilespmem:$0x1FED0] =	vst v62;
	v62 =	vld [tilespmem:$0x550]  }
0x5f: {  	[tilespmem:$0x1FF40] =	vst v60;
	v60 =	vld [tilespmem:$0x5D0];
	vm12 =	vlt.s32 v33, v36  }
0x60: {  	[tilespmem:$0x1FF30] =	vst v9;
	vm0 =	vlt.s32 v1, v2;
	v9 =	vld [tilespmem:$0x650];
	v36 =	vsel vm12, v33, v36  }
0x61: {  	v1 =	vsel vm0, v1, v2;
	v33 =	vld [tilespmem:$0x850];
	vm14 =	vlt.s32 v36, v38  }
0x62: {  	vm0 =	vlt.s32 v1, v3;
	v2 =	vsel vm14, v36, v38;
	v38 =	vld [tilespmem:$0x950]  }
0x63: {  	v1 =	vsel vm0, v1, v3;
	v36 =	vld [tilespmem:$0x9D0]  }
0x64: {  	v3 =	vld [tilespmem:$0x140];
	vm0 =	vlt.s32 v1, v14;
	vm4 =	vlt.s32 v2, v15  }
0x65: {  	v1 =	vsel vm0, v1, v14;
	v2 =	vsel vm4, v2, v15;
	v15 =	vld [tilespmem:$0xA50]  }
0x66: {  	v14 =	vld [tilespmem:$0xCD0];
	vm0 =	vlt.s32 v1, v21  }
0x67: {  	vm6 =	vlt.s32 v2, v16;
	v1 =	vsel vm0, v1, v21;
	v21 =	vld [tilespmem:$0x7D0]  }
0x68: {  	v2 =	vsel vm6, v2, v16;
	v16 =	vld [tilespmem:$0xBD0];
	vm13 =	vlt.s32 v1, v24  }
0x69: {  	vm8 =	vlt.s32 v2, v8;
	v1 =	vsel vm13, v1, v24;
	v24 =	vld [tilespmem:$0x8D0]  }
0x6a: {  	v2 =	vsel vm8, v2, v8;
	v8 =	vld [tilespmem:$0xC50];
	vm15 =	vlt.s32 v1, v28  }
0x6b: {  	[tilespmem:$0x1FF90] =	vst v14;
	v14 =	vld [tilespmem:$0xFD0];
	v1 =	vsel vm15, v1, v28  }
0x6c: {  	vm10 =	vlt.s32 v2, v10;
	v28 =	vld [tilespmem:$0xB50];
	vm5 =	vlt.s32 v1, v30  }
0x6d: {  	v2 =	vsel vm10, v2, v10;
	v10 =	vld [tilespmem:$0xF50];
	v1 =	vsel vm5, v1, v30  }
0x6e: {  	vm12 =	vlt.s32 v2, v18;
	v30 =	vld [tilespmem:$0xAD0];
	vm7 =	vlt.s32 v1, v54  }
0x6f: {  	v2 =	vsel vm12, v2, v18;
	v1 =	vsel vm7, v1, v54;
	v54 =	vld [tilespmem:$0xD50]  }
0x70: {  	vm14 =	vlt.s32 v2, v47;
	[tilespmem:$0x1FFF0] =	vst v14;
	v14 =	vld [tilespmem:$0x1C0]  }
0x71: {  	v2 =	vsel vm14, v2, v47;
	v47 =	vld [tilespmem:$0x1FE90];
	vm9 =	vlt.s32 v1, v56  }
0x72: {  	vm4 =	vlt.s32 v2, v19;
	v1 =	vsel vm9, v1, v56;
	v56 =	vld [tilespmem:$0xDD0]  }
0x73: {  	v18 =	vsel vm4, v2, v19;
	v2 =	vld [tilespmem:$0x40];
	vm11 =	vlt.s32 v1, v58  }
0x74: {  	vm6 =	vlt.s32 v18, v48;
	v1 =	vsel vm11, v1, v58;
	v58 =	vld [tilespmem:$0xE50]  }
0x75: {  	v19 =	vsel vm6, v18, v48;
	v48 =	vld [tilespmem:$0x1FEA0]  }
0x76: {  	v18 =	vld [tilespmem:$0x130]  }
0x77: {  	[tilespmem:$0x1FFA0] =	vst v54;
	vm13 =	vlt.s32 v1, v61;
	v54 =	vld [tilespmem:$0x4C0]  }
0x78: {  	vm8 =	vlt.s32 v19, v12;
	v1 =	vsel vm13, v1, v61;
	v61 =	vld [tilespmem:$0xED0]  }
0x79: {  	[tilespmem:$0x1FFE0] =	vst v10;
	v10 =	vsel vm8, v19, v12;
	v19 =	vld [tilespmem:$0xFC0]  }
0x7a: {  	[tilespmem:$0x1FFB0] =	vst v56;
	vm15 =	vlt.s32 v1, v63;
	vm10 =	vlt.s32 v10, v50;
	v56 =	vld [tilespmem:$0x440]  }
0x7b: {  	v1 =	vsel vm15, v1, v63;
	v63 =	vld [tilespmem:$0x2C0];
	v10 =	vsel vm10, v10, v50  }
0x7c: {  	[tilespmem:$0x1FFC0] =	vst v58;
	vm5 =	vlt.s32 v1, v7;
	vm12 =	vlt.s32 v10, v52;
	v58 =	vld [tilespmem:$0x3C0]  }
0x7d: {  	v7 =	vsel vm5, v1, v7;
	v1 =	vld [tilespmem:$0xC0];
	v10 =	vsel vm12, v10, v52  }
0x7e: {  	v52 =	vld [tilespmem:$0x1FEB0];
	vm14 =	vlt.s32 v10, v53  }
0x7f: {  	[tilespmem:$0x1FFD0] =	vst v61;
	vm7 =	vlt.s32 v7, v6;
	v61 =	vld [tilespmem:$0x340];
	v10 =	vsel vm14, v10, v53  }
0x80: {  	v7 =	vsel vm7, v7, v6;
	v6 =	vld [tilespmem:$0x240];
	vm4 =	vlt.s32 v10, v37  }
0x81: {  	vm1 =	vlt.s32 v13, v22;
	vm9 =	vlt.s32 v7, v46;
	v10 =	vsel vm4, v10, v37;
	v37 =	vld [tilespmem:$0x840]  }
0x82: {  	v7 =	vsel vm9, v7, v46;
	v46 =	vsel vm1, v13, v22;
	v22 =	vld [tilespmem:$0xDC0]  }
0x83: {  	v13 =	vld [tilespmem:$0xE40];
	vm1 =	vlt.s32 v46, v55  }
0x84: {  	vm11 =	vlt.s32 v7, v44;
	v12 =	vsel vm1, v46, v55;
	v46 =	vld [tilespmem:$0x640]  }
0x85: {  	vm6 =	vlt.s32 v10, v29;
	v7 =	vsel vm11, v7, v44;
	v44 =	vld [tilespmem:$0x6C0]  }
0x86: {  	v10 =	vsel vm6, v10, v29;
	v29 =	vld [tilespmem:$0x9C0]  }
0x87: {  	v55 =	vld [tilespmem:$0x1FEC0];
	vm13 =	vlt.s32 v7, v51  }
0x88: {  	vm8 =	vlt.s32 v10, v23;
	v7 =	vsel vm13, v7, v51;
	v51 =	vld [tilespmem:$0x540]  }
0x89: {  	vm1 =	vlt.s32 v12, v57;
	v10 =	vsel vm8, v10, v23;
	v23 =	vld [tilespmem:$0xAC0]  }
0x8a: {  	v12 =	vsel vm1, v12, v57;
	v57 =	vld [tilespmem:$0x1FED0];
	vm15 =	vlt.s32 v7, v49  }
0x8b: {  	vm10 =	vlt.s32 v10, v32;
	v7 =	vsel vm15, v7, v49;
	v49 =	vld [tilespmem:$0x5C0]  }
0x8c: {  	vm1 =	vlt.s32 v12, v25;
	v10 =	vsel vm10, v10, v32;
	v32 =	vld [tilespmem:$0x940]  }
0x8d: {  	v12 =	vsel vm1, v12, v25;
	v25 =	vld [tilespmem:$0x1FF20];
	vm5 =	vlt.s32 v7, v42  }
0x8e: {  	vm12 =	vlt.s32 v10, v26;
	v7 =	vsel vm5, v7, v42;
	v42 =	vld [tilespmem:$0x740]  }
0x8f: {  	vm1 =	vlt.s32 v12, v11;
	v10 =	vsel vm12, v10, v26;
	v26 =	vld [tilespmem:$0xA40]  }
0x90: {  	v11 =	vsel vm1, v12, v11;
	v12 =	vld [tilespmem:$0xCC0];
	vm7 =	vlt.s32 v7, v39  }
0x91: {  	vm14 =	vlt.s32 v10, v20;
	v7 =	vsel vm7, v7, v39;
	v39 =	vld [tilespmem:$0x7C0]  }
0x92: {  	vm1 =	vlt.s32 v11, v0;
	v10 =	vsel vm14, v10, v20;
	v20 =	vld [tilespmem:$0xB40]  }
0x93: {  	v0 =	vsel vm1, v11, v0;
	v11 =	vld [tilespmem:$0xEC0];
	vm9 =	vlt.s32 v7, v34  }
0x94: {  	vm1 =	vlt.s32 v0, v17;
	vm4 =	vlt.s32 v10, v59;
	v7 =	vsel vm9, v7, v34;
	v34 =	vld [tilespmem:$0x8C0]  }
0x95: {  	v0 =	vsel vm1, v0, v17;
	v17 =	vld [tilespmem:$0xBC0];
	v10 =	vsel vm4, v10, v59  }
0x96: {  	v59 =	vld [tilespmem:$0xC40];
	vm6 =	vlt.s32 v10, v31  }
0x97: {  	vm11 =	vlt.s32 v7, v35;
	vm1 =	vlt.s32 v0, v4;
	v50 =	vsel vm6, v10, v31;
	v31 =	vld [tilespmem:$0x1FF00]  }
0x98: {  	v7 =	vsel vm11, v7, v35;
	v0 =	vsel vm1, v0, v4;
	v35 =	vld [tilespmem:$0x1FF10]  }
0x99: {  	v10 =	vld [tilespmem:$0xB0];
	vm1 =	vlt.s32 v0, v5  }
0x9a: {  	vm8 =	vlt.s32 v50, v41;
	v0 =	vsel vm1, v0, v5;
	v5 =	vld [tilespmem:$0xF40]  }
0x9b: {  	vm13 =	vlt.s32 v7, v43;
	v53 =	vsel vm8, v50, v41;
	v41 =	vld [tilespmem:$0x1FF30]  }
0x9c: {  	v7 =	vsel vm13, v7, v43;
	v43 =	vld [tilespmem:$0x1FF40]  }
0x9d: {  	v50 =	vld [tilespmem:$0x630];
	vm15 =	vlt.s32 v7, v47;
	vm1 =	vlt.s32 v0, v62  }
0x9e: {  	v7 =	vsel vm15, v7, v47;
	v47 =	vld [tilespmem:$0xD40];
	v0 =	vsel vm1, v0, v62  }
0x9f: {  	v62 =	vld [tilespmem:$0x1FEF0];
	vm1 =	vlt.s32 v0, v60  }
0xa0: {  	vm10 =	vlt.s32 v53, v57;
	vm5 =	vlt.s32 v7, v48;
	v0 =	vsel vm1, v0, v60;
	v60 =	vld [tilespmem:$0x1FEE0]  }
0xa1: {  	v4 =	vsel vm5, v7, v48;
	v7 =	vsel vm10, v53, v57;
	v53 =	vld [tilespmem:$0x1FF60]  }
0xa2: {  	v57 =	vld [tilespmem:$0x430];
	vm7 =	vlt.s32 v4, v52;
	vm1 =	vlt.s32 v0, v9  }
0xa3: {  	v4 =	vsel vm7, v4, v52;
	v0 =	vsel vm1, v0, v9;
	v9 =	vld [tilespmem:$0x30];
	vm7 =	vlt.s32 v2, v1  }
0xa4: {  	v52 =	vld [tilespmem:$0x1FF50];
	vm9 =	vlt.s32 v4, v55;
	vm12 =	vlt.s32 v7, v62;
	vm1 =	vlt.s32 v0, v40  }
0xa5: {  	v1 =	vsel vm7, v2, v1;
	v4 =	vsel vm9, v4, v55;
	v0 =	vsel vm1, v0, v40;
	v40 =	vld [tilespmem:$0x3B0]  }
0xa6: {  	v7 =	vsel vm12, v7, v62;
	vm10 =	vlt.s32 v1, v3;
	v62 =	vld [tilespmem:$0x4B0];
	vm1 =	vlt.s32 v0, v45  }
0xa7: {  	vm11 =	vlt.s32 v4, v60;
	v1 =	vsel vm10, v1, v3;
	v0 =	vsel vm1, v0, v45;
	v45 =	vld [tilespmem:$0x230]  }
0xa8: {  	v4 =	vsel vm11, v4, v60;
	v60 =	vld [tilespmem:$0x1FF70];
	vm12 =	vlt.s32 v1, v14  }
0xa9: {  	vm14 =	vlt.s32 v7, v35;
	vm1 =	vlt.s32 v0, v21;
	v1 =	vsel vm12, v1, v14;
	v14 =	vld [tilespmem:$0x5B0]  }
0xaa: {  	v7 =	vsel vm14, v7, v35;
	vm13 =	vlt.s32 v4, v31;
	v0 =	vsel vm1, v0, v21;
	v21 =	vld [tilespmem:$0x330]  }
0xab: {  	vm4 =	vlt.s32 v7, v41;
	v4 =	vsel vm13, v4, v31;
	v31 =	vld [tilespmem:$0xEB0]  }
0xac: {  	v7 =	vsel vm4, v7, v41;
	vm14 =	vlt.s32 v1, v6;
	v41 =	vld [tilespmem:$0x220]  }
0xad: {  	vm15 =	vlt.s32 v4, v25;
	v1 =	vsel vm14, v1, v6;
	v6 =	vld [tilespmem:$0xBB0]  }
0xae: {  	vm9 =	vlt.s32 v0, v33;
	v4 =	vsel vm15, v4, v25;
	v25 =	vld [tilespmem:$0x1B0]  }
0xaf: {  	vm6 =	vlt.s32 v7, v52;
	v0 =	vsel vm9, v0, v33;
	v33 =	vld [tilespmem:$0x1FF80]  }
0xb0: {  	v7 =	vsel vm6, v7, v52;
	v52 =	vld [tilespmem:$0x6B0];
	vm5 =	vlt.s32 v4, v43  }
0xb1: {  	vm11 =	vlt.s32 v0, v24;
	v35 =	vsel vm5, v4, v43;
	v4 =	vld [tilespmem:$0x2B0]  }
0xb2: {  	vm8 =	vlt.s32 v7, v53;
	v0 =	vsel vm11, v0, v24;
	v24 =	vld [tilespmem:$0x530]  }
0xb3: {  	vm4 =	vlt.s32 v9, v10;
	v55 =	vsel vm8, v7, v53;
	vm5 =	vlt.s32 v1, v63;
	v53 =	vld [tilespmem:$0x7B0]  }
0xb4: {  	vm1 =	vlt.s32 v55, v60;
	vm13 =	vlt.s32 v0, v38;
	v1 =	vsel vm5, v1, v63;
	v63 =	vld [tilespmem:$0x120]  }
0xb5: {  	v2 =	vsel vm1, v55, v60;
	v0 =	vsel vm13, v0, v38;
	v38 =	vsel vm4, v9, v10;
	v10 =	vld [tilespmem:$0x730]  }
0xb6: {  	vm8 =	vlt.s32 v1, v61;
	v55 =	vld [tilespmem:$0x9B0];
	vm1 =	vlt.s32 v2, v33  }
0xb7: {  	v9 =	vld [tilespmem:$0xB30];
	vm15 =	vlt.s32 v0, v36;
	vm7 =	vlt.s32 v38, v18;
	v1 =	vsel vm8, v1, v61  }
0xb8: {  	v60 =	vld [tilespmem:$0x20];
	v48 =	vsel vm1, v2, v33;
	v0 =	vsel vm15, v0, v36;
	v2 =	vsel vm7, v38, v18  }
0xb9: {  	v61 =	vld [tilespmem:$0x1FFC0];
	vm11 =	vlt.s32 v1, v58;
	vm6 =	vlt.s32 v0, v15;
	vm10 =	vlt.s32 v2, v25  }
0xba: {  	v18 =	vld [tilespmem:$0x8B0];
	v1 =	vsel vm11, v1, v58;
	v0 =	vsel vm6, v0, v15;
	v2 =	vsel vm10, v2, v25  }
0xbb: {  	v38 =	vld [tilespmem:$0xD30];
	vm14 =	vlt.s32 v1, v56;
	vm9 =	vlt.s32 v0, v30;
	vm13 =	vlt.s32 v2, v45  }
0xbc: {  	v33 =	vld [tilespmem:$0xE30];
	v1 =	vsel vm14, v1, v56;
	v56 =	vperm.xlane v35, v27;
	v45 =	vsel vm13, v2, v45  }
0xbd: {  	v58 =	vld [tilespmem:$0x1FFB0];
	v0 =	vsel vm9, v0, v30;
	vm5 =	vlt.s32 v1, v54;
	vm4 =	vlt.s32 v45, v4  }
0xbe: {  	v15 =	vld [tilespmem:$0x830];
	vm12 =	vlt.s32 v0, v28;
	v1 =	vsel vm5, v1, v54;
	v4 =	vsel vm4, v45, v4  }
0xbf: {  	v25 =	vld [tilespmem:$0x930];
	v43 =	vsel vm12, v0, v28;
	vm8 =	vlt.s32 v1, v51;
	vm7 =	vlt.s32 v4, v21  }
0xc0: {  	v28 =	vld [tilespmem:$0x1FF90];
	vm15 =	vlt.s32 v43, v16;
	v1 =	vsel vm8, v1, v51;
	v54 =	vsel vm7, v4, v21  }
0xc1: {  	v35 =	vld [tilespmem:$0xDB0];
	v3 =	vsel vm15, v43, v16;
	vm11 =	vlt.s32 v1, v49;
	vm9 =	vlt.s32 v54, v40  }
0xc2: {  	v2 =	vld [tilespmem:$0xA30];
	v21 =	vsub.s32 $0x80000000, v56;
	v1 =	vsel vm11, v1, v49;
	v16 =	vsel vm9, v54, v40  }
0xc3: {  	v30 =	vld [tilespmem:$0xF30];
	vm6 =	vlt.s32 v3, v8;
	vm13 =	vlt.s32 v1, v46;
	vm12 =	vlt.s32 v16, v57  }
0xc4: {  	(xrf0) =	vmax.scan.msk.u32 $0xffff, v21;
	v8 =	vsel vm6, v3, v8;
	v1 =	vsel vm13, v1, v46;
	v7 =	vsel vm12, v16, v57;
	v57 =	vld [tilespmem:$0x1FFA0]  }
0xc5: {  	v0 =	vld [tilespmem:$0xAB0];
	vm10 =	vlt.s32 v8, v28;
	vm4 =	vlt.s32 v1, v44;
	vm15 =	vlt.s32 v7, v62  }
0xc6: {  	v45 =	vld [tilespmem:$0x80];
	v46 =	vperm.xlane v48, v27;
	v1 =	vsel vm4, v1, v44;
	v7 =	vsel vm15, v7, v62  }
0xc7: {  	v4 =	vld [tilespmem:$0xC30];
	v8 =	vsel vm10, v8, v28;
	vm7 =	vlt.s32 v1, v42;
	vm6 =	vlt.s32 v7, v24  }
0xc8: {  	v43 =	vld [tilespmem:$0x880];
	v48 =	vsub.s32 $0x80000000, v46;
	v1 =	vsel vm7, v1, v42;
	v7 =	vsel vm6, v7, v24  }
0xc9: {  	v21 =	vld [tilespmem:$0x1FFD0];
	vm10 =	vlt.s32 v1, v39;
	vm14 =	vlt.s32 v8, v57;
	vm9 =	vlt.s32 v7, v14  }
0xca: {  	v49 =	vld [tilespmem:$0x1FFE0];
	v36, _, _ =	vpop (xrf0);
	v1 =	vsel vm10, v1, v39;
	v8 =	vsel vm14, v8, v57;
	v7 =	vsel vm9, v7, v14  }
0xcb: {  	v3 =	vld [tilespmem:$0xCB0];
	vm13 =	vlt.s32 v1, v37;
	v14 =	vxor.u32 $0x7FFFFFFF, v36;
	vm5 =	vlt.s32 v8, v58  }
0xcc: {  	v40 =	vld [tilespmem:$0x2A0];
	vm12 =	vlt.s32 v7, v50;
	v1 =	vsel vm13, v1, v37;
	v14 =	vadd.s32 $0x1, v14  }
0xcd: {  	v16 =	vld [tilespmem:$0xFB0];
	v8 =	vsel vm5, v8, v58;
	v7 =	vsel vm12, v7, v50;
	vm1 =	vlt.s32 v1, v34  }
0xce: {  	v28 =	vld [tilespmem:$0x620];
	v14 =	vperm.xlane v14, v27;
	vm8 =	vlt.s32 v8, v61;
	vm0 =	vlt.s32 v7, v52  }
0xcf: {  	v46 =	vld [tilespmem:$0x6A0];
	v1 =	vsel vm1, v1, v34;
	v8 =	vsel vm8, v8, v61;
	v7 =	vsel vm0, v7, v52  }
0xd0: {  	v50 =	vld [tilespmem:$0x1FFF0];
	vm1 =	vlt.s32 v1, v32;
	vm5 =	vlt.s32 v14, $0x4E200;
	vm0 =	vlt.s32 v7, v10  }
0xd1: {  	v44 =	vld [tilespmem:$0x210];
	vm11 =	vlt.s32 v8, v21;
	v1 =	vsel vm1, v1, v32;
	v7 =	vsel vm0, v7, v10  }
0xd2: {  	v62 =	vld [tilespmem:$0xA0];
	v8 =	vsel vm11, v8, v21;
	vm15 =	vlt.s32 v1, v29;
	vm0 =	vlt.s32 v7, v53  }
0xd3: {  	(xrf0) =	vmax.scan.msk.u32 $0xffff, v48;
	v48 =	vld [tilespmem:$0x100];
	vm14 =	vlt.s32 v8, v49;
	v1 =	vsel vm15, v1, v29;
	v7 =	vsel vm0, v7, v53  }
0xd4: {  	v42 =	vld [tilespmem:$0x1A0];
	v8 =	vsel vm14, v8, v49;
	vm2 =	vlt.s32 v1, v26;
	vm4 =	vlt.s32 v7, v15  }
0xd5: {  	v24 =	vld [tilespmem:$0x720];
	vm6 =	vlt.s32 v8, v50;
	v1 =	vsel vm2, v1, v26;
	v7 =	vsel vm4, v7, v15  }
0xd6: {  	v39 =	vld [tilespmem:$0x320];
	v8 =	vsel vm6, v8, v50;
	vm8 =	vlt.s32 v1, v23;
	vm7 =	vlt.s32 v7, v18  }
0xd7: {  	v36 =	vld [tilespmem:$0x420];
	v8 =	vperm.xlane v8, v27;
	v51 =	vsel vm8, v1, v23;
	v7 =	vsel vm7, v7, v18  }
0xd8: {  	v37 =	vld [tilespmem:$0x3A0];
	v1 =	vnsel vm5, $0x4E200, v14;
	vm10 =	vlt.s32 v51, v20;
	vm9 =	vlt.s32 v7, v25  }
0xd9: {  	v34 =	vld [tilespmem:$0x4A0];
	v52, _, _ =	vpop (xrf0);
	v8 =	vsub.s32 $0x80000000, v8;
	v10 =	vsel vm10, v51, v20;
	v7 =	vsel vm9, v7, v25  }
0xda: {  	v61 =	vld [tilespmem:$0x110];
	v14 =	vxor.u32 $0x7FFFFFFF, v52;
	(xrf0) =	vmax.scan.msk.u32 $0xffff, v8;
	vm1 =	vlt.s32 v10, v17;
	vm0 =	vlt.s32 v7, v55  }
0xdb: {  	v32 =	vld [tilespmem:$0x520];
	v53 =	vadd.s32 $0x1, v14;
	v54 =	vsel vm1, v10, v17;
	v7 =	vsel vm0, v7, v55  }
0xdc: {  	v21 =	vld [tilespmem:$0x820];
	v8 =	vperm.xlane v53, v27;
	vm1 =	vlt.s32 v54, v59;
	vm0 =	vlt.s32 v7, v2  }
0xdd: {  	v29 =	vld [tilespmem:$0x5A0];
	v55 =	vbroadcast v1, $0x0;
	v14 =	vsel vm1, v54, v59;
	v2 =	vsel vm0, v7, v2  }
0xde: {  	v49 =	vld [tilespmem:$0x310];
	vm8 =	vlt.s32 v60, v62;
	vm1 =	vlt.s32 v14, v12;
	vm0 =	vlt.s32 v2, v0  }
0xdf: {  	v26 =	vld [tilespmem:$0x7A0];
	vm11 =	vlt.s32 v8, v55;
	v25 =	vsel vm1, v14, v12;
	v0 =	vsel vm0, v2, v0  }
0xe0: {  	v15 =	vld [tilespmem:$0xAA0];
	v2 =	vsel vm11, v8, v55;
	v56, _, _ =	vpop (xrf0);
	vm13 =	vlt.s32 v25, v47;
	vm12 =	vlt.s32 v0, v9  }
0xe1: {  	v50 =	vld [tilespmem:$0x180];
	v8 =	vxor.u32 $0x7FFFFFFF, v56;
	v57 =	vsel vm13, v25, v47;
	v0 =	vsel vm12, v0, v9  }
0xe2: {  	v23 =	vld [tilespmem:$0xCA0];
	v58 =	vbroadcast v2, $0x0;
	vm15 =	vlt.s32 v57, v22;
	vm14 =	vlt.s32 v0, v6  }
0xe3: {  	v52 =	vld [tilespmem:$0x200];
	v8 =	vadd.s32 $0x1, v8;
	v22 =	vsel vm15, v57, v22;
	v6 =	vsel vm14, v0, v6  }
0xe4: {  	v18 =	vld [tilespmem:$0x920];
	v25 =	vperm.xlane v8, v27;
	vm1 =	vlt.s32 v22, v13;
	vm0 =	vlt.s32 v6, v4  }
0xe5: {  	v60 =	vsel vm8, v60, v62;
	v20 =	vld [tilespmem:$0x8A0];
	v13 =	vsel vm1, v22, v13;
	v4 =	vsel vm0, v6, v4  }
0xe6: {  	v59 =	vld [tilespmem:$0x10];
	vm4 =	vlt.s32 v25, v58;
	vm5 =	vlt.s32 v13, v11;
	vm0 =	vlt.s32 v4, v3  }
0xe7: {  	v13 =	vsel vm5, v13, v11;
	v4 =	vsel vm0, v4, v3;
	v3 =	vsel vm4, v25, v58;
	v25 =	vld [tilespmem:$0x90]  }
0xe8: {  	v51 =	vld [tilespmem:$0x390];
	vm11 =	vlt.s32 v60, v63;
	vm7 =	vlt.s32 v13, v5;
	vm6 =	vlt.s32 v4, v38  }
0xe9: {  	v53 =	vld [tilespmem:$0x410];
	v62 =	vsel vm11, v60, v63;
	v13 =	vsel vm7, v13, v5;
	v4 =	vsel vm6, v4, v38  }
0xea: {  	v10 =	vld [tilespmem:$0x9A0];
	vm13 =	vlt.s32 v62, v42;
	vm10 =	vlt.s32 v13, v19;
	vm9 =	vlt.s32 v4, v35  }
0xeb: {  	v17 =	vld [tilespmem:$0xA20];
	v35 =	vsel vm9, v4, v35;
	v4 =	vsel vm10, v13, v19;
	v13 =	vsel vm13, v62, v42  }
0xec: {  	v63 =	vld [tilespmem:$0x190];
	vm12 =	vlt.s32 v35, v33;
	vm14 =	vlt.s32 v59, v25;
	vm4 =	vlt.s32 v13, v41  }
0xed: {  	v54 =	vld [tilespmem:$0x280];
	v4 =	vperm.xlane v4, v27;
	v33 =	vsel vm12, v35, v33;
	v22 =	vsel vm14, v59, v25  }
0xee: {  	v25 =	vld [tilespmem:$0x0];
	v13 =	vsel vm4, v13, v41;
	vm15 =	vlt.s32 v33, v31;
	vm1 =	vlt.s32 v22, v61  }
0xef: {  	v7 =	vld [tilespmem:$0xB20];
	vm6 =	vlt.s32 v13, v40;
	v4 =	vsub.s32 $0x80000000, v4;
	v31 =	vsel vm15, v33, v31  }
0xf0: {  	v47 =	vld [tilespmem:$0x290];
	v22 =	vsel vm1, v22, v61;
	v13 =	vsel vm6, v13, v40;
	vm5 =	vlt.s32 v31, v30  }
0xf1: {  	v14 =	vld [tilespmem:$0xBA0];
	vm1 =	vlt.s32 v22, v63;
	vm8 =	vlt.s32 v13, v39;
	v30 =	vsel vm5, v31, v30  }
0xf2: {  	v12 =	vld [tilespmem:$0xC20];
	v19 =	vsel vm1, v22, v63;
	v13 =	vsel vm8, v13, v39;
	vm7 =	vlt.s32 v30, v16  }
0xf3: {  	v55 =	vld [tilespmem:$0x490];
	vm1 =	vlt.s32 v19, v44;
	vm9 =	vlt.s32 v25, v45;
	vm10 =	vlt.s32 v13, v37  }
0xf4: {  	v56 =	vld [tilespmem:$0x300];
	v16 =	vsel vm7, v30, v16;
	v19 =	vsel vm1, v19, v44;
	v25 =	vsel vm9, v25, v45  }
0xf5: {  	v60 =	vld [tilespmem:$0x400];
	v13 =	vsel vm10, v13, v37;
	vm11 =	vlt.s32 v19, v47;
	vm12 =	vlt.s32 v25, v48  }
0xf6: {  	v9 =	vld [tilespmem:$0xE20];
	vm1 =	vlt.s32 v13, v36;
	v19 =	vsel vm11, v19, v47;
	v25 =	vsel vm12, v25, v48  }
0xf7: {  	v8 =	vld [tilespmem:$0xDA0];
	v13 =	vsel vm1, v13, v36;
	vm13 =	vlt.s32 v19, v49;
	vm14 =	vlt.s32 v25, v50  }
0xf8: {  	v57 =	vld [tilespmem:$0x510];
	vm1 =	vlt.s32 v13, v34;
	v19 =	vsel vm13, v19, v49;
	v25 =	vsel vm14, v25, v50  }
0xf9: {  	v0 =	vld [tilespmem:$0xD20];
	v13 =	vsel vm1, v13, v34;
	vm15 =	vlt.s32 v19, v51;
	vm4 =	vlt.s32 v25, v52  }
0xfa: {  	v58 =	vld [tilespmem:$0x380];
	vm1 =	vlt.s32 v13, v32;
	v19 =	vsel vm15, v19, v51;
	v25 =	vsel vm4, v25, v52  }
0xfb: {  	v6 =	vld [tilespmem:$0xEA0];
	v13 =	vsel vm1, v13, v32;
	vm5 =	vlt.s32 v19, v53;
	vm6 =	vlt.s32 v25, v54  }
0xfc: {  	v59 =	vld [tilespmem:$0x590];
	vm1 =	vlt.s32 v13, v29;
	v19 =	vsel vm5, v19, v53;
	v25 =	vsel vm6, v25, v54  }
0xfd: {  	v61 =	vld [tilespmem:$0x610];
	v13 =	vsel vm1, v13, v29;
	vm7 =	vlt.s32 v19, v55;
	vm8 =	vlt.s32 v25, v56  }
0xfe: {  	v29 =	vld [tilespmem:$0x480];
	vm1 =	vlt.s32 v13, v28;
	v19 =	vsel vm7, v19, v55;
	v25 =	vsel vm8, v25, v56  }
0xff: {  	v62 =	vld [tilespmem:$0x500];
	v13 =	vsel vm1, v13, v28;
	vm9 =	vlt.s32 v19, v57;
	vm10 =	vlt.s32 v25, v58  }
0x100: {  	v28 =	vld [tilespmem:$0x690];
	vm1 =	vlt.s32 v13, v46;
	v19 =	vsel vm9, v19, v57;
	v25 =	vsel vm10, v25, v58  }
0x101: {  	v33 =	vld [tilespmem:$0x580];
	v13 =	vsel vm1, v13, v46;
	vm11 =	vlt.s32 v19, v59;
	vm12 =	vlt.s32 v25, v60  }
0x102: {  	v63 =	vld [tilespmem:$0x710];
	vm1 =	vlt.s32 v13, v24;
	v19 =	vsel vm11, v19, v59;
	v25 =	vsel vm12, v25, v60  }
0x103: {  	v34 =	vld [tilespmem:$0x790];
	v13 =	vsel vm1, v13, v24;
	vm13 =	vlt.s32 v19, v61;
	vm14 =	vlt.s32 v25, v29  }
0x104: {  	vm1 =	vlt.s32 v13, v26;
	v19 =	vsel vm13, v19, v61;
	v24 =	vsel vm14, v25, v29;
	v25 =	vld [tilespmem:$0x600]  }
0x105: {  	v13 =	vsel vm1, v13, v26;
	v26 =	vld [tilespmem:$0x810];
	vm15 =	vlt.s32 v19, v28;
	vm4 =	vlt.s32 v24, v62  }
0x106: {  	vm1 =	vlt.s32 v13, v21;
	v19 =	vsel vm15, v19, v28;
	v24 =	vsel vm4, v24, v62;
	v28 =	vld [tilespmem:$0x680]  }
0x107: {  	v35 =	vld [tilespmem:$0x890];
	v13 =	vsel vm1, v13, v21;
	vm5 =	vlt.s32 v19, v63;
	vm6 =	vlt.s32 v24, v33  }
0x108: {  	v29 =	vld [tilespmem:$0x700];
	vm1 =	vlt.s32 v13, v20;
	v19 =	vsel vm5, v19, v63;
	v24 =	vsel vm6, v24, v33  }
0x109: {  	v11 =	vld [tilespmem:$0xF20];
	v13 =	vsel vm1, v13, v20;
	vm7 =	vlt.s32 v19, v34;
	vm8 =	vlt.s32 v24, v25  }
0x10a: {  	vm1 =	vlt.s32 v13, v18;
	v19 =	vsel vm7, v19, v34;
	v37 =	vsel vm8, v24, v25;
	v24 =	vld [tilespmem:$0x780]  }
0x10b: {  	v36 =	vld [tilespmem:$0x910];
	v13 =	vsel vm1, v13, v18;
	vm9 =	vlt.s32 v19, v26;
	vm10 =	vlt.s32 v37, v28  }
0x10c: {  	v25 =	vld [tilespmem:$0x800];
	vm1 =	vlt.s32 v13, v10;
	v38 =	vsel vm9, v19, v26;
	v22 =	vsel vm10, v37, v28  }
0x10d: {  	v39 =	vld [tilespmem:$0x990];
	v10 =	vsel vm1, v13, v10;
	vm11 =	vlt.s32 v38, v35;
	vm12 =	vlt.s32 v22, v29  }
0x10e: {  	v5 =	vld [tilespmem:$0xFA0];
	vm1 =	vlt.s32 v10, v17;
	v40 =	vsel vm11, v38, v35;
	v42 =	vsel vm12, v22, v29  }
0x10f: {  	v41 =	vld [tilespmem:$0xA10];
	v10 =	vsel vm1, v10, v17;
	v38 =	vperm.xlane v16, v27;
	vm14 =	vlt.s32 v42, v24  }
0x110: {  	v46 =	vld [tilespmem:$0x900];
	vm13 =	vlt.s32 v40, v36;
	vm1 =	vlt.s32 v10, v15;
	v45 =	vsel vm14, v42, v24  }
0x111: {  	v44 =	vld [tilespmem:$0xA90];
	v13 =	vsel vm13, v40, v36;
	v10 =	vsel vm1, v10, v15;
	vm4 =	vlt.s32 v45, v25  }
0x112: {  	(xrf0) =	vmax.scan.msk.u32 $0xffff, v4;
	v49 =	vld [tilespmem:$0x980];
	vm15 =	vlt.s32 v13, v39;
	vm1 =	vlt.s32 v10, v7;
	v48 =	vsel vm4, v45, v25  }
0x113: {  	v47 =	vld [tilespmem:$0xB10];
	v13 =	vsel vm15, v13, v39;
	v7 =	vsel vm1, v10, v7;
	vm6 =	vlt.s32 v48, v43  }
0x114: {  	v53 =	vld [tilespmem:$0xA00];
	vm5 =	vlt.s32 v13, v41;
	vm1 =	vlt.s32 v7, v14;
	v52 =	vsel vm6, v48, v43  }
0x115: {  	v51 =	vld [tilespmem:$0xB90];
	v50 =	vsel vm5, v13, v41;
	v7 =	vsel vm1, v7, v14;
	vm8 =	vlt.s32 v52, v46  }
0x116: {  	v56 =	vld [tilespmem:$0xA80];
	vm7 =	vlt.s32 v50, v44;
	vm1 =	vlt.s32 v7, v12;
	v55 =	vsel vm8, v52, v46  }
0x117: {  	v54 =	vld [tilespmem:$0xC10];
	v10 =	vsel vm7, v50, v44;
	v7 =	vsel vm1, v7, v12;
	vm10 =	vlt.s32 v55, v49  }
0x118: {  	v59 =	vld [tilespmem:$0xB00];
	v44, _, _ =	vpop (xrf0);
	vm9 =	vlt.s32 v10, v47;
	vm1 =	vlt.s32 v7, v23;
	v58 =	vsel vm10, v55, v49  }
0x119: {  	v57 =	vld [tilespmem:$0xC90];
	v45 =	vxor.u32 $0x7FFFFFFF, v44;
	v10 =	vsel vm9, v10, v47;
	vm12 =	vlt.s32 v58, v53  }
0x11a: {  	v61 =	vld [tilespmem:$0xB80];
	v7 =	vsel vm1, v7, v23;
	v47 =	vbroadcast v3, $0x0;
	v15 =	vsel vm12, v58, v53  }
0x11b: {  	v60 =	vld [tilespmem:$0xD10];
	vm11 =	vlt.s32 v10, v51;
	vm1 =	vlt.s32 v7, v0;
	vm14 =	vlt.s32 v15, v56  }
0x11c: {  	v21 =	vld [tilespmem:$0xC00];
	v10 =	vsel vm11, v10, v51;
	v0 =	vsel vm1, v7, v0;
	v20 =	vsel vm14, v15, v56  }
0x11d: {  	v30 =	vld [tilespmem:$0xC80];
	vm13 =	vlt.s32 v10, v54;
	vm1 =	vlt.s32 v0, v8;
	vm4 =	vlt.s32 v20, v59  }
0x11e: {  	v63 =	vld [tilespmem:$0xD90];
	v62 =	vsel vm13, v10, v54;
	v0 =	vsel vm1, v0, v8;
	v23 =	vsel vm4, v20, v59  }
0x11f: {  	v33 =	vld [tilespmem:$0xD00];
	vm15 =	vlt.s32 v62, v57;
	vm6 =	vlt.s32 v0, v9;
	vm7 =	vlt.s32 v23, v61  }
0x120: {  	v22 =	vld [tilespmem:$0xE10];
	v7 =	vsel vm15, v62, v57;
	v0 =	vsel vm6, v0, v9;
	v32 =	vsel vm7, v23, v61  }
0x121: {  	v31 =	vld [tilespmem:$0xE90];
	vm5 =	vlt.s32 v7, v60;
	vm10 =	vlt.s32 v0, v6;
	vm9 =	vlt.s32 v32, v21  }
0x122: {  	v35 =	vld [tilespmem:$0xD80];
	v7 =	vsel vm5, v7, v60;
	v0 =	vsel vm10, v0, v6;
	v9 =	vsel vm9, v32, v21  }
0x123: {  	v34 =	vld [tilespmem:$0xF10];
	v6 =	vadd.s32 $0x1, v45;
	vm8 =	vlt.s32 v7, v63;
	vm12 =	vlt.s32 v9, v30  }
0x124: {  	v40 =	vld [tilespmem:$0xE00];
	vm13 =	vlt.s32 v0, v11;
	v7 =	vsel vm8, v7, v63;
	v39 =	vsel vm12, v9, v30  }
0x125: {  	v37 =	vld [tilespmem:$0xF90];
	v0 =	vsel vm13, v0, v11;
	vm11 =	vlt.s32 v7, v22;
	vm15 =	vlt.s32 v39, v33  }
0x126: {  	v41 =	vld [tilespmem:$0xE80];
	vm4 =	vlt.s32 v0, v5;
	v36 =	vsel vm11, v7, v22;
	v8 =	vsel vm15, v39, v33  }
0x127: {  	v7 =	vsub.s32 $0x80000000, v38;
	vm14 =	vlt.s32 v36, v31;
	vm6 =	vlt.s32 v8, v35  }
0x128: {  	v43 =	vld [tilespmem:$0xF00];
	v0 =	vsel vm4, v0, v5;
	(xrf0) =	vmax.scan.msk.u32 $0xffff, v7;
	v4 =	vsel vm14, v36, v31;
	v42 =	vsel vm6, v8, v35  }
0x129: {  	v0 =	vperm.xlane v0, v27;
	vm5 =	vlt.s32 v4, v34;
	vm8 =	vlt.s32 v42, v40  }
0x12a: {  	v46 =	vld [tilespmem:$0xF80];
	v6 =	vperm.xlane v6, v27;
	v4 =	vsel vm5, v4, v34;
	v5 =	vsel vm8, v42, v40  }
0x12b: {  	v0 =	vsub.s32 $0x80000000, v0;
	vm7 =	vlt.s32 v4, v37;
	vm9 =	vlt.s32 v5, v41  }
0x12c: {  	(xrf0) =	vmax.scan.msk.u32 $0xffff, v0;
	v4 =	vsel vm7, v4, v37;
	v5 =	vsel vm9, v5, v41  }
0x12d: {  	vm10 =	vlt.s32 v6, v47;
	v4 =	vperm.xlane v4, v27;
	vm0 =	vlt.s32 v5, v43  }
0x12e: {  	v0 =	vsel vm10, v6, v47;
	v48, _, _ =	vpop (xrf0);
	v5 =	vsel vm0, v5, v43  }
0x12f: {  	v49 =	vxor.u32 $0x7FFFFFFF, v48;
	v4 =	vsub.s32 $0x80000000, v4;
	vm11 =	vlt.s32 v5, v46  }
0x130: {  	v52 =	vbroadcast v0, $0x0;
	v7 =	vadd.s32 $0x1, v49;
	(xrf0) =	vmax.scan.msk.u32 $0xffff, v4;
	v51 =	vsel vm11, v5, v46  }
0x131: {  	v50 =	vperm.xlane v7, v27;
	v4 =	vperm.xlane v51, v27  }
0x132: {  	v53, _, _ =	vpop (xrf0)  }
0x133: {  	v7 =	vxor.u32 $0x7FFFFFFF, v53;
	vm12 =	vlt.s32 v50, v52;
	v4 =	vsub.s32 $0x80000000, v4  }
0x134: {  	v54 =	vadd.s32 $0x1, v7;
	v5 =	vsel vm12, v50, v52;
	(xrf0) =	vmax.scan.msk.u32 $0xffff, v4  }
0x135: {  	v55 =	vperm.xlane v54, v27;
	v56 =	vbroadcast v5, $0x0  }
0x136: {  	v57, _, _ =	vpop (xrf0)  }
0x137: {  	vm13 =	vlt.s32 v55, v56;
	v7 =	vxor.u32 $0x7FFFFFFF, v57  }
0x138: {  	v4 =	vsel vm13, v55, v56;
	v58 =	vadd.s32 $0x1, v7  }
0x139: {  	v59 =	vbroadcast v4, $0x0;
	v6 =	vperm.xlane v58, v27  }
0x13a: {  	[tilespmem:$0x1070] =	vst v1;
	v60, _, _ =	vpop (xrf0)  }
0x13b: {  	[tilespmem:$0x1060] =	vst v2;
	vm14 =	vlt.s32 v6, v59;
	v1 =	vxor.u32 $0x7FFFFFFF, v60  }
0x13c: {  	[tilespmem:$0x1050] =	vst v3;
	v61 =	vsel vm14, v6, v59;
	v1 =	vadd.s32 $0x1, v1  }
0x13d: {  	[tilespmem:$0x1040] =	vst v0;
	v63 =	vbroadcast v61, $0x0;
	v62 =	vperm.xlane v1, v27  }
0x13e: {  	[tilespmem:$0x1030] =	vst v5  }
0x13f: {  	[tilespmem:$0x1020] =	vst v4;
	vm15 =	vlt.s32 v62, v63  }
0x140: {  	p0 =	sne.s32 s4, $0x1;
	[tilespmem:$0x1010] =	vst v61;
	v0 =	vsel vm15, v62, v63  }
.Ltmp1:
0x141: {  	[tilespmem:$0x1000] =	vst v0;
	(pc) =	sbr.rel @p0 .LBB2_2-.Ltmp1, $4  }
0x142: {  	[hbm4b:s3+s5] =	stream.linear.scatter [tilespmem:s7], [sflag:$0x1], $0x80, $0x38;
	[tilespmem:$0x1080] =	vst v63  }
0x143: {  	_ =	swait.ge [sflag:s6], $0x80  }
0x144: {  	[sflag:s6] =	ssyncset.done $0x0  }
0x145: {  	s4 =	sadd.s32 $0xFFFFFFFF, s4;
	[sflag:s6] =	ssyncadd.s32 $0xFFFFFF80  }
.LBB2_3:
0x146: {  	_ =	sfence.sel $0x180000  }
0x147: {  	[bflag:$0x0] =	sbarrier.arrive $0xFFFF  }
0x148: {  	p0 =	sne.s32 s0, $0x0;
	_ =	strace $0x9000004A  }
0x149: {  	s0 =	sadd.s32 @!p0 $0x100000, s1;
	[bflag:$0x2] =	sbarrier.arrive $0xFFFF  }
0x14a: {  	[sflag:s0] =	ssyncadd.tile.s32 @!p0 $0x1;
	_ =	shalt  }
.Lfunc_end2:
_tile_overlayer_lowered:
.L_overlay_start_2:
0x14b: {  	(tag) =	ssettag $0x2  }
0x14c: {  	s0 =	rddreg [dreg:$0x0];
	s2 =	stileid.u32  }
0x14d: {  	s1 =	rddreg [dreg:$0x1];
	p0 =	sne.s32 s2, $0x0  }
0x14e: {  	s3 =	rddreg [dreg:$0x2];
	[bflag:$0x3] =	sbarrier.arrive $0xFFFF;
	s2 =	simm.s32 @!p0 $0x1C01  }
0x14f: {  	[timem:s3], [sflag:s2] =	dma.local @!p0 [hbm:s0], s1  }
0x150: {  	s0 =	simm.s32 @!p0 $0x1  }
0x151: {  	_ =	swait.ge @!p0 [sflag:s0], s1  }
0x152: {  	s1 =	ssub.s32 @!p0 $0x0, s1;
	[sflag:s0] =	ssyncset.done @!p0 $0x0  }
0x153: {  	[sflag:s0] =	ssyncadd.s32 @!p0 s1  }
0x154: {  	[bflag:$0x3] =	sbarrier.arrive $0xFFFF  }
0x155: {  	_ =	shalt  }

</sc_bundles>
